<compile_context>
chip_gen: v7x
topology: tpu7x:2x2x1
jax: 0.10.2.dev20260603
libtpu: 0.0.44.dev20260713+nightly
codegen_flags: <defaults>
</compile_context>

<pallas_src>
import functools

import jax
import jax.numpy as jnp
from jax import lax
from jax.experimental import pallas as pl
from jax.experimental.pallas import tpu as pltpu
from jax.experimental.pallas import tpu_sc as plsc

V = 100000
D = 64
B = 1024
CTX = 20

NC = 2
NS = 16
L = 16
NW = NC * NS
BPW = B // NW
IPW = BPW * CTX
GCH = 128
NCHUNK = IPW // GCH


BT = 1024
GRID_T = (V + 2 * BT - 1) // (2 * BT)
VP = GRID_T * BT


def _tr_body(lo_ref, hi_ref, o_ref):
    o_ref[:, 0:D] = lo_ref[...].T
    o_ref[:, D:2 * D] = hi_ref[...].T


_repack = pl.pallas_call(
    _tr_body,
    grid=(GRID_T,),
    in_specs=[
        pl.BlockSpec((D, BT), lambda j: (0, 2 * j)),
        pl.BlockSpec((D, BT), lambda j: (0, 2 * j + 1)),
    ],
    out_specs=pl.BlockSpec((BT, 2 * D), lambda j: (j, 0)),
    out_shape=jax.ShapeDtypeStruct((VP, 2 * D), jnp.float32),
    compiler_params=pltpu.CompilerParams(
        dimension_semantics=("arbitrary",),
    ),
)



def _pool_body(idx_hbm, table_hbm, out_hbm, idx_v, pidx_v, rows_v, pooled_v, sem):
    wid = lax.axis_index("s") * NC + lax.axis_index("c")
    pltpu.sync_copy(idx_hbm.at[wid], idx_v.at[pl.ds(0, IPW)])
    for j in range(NCHUNK):
        for k in range(GCH // L):
            v = idx_v[pl.ds(j * GCH + k * L, L)]
            pidx_v[j, pl.ds(k * L, L)] = jax.lax.shift_left(
                jax.lax.shift_right_logical(v, 11), 10
            ) | (v & 1023)
    handles = []
    for j in range(NCHUNK):
        handles.append(
            pltpu.async_copy(
                table_hbm.at[pidx_v.at[j]],
                rows_v.at[pl.ds(j * GCH, GCH)],
                sem,
            )
        )
    for h in handles:
        h.wait()

    def body(i, carry):
        for dch in range(D // L):
            acc = jnp.zeros((L,), jnp.float32)
            for c in range(CTX):
                f = i * CTX + c
                v0 = idx_v[pl.ds(f, L)][0]
                half = jax.lax.shift_right_logical(v0, 10) & 1
                acc = acc + rows_v[f, pl.ds(half * D + dch * L, L)]
            pooled_v[i, pl.ds(dch * L, L)] = acc * (1.0 / CTX)
            pooled_v[i, pl.ds(D + dch * L, L)] = jnp.zeros((L,), jnp.float32)
        return carry

    lax.fori_loop(0, BPW, body, 0)
    pltpu.sync_copy(pooled_v, out_hbm.at[pl.ds(wid * BPW, BPW)])


@functools.lru_cache(maxsize=None)
def _make_pool():
    return pl.kernel(
        _pool_body,
        out_type=jax.ShapeDtypeStruct((B, 2 * D), jnp.float32),
        mesh=plsc.VectorSubcoreMesh(
            core_axis_name="c", subcore_axis_name="s", num_cores=NC, num_subcores=NS
        ),
        scratch_types=[
            pltpu.VMEM((IPW + L,), jnp.int32),
            pltpu.VMEM((NCHUNK, GCH), jnp.int32),
            pltpu.VMEM((IPW, 2 * D), jnp.float32),
            pltpu.VMEM((BPW, 2 * D), jnp.float32),
            pltpu.SemaphoreType.DMA,
        ],
        compiler_params=pltpu.CompilerParams(use_tc_tiling_on_sc=False),
    )



BNR = 2048
GRID_R = (V + BNR - 1) // BNR


def _mmT_body(w_ref, x_ref, o_ref):
    o_ref[...] = lax.dot_general(
        w_ref[...].astype(jnp.bfloat16),
        x_ref[...][:, 0:D].astype(jnp.bfloat16),
        (((0,), (1,)), ((), ())),
        preferred_element_type=jnp.float32,
    )


_mmT = pl.pallas_call(
    _mmT_body,
    grid=(GRID_R,),
    in_specs=[
        pl.BlockSpec((D, BNR), lambda j: (0, j)),
        pl.BlockSpec((B, 2 * D), lambda j: (0, 0)),
    ],
    out_specs=pl.BlockSpec((BNR, B), lambda j: (j, 0)),
    out_shape=jax.ShapeDtypeStruct((V, B), jnp.float32),
    compiler_params=pltpu.CompilerParams(
        dimension_semantics=("arbitrary",),
    ),
)


def kernel(inputs, emb_table, lin_w, lin_b):
    idx3 = inputs.reshape(NW, IPW)
    table_t = emb_table.T
    table_pairs = _repack(table_t, table_t)
    pooled = _make_pool()(idx3, table_pairs)
    out_t = _mmT(lin_w.T, pooled)
    out_t = lax.cond(
        jnp.any(lin_b != 0.0),
        lambda o: o + lin_b[:, None],
        lambda o: o,
        out_t,
    )
    return out_t.T

# --- scband reference (transcript-rebuilt; emitter-appended) ---
"""Pipeline reference for scband-word2-vec-cuda-41815801594526 (READ-ONLY COPY).

The authoritative reference and input builder live on the scoring server;
editing this copy changes nothing except your own understanding.
"""

import jax, jax.numpy as jnp
import numpy as np

VOCAB = 100000
DIM = 64
BATCH = 1024
CTX = 20

def setup_inputs(seed: int = 0) -> dict:
    key = jax.random.key(seed)
    k1, k2, k3 = jax.random.split(key, 3)
    inputs = jax.random.randint(k1, (BATCH, CTX), 0, VOCAB, dtype=jnp.int64 if jax.config.jax_enable_x64 else jnp.int32).astype(jnp.int32)
    emb_table = jax.random.normal(k2, (VOCAB, DIM), dtype=jnp.float32) * 0.02
    lin_w = jax.random.normal(k3, (VOCAB, DIM), dtype=jnp.float32) * 0.02  # torch Linear weight [out, in]
    lin_b = jnp.zeros((VOCAB,), dtype=jnp.float32)
    return {"inputs": inputs, "emb_table": emb_table, "lin_w": lin_w, "lin_b": lin_b}

def reference(inputs, emb_table, lin_w, lin_b):
    # embedding lookup (gather)
    embeds = jnp.take(emb_table, inputs, axis=0)           # [B, CTX, DIM]
    embeds_mean = jnp.mean(embeds, axis=1)                 # [B, DIM]
    out = embeds_mean @ lin_w.T + lin_b                    # [B, VOCAB]
    return out

if __name__ == "__main__":
    import jax
    _d = setup_inputs()
    print(jax.jit(kernel)(*tuple(_d.values())))

</pallas_src>

<mosaic_0001>
#map = affine_map<(d0, d1) -> (0, 0)>
module attributes {stable_mosaic.version = 14 : i64} {
  func.func @_pool_body(%arg0: i32, %arg1: i32, %arg2: memref<32x640xi32, #tpu.memory_space<hbm>>, %arg3: memref<50176x128xf32, #tpu.memory_space<hbm>>, %arg4: memref<1024x128xf32, #tpu.memory_space<hbm>>, %arg5: memref<656xi32, #tpu.memory_space<vmem>>, %arg6: memref<5x128xi32, #tpu.memory_space<vmem>>, %arg7: memref<640x128xf32, #tpu.memory_space<vmem>>, %arg8: memref<32x128xf32, #tpu.memory_space<vmem>>, %arg9: memref<!tpu.dma_semaphore, #tpu.memory_space<semaphore_mem>>) attributes {dimension_semantics = [#tpu.dimension_semantics<core_parallel>, #tpu.dimension_semantics<subcore_parallel>], iteration_bounds = array<i64: 2, 16>, scalar_prefetch = 0 : i64, scratch_operands = 5 : i64, tpu.core_type = #tpu.core_type<sc_vector_subcore>, window_params = [{transform_indices = #map}, {transform_indices = #map}, {transform_indices = #map}]} {
    %mul3A = arith.constant 2 : i32
    %mul3A_0 = arith.muli %arg1, %mul3A : i32
    %add3A = arith.addi %mul3A_0, %arg0 : i32
    "tpu.region"() ({
      %run_scoped3A = tpu.sem_alloc : memref<!tpu.dma_semaphore, #tpu.memory_space<semaphore_mem>>
      %dma_start3A_860 = arith.constant 0 : i32
      %dma_start3A_861 = tpu.memref_slice %arg5[%dma_start3A_860] : memref<656xi32, #tpu.memory_space<vmem>> -> memref<640xi32, #tpu.memory_space<vmem>>
      %dma_start3A_862 = arith.constant 0 : i32
      %dma_start3A_863 = tpu.memref_slice %arg2[%add3A, %dma_start3A_862] : memref<32x640xi32, #tpu.memory_space<hbm>> -> memref<1x640xi32, #tpu.memory_space<hbm>>
      %dma_start3A_864 = tpu.memref_squeeze %dma_start3A_863 : memref<1x640xi32, #tpu.memory_space<hbm>> -> memref<640xi32, #tpu.memory_space<hbm>>
      %dma_start3A_865 = arith.constant 0 : i32
      %dma_start3A_866 = tpu.memref_slice %arg5[%dma_start3A_865] : memref<656xi32, #tpu.memory_space<vmem>> -> memref<640xi32, #tpu.memory_space<vmem>>
      %dma_start3A_867 = arith.constant 0 : i32
      %dma_start3A_868 = tpu.memref_slice %arg2[%add3A, %dma_start3A_867] : memref<32x640xi32, #tpu.memory_space<hbm>> -> memref<1x640xi32, #tpu.memory_space<hbm>>
      %dma_start3A_869 = tpu.memref_squeeze %dma_start3A_868 : memref<1x640xi32, #tpu.memory_space<hbm>> -> memref<640xi32, #tpu.memory_space<hbm>>
      tpu.enqueue_dma source(%dma_start3A_869 : memref<640xi32, #tpu.memory_space<hbm>>) target(%dma_start3A_866 : memref<640xi32, #tpu.memory_space<vmem>>) target_semaphore(%run_scoped3A : memref<!tpu.dma_semaphore, #tpu.memory_space<semaphore_mem>>)
      %dma_wait3A_870 = arith.constant 0 : i32
      %dma_wait3A_871 = tpu.memref_slice %arg5[%dma_wait3A_870] : memref<656xi32, #tpu.memory_space<vmem>> -> memref<640xi32, #tpu.memory_space<vmem>>
      %dma_wait3A_872 = arith.constant 0 : i32
      %dma_wait3A_873 = tpu.memref_slice %arg2[%add3A, %dma_wait3A_872] : memref<32x640xi32, #tpu.memory_space<hbm>> -> memref<1x640xi32, #tpu.memory_space<hbm>>
      %dma_wait3A_874 = tpu.memref_squeeze %dma_wait3A_873 : memref<1x640xi32, #tpu.memory_space<hbm>> -> memref<640xi32, #tpu.memory_space<hbm>>
      %dma_wait3A_875 = arith.constant 0 : i32
      %dma_wait3A_876 = tpu.memref_slice %arg5[%dma_wait3A_875] : memref<656xi32, #tpu.memory_space<vmem>> -> memref<640xi32, #tpu.memory_space<vmem>>
      %dma_wait3A_877 = arith.constant 0 : i32
      %dma_wait3A_878 = tpu.memref_slice %arg2[%add3A, %dma_wait3A_877] : memref<32x640xi32, #tpu.memory_space<hbm>> -> memref<1x640xi32, #tpu.memory_space<hbm>>
      %dma_wait3A_879 = tpu.memref_squeeze %dma_wait3A_878 : memref<1x640xi32, #tpu.memory_space<hbm>> -> memref<640xi32, #tpu.memory_space<hbm>>
      tpu.wait_dma2 semaphore(%run_scoped3A : memref<!tpu.dma_semaphore, #tpu.memory_space<semaphore_mem>>) src(%dma_wait3A_879 : memref<640xi32, #tpu.memory_space<hbm>>) dst(%dma_wait3A_876 : memref<640xi32, #tpu.memory_space<vmem>>)
      tpu.yield
    }) : () -> ()
    %get3A = arith.constant 0 : index
    %get3A_1 = tpu.vector_load %arg5[%get3A] {strides = array<i32>} : memref<656xi32, #tpu.memory_space<vmem>>, vector<16xi32>,
    %get3A_2 = vector.shape_cast %get3A_1 : vector<16xi32> to vector<16xi32>
    %shift_right_logical3A = arith.constant 11 : i32
    %shift_right_logical3A_3 = vector.broadcast %shift_right_logical3A : i32 to vector<16xi32>
    %shift_right_logical3A_4 = arith.shrui %get3A_2, %shift_right_logical3A_3 : vector<16xi32>
    %shift_left3A = arith.constant 10 : i32
    %shift_left3A_5 = vector.broadcast %shift_left3A : i32 to vector<16xi32>
    %shift_left3A_6 = arith.shli %shift_right_logical3A_4, %shift_left3A_5 : vector<16xi32>
    %and3A = arith.constant 1023 : i32
    %and3A_7 = vector.broadcast %and3A : i32 to vector<16xi32>
    %and3A_8 = arith.andi %get3A_2, %and3A_7 : vector<16xi32>
    %or3A = arith.ori %shift_left3A_6, %and3A_8 : vector<16xi32>
    %swap3A = arith.constant 0 : i32
    %swap3A_9 = arith.index_cast %swap3A : i32 to index
    %swap3A_10 = arith.constant 0 : index
    %swap3A_11 = tpu.vector_load %arg6[%swap3A_9, %swap3A_10] {strides = array<i32>} : memref<5x128xi32, #tpu.memory_space<vmem>>, vector<1x16xi32>,
    %swap3A_12 = vector.shape_cast %swap3A_11 : vector<1x16xi32> to vector<16xi32>
    %swap3A_13 = vector.shape_cast %or3A : vector<16xi32> to vector<1x16xi32>
    tpu.vector_store %arg6[%swap3A_9, %swap3A_10], %swap3A_13 {strides = array<i32>} : memref<5x128xi32, #tpu.memory_space<vmem>>, vector<1x16xi32>,
    %get3A_14 = arith.constant 16 : index
    %get3A_15 = tpu.vector_load %arg5[%get3A_14] {strides = array<i32>} : memref<656xi32, #tpu.memory_space<vmem>>, vector<16xi32>,
    %get3A_16 = vector.shape_cast %get3A_15 : vector<16xi32> to vector<16xi32>
    %shift_right_logical3A_17 = arith.constant 11 : i32
    %shift_right_logical3A_18 = vector.broadcast %shift_right_logical3A_17 : i32 to vector<16xi32>
    %shift_right_logical3A_19 = arith.shrui %get3A_16, %shift_right_logical3A_18 : vector<16xi32>
    %shift_left3A_20 = arith.constant 10 : i32
    %shift_left3A_21 = vector.broadcast %shift_left3A_20 : i32 to vector<16xi32>
    %shift_left3A_22 = arith.shli %shift_right_logical3A_19, %shift_left3A_21 : vector<16xi32>
    %and3A_23 = arith.constant 1023 : i32
    %and3A_24 = vector.broadcast %and3A_23 : i32 to vector<16xi32>
    %and3A_25 = arith.andi %get3A_16, %and3A_24 : vector<16xi32>
    %or3A_26 = arith.ori %shift_left3A_22, %and3A_25 : vector<16xi32>
    %swap3A_27 = arith.constant 0 : i32
    %swap3A_28 = arith.index_cast %swap3A_27 : i32 to index
    %swap3A_29 = arith.constant 16 : index
    %swap3A_30 = tpu.vector_load %arg6[%swap3A_28, %swap3A_29] {strides = array<i32>} : memref<5x128xi32, #tpu.memory_space<vmem>>, vector<1x16xi32>,
    %swap3A_31 = vector.shape_cast %swap3A_30 : vector<1x16xi32> to vector<16xi32>
    %swap3A_32 = vector.shape_cast %or3A_26 : vector<16xi32> to vector<1x16xi32>
    tpu.vector_store %arg6[%swap3A_28, %swap3A_29], %swap3A_32 {strides = array<i32>} : memref<5x128xi32, #tpu.memory_space<vmem>>, vector<1x16xi32>,
    %get3A_33 = arith.constant 32 : index
    %get3A_34 = tpu.vector_load %arg5[%get3A_33] {strides = array<i32>} : memref<656xi32, #tpu.memory_space<vmem>>, vector<16xi32>,
    %get3A_35 = vector.shape_cast %get3A_34 : vector<16xi32> to vector<16xi32>
    %shift_right_logical3A_36 = arith.constant 11 : i32
    %shift_right_logical3A_37 = vector.broadcast %shift_right_logical3A_36 : i32 to vector<16xi32>
    %shift_right_logical3A_38 = arith.shrui %get3A_35, %shift_right_logical3A_37 : vector<16xi32>
    %shift_left3A_39 = arith.constant 10 : i32
    %shift_left3A_40 = vector.broadcast %shift_left3A_39 : i32 to vector<16xi32>
    %shift_left3A_41 = arith.shli %shift_right_logical3A_38, %shift_left3A_40 : vector<16xi32>
    %and3A_42 = arith.constant 1023 : i32
    %and3A_43 = vector.broadcast %and3A_42 : i32 to vector<16xi32>
    %and3A_44 = arith.andi %get3A_35, %and3A_43 : vector<16xi32>
    %or3A_45 = arith.ori %shift_left3A_41, %and3A_44 : vector<16xi32>
    %swap3A_46 = arith.constant 0 : i32
    %swap3A_47 = arith.index_cast %swap3A_46 : i32 to index
    %swap3A_48 = arith.constant 32 : index
    %swap3A_49 = tpu.vector_load %arg6[%swap3A_47, %swap3A_48] {strides = array<i32>} : memref<5x128xi32, #tpu.memory_space<vmem>>, vector<1x16xi32>,
    %swap3A_50 = vector.shape_cast %swap3A_49 : vector<1x16xi32> to vector<16xi32>
    %swap3A_51 = vector.shape_cast %or3A_45 : vector<16xi32> to vector<1x16xi32>
    tpu.vector_store %arg6[%swap3A_47, %swap3A_48], %swap3A_51 {strides = array<i32>} : memref<5x128xi32, #tpu.memory_space<vmem>>, vector<1x16xi32>,
    %get3A_52 = arith.constant 48 : index
    %get3A_53 = tpu.vector_load %arg5[%get3A_52] {strides = array<i32>} : memref<656xi32, #tpu.memory_space<vmem>>, vector<16xi32>,
    %get3A_54 = vector.shape_cast %get3A_53 : vector<16xi32> to vector<16xi32>
    %shift_right_logical3A_55 = arith.constant 11 : i32
    %shift_right_logical3A_56 = vector.broadcast %shift_right_logical3A_55 : i32 to vector<16xi32>
    %shift_right_logical3A_57 = arith.shrui %get3A_54, %shift_right_logical3A_56 : vector<16xi32>
    %shift_left3A_58 = arith.constant 10 : i32
    %shift_left3A_59 = vector.broadcast %shift_left3A_58 : i32 to vector<16xi32>
    %shift_left3A_60 = arith.shli %shift_right_logical3A_57, %shift_left3A_59 : vector<16xi32>
    %and3A_61 = arith.constant 1023 : i32
    %and3A_62 = vector.broadcast %and3A_61 : i32 to vector<16xi32>
    %and3A_63 = arith.andi %get3A_54, %and3A_62 : vector<16xi32>
    %or3A_64 = arith.ori %shift_left3A_60, %and3A_63 : vector<16xi32>
    %swap3A_65 = arith.constant 0 : i32
    %swap3A_66 = arith.index_cast %swap3A_65 : i32 to index
    %swap3A_67 = arith.constant 48 : index
    %swap3A_68 = tpu.vector_load %arg6[%swap3A_66, %swap3A_67] {strides = array<i32>} : memref<5x128xi32, #tpu.memory_space<vmem>>, vector<1x16xi32>,
    %swap3A_69 = vector.shape_cast %swap3A_68 : vector<1x16xi32> to vector<16xi32>
    %swap3A_70 = vector.shape_cast %or3A_64 : vector<16xi32> to vector<1x16xi32>
    tpu.vector_store %arg6[%swap3A_66, %swap3A_67], %swap3A_70 {strides = array<i32>} : memref<5x128xi32, #tpu.memory_space<vmem>>, vector<1x16xi32>,
    %get3A_71 = arith.constant 64 : index
    %get3A_72 = tpu.vector_load %arg5[%get3A_71] {strides = array<i32>} : memref<656xi32, #tpu.memory_space<vmem>>, vector<16xi32>,
    %get3A_73 = vector.shape_cast %get3A_72 : vector<16xi32> to vector<16xi32>
    %shift_right_logical3A_74 = arith.constant 11 : i32
    %shift_right_logical3A_75 = vector.broadcast %shift_right_logical3A_74 : i32 to vector<16xi32>
    %shift_right_logical3A_76 = arith.shrui %get3A_73, %shift_right_logical3A_75 : vector<16xi32>
    %shift_left3A_77 = arith.constant 10 : i32
    %shift_left3A_78 = vector.broadcast %shift_left3A_77 : i32 to vector<16xi32>
    %shift_left3A_79 = arith.shli %shift_right_logical3A_76, %shift_left3A_78 : vector<16xi32>
    %and3A_80 = arith.constant 1023 : i32
    %and3A_81 = vector.broadcast %and3A_80 : i32 to vector<16xi32>
    %and3A_82 = arith.andi %get3A_73, %and3A_81 : vector<16xi32>
    %or3A_83 = arith.ori %shift_left3A_79, %and3A_82 : vector<16xi32>
    %swap3A_84 = arith.constant 0 : i32
    %swap3A_85 = arith.index_cast %swap3A_84 : i32 to index
    %swap3A_86 = arith.constant 64 : index
    %swap3A_87 = tpu.vector_load %arg6[%swap3A_85, %swap3A_86] {strides = array<i32>} : memref<5x128xi32, #tpu.memory_space<vmem>>, vector<1x16xi32>,
    %swap3A_88 = vector.shape_cast %swap3A_87 : vector<1x16xi32> to vector<16xi32>
    %swap3A_89 = vector.shape_cast %or3A_83 : vector<16xi32> to vector<1x16xi32>
    tpu.vector_store %arg6[%swap3A_85, %swap3A_86], %swap3A_89 {strides = array<i32>} : memref<5x128xi32, #tpu.memory_space<vmem>>, vector<1x16xi32>,
    %get3A_90 = arith.constant 80 : index
    %get3A_91 = tpu.vector_load %arg5[%get3A_90] {strides = array<i32>} : memref<656xi32, #tpu.memory_space<vmem>>, vector<16xi32>,
    %get3A_92 = vector.shape_cast %get3A_91 : vector<16xi32> to vector<16xi32>
    %shift_right_logical3A_93 = arith.constant 11 : i32
    %shift_right_logical3A_94 = vector.broadcast %shift_right_logical3A_93 : i32 to vector<16xi32>
    %shift_right_logical3A_95 = arith.shrui %get3A_92, %shift_right_logical3A_94 : vector<16xi32>
    %shift_left3A_96 = arith.constant 10 : i32
    %shift_left3A_97 = vector.broadcast %shift_left3A_96 : i32 to vector<16xi32>
    %shift_left3A_98 = arith.shli %shift_right_logical3A_95, %shift_left3A_97 : vector<16xi32>
    %and3A_99 = arith.constant 1023 : i32
    %and3A_100 = vector.broadcast %and3A_99 : i32 to vector<16xi32>
    %and3A_101 = arith.andi %get3A_92, %and3A_100 : vector<16xi32>
    %or3A_102 = arith.ori %shift_left3A_98, %and3A_101 : vector<16xi32>
    %swap3A_103 = arith.constant 0 : i32
    %swap3A_104 = arith.index_cast %swap3A_103 : i32 to index
    %swap3A_105 = arith.constant 80 : index
    %swap3A_106 = tpu.vector_load %arg6[%swap3A_104, %swap3A_105] {strides = array<i32>} : memref<5x128xi32, #tpu.memory_space<vmem>>, vector<1x16xi32>,
    %swap3A_107 = vector.shape_cast %swap3A_106 : vector<1x16xi32> to vector<16xi32>
    %swap3A_108 = vector.shape_cast %or3A_102 : vector<16xi32> to vector<1x16xi32>
    tpu.vector_store %arg6[%swap3A_104, %swap3A_105], %swap3A_108 {strides = array<i32>} : memref<5x128xi32, #tpu.memory_space<vmem>>, vector<1x16xi32>,
    %get3A_109 = arith.constant 96 : index
    %get3A_110 = tpu.vector_load %arg5[%get3A_109] {strides = array<i32>} : memref<656xi32, #tpu.memory_space<vmem>>, vector<16xi32>,
    %get3A_111 = vector.shape_cast %get3A_110 : vector<16xi32> to vector<16xi32>
    %shift_right_logical3A_112 = arith.constant 11 : i32
    %shift_right_logical3A_113 = vector.broadcast %shift_right_logical3A_112 : i32 to vector<16xi32>
    %shift_right_logical3A_114 = arith.shrui %get3A_111, %shift_right_logical3A_113 : vector<16xi32>
    %shift_left3A_115 = arith.constant 10 : i32
    %shift_left3A_116 = vector.broadcast %shift_left3A_115 : i32 to vector<16xi32>
    %shift_left3A_117 = arith.shli %shift_right_logical3A_114, %shift_left3A_116 : vector<16xi32>
    %and3A_118 = arith.constant 1023 : i32
    %and3A_119 = vector.broadcast %and3A_118 : i32 to vector<16xi32>
    %and3A_120 = arith.andi %get3A_111, %and3A_119 : vector<16xi32>
    %or3A_121 = arith.ori %shift_left3A_117, %and3A_120 : vector<16xi32>
    %swap3A_122 = arith.constant 0 : i32
    %swap3A_123 = arith.index_cast %swap3A_122 : i32 to index
    %swap3A_124 = arith.constant 96 : index
    %swap3A_125 = tpu.vector_load %arg6[%swap3A_123, %swap3A_124] {strides = array<i32>} : memref<5x128xi32, #tpu.memory_space<vmem>>, vector<1x16xi32>,
    %swap3A_126 = vector.shape_cast %swap3A_125 : vector<1x16xi32> to vector<16xi32>
    %swap3A_127 = vector.shape_cast %or3A_121 : vector<16xi32> to vector<1x16xi32>
    tpu.vector_store %arg6[%swap3A_123, %swap3A_124], %swap3A_127 {strides = array<i32>} : memref<5x128xi32, #tpu.memory_space<vmem>>, vector<1x16xi32>,
    %get3A_128 = arith.constant 112 : index
    %get3A_129 = tpu.vector_load %arg5[%get3A_128] {strides = array<i32>} : memref<656xi32, #tpu.memory_space<vmem>>, vector<16xi32>,
    %get3A_130 = vector.shape_cast %get3A_129 : vector<16xi32> to vector<16xi32>
    %shift_right_logical3A_131 = arith.constant 11 : i32
    %shift_right_logical3A_132 = vector.broadcast %shift_right_logical3A_131 : i32 to vector<16xi32>
    %shift_right_logical3A_133 = arith.shrui %get3A_130, %shift_right_logical3A_132 : vector<16xi32>
    %shift_left3A_134 = arith.constant 10 : i32
    %shift_left3A_135 = vector.broadcast %shift_left3A_134 : i32 to vector<16xi32>
    %shift_left3A_136 = arith.shli %shift_right_logical3A_133, %shift_left3A_135 : vector<16xi32>
    %and3A_137 = arith.constant 1023 : i32
    %and3A_138 = vector.broadcast %and3A_137 : i32 to vector<16xi32>
    %and3A_139 = arith.andi %get3A_130, %and3A_138 : vector<16xi32>
    %or3A_140 = arith.ori %shift_left3A_136, %and3A_139 : vector<16xi32>
    %swap3A_141 = arith.constant 0 : i32
    %swap3A_142 = arith.index_cast %swap3A_141 : i32 to index
    %swap3A_143 = arith.constant 112 : index
    %swap3A_144 = tpu.vector_load %arg6[%swap3A_142, %swap3A_143] {strides = array<i32>} : memref<5x128xi32, #tpu.memory_space<vmem>>, vector<1x16xi32>,
    %swap3A_145 = vector.shape_cast %swap3A_144 : vector<1x16xi32> to vector<16xi32>
    %swap3A_146 = vector.shape_cast %or3A_140 : vector<16xi32> to vector<1x16xi32>
    tpu.vector_store %arg6[%swap3A_142, %swap3A_143], %swap3A_146 {strides = array<i32>} : memref<5x128xi32, #tpu.memory_space<vmem>>, vector<1x16xi32>,
    %get3A_147 = arith.constant 128 : index
    %get3A_148 = tpu.vector_load %arg5[%get3A_147] {strides = array<i32>} : memref<656xi32, #tpu.memory_space<vmem>>, vector<16xi32>,
    %get3A_149 = vector.shape_cast %get3A_148 : vector<16xi32> to vector<16xi32>
    %shift_right_logical3A_150 = arith.constant 11 : i32
    %shift_right_logical3A_151 = vector.broadcast %shift_right_logical3A_150 : i32 to vector<16xi32>
    %shift_right_logical3A_152 = arith.shrui %get3A_149, %shift_right_logical3A_151 : vector<16xi32>
    %shift_left3A_153 = arith.constant 10 : i32
    %shift_left3A_154 = vector.broadcast %shift_left3A_153 : i32 to vector<16xi32>
    %shift_left3A_155 = arith.shli %shift_right_logical3A_152, %shift_left3A_154 : vector<16xi32>
    %and3A_156 = arith.constant 1023 : i32
    %and3A_157 = vector.broadcast %and3A_156 : i32 to vector<16xi32>
    %and3A_158 = arith.andi %get3A_149, %and3A_157 : vector<16xi32>
    %or3A_159 = arith.ori %shift_left3A_155, %and3A_158 : vector<16xi32>
    %swap3A_160 = arith.constant 1 : i32
    %swap3A_161 = arith.index_cast %swap3A_160 : i32 to index
    %swap3A_162 = arith.constant 0 : index
    %swap3A_163 = tpu.vector_load %arg6[%swap3A_161, %swap3A_162] {strides = array<i32>} : memref<5x128xi32, #tpu.memory_space<vmem>>, vector<1x16xi32>,
    %swap3A_164 = vector.shape_cast %swap3A_163 : vector<1x16xi32> to vector<16xi32>
    %swap3A_165 = vector.shape_cast %or3A_159 : vector<16xi32> to vector<1x16xi32>
    tpu.vector_store %arg6[%swap3A_161, %swap3A_162], %swap3A_165 {strides = array<i32>} : memref<5x128xi32, #tpu.memory_space<vmem>>, vector<1x16xi32>,
    %get3A_166 = arith.constant 144 : index
    %get3A_167 = tpu.vector_load %arg5[%get3A_166] {strides = array<i32>} : memref<656xi32, #tpu.memory_space<vmem>>, vector<16xi32>,
    %get3A_168 = vector.shape_cast %get3A_167 : vector<16xi32> to vector<16xi32>
    %shift_right_logical3A_169 = arith.constant 11 : i32
    %shift_right_logical3A_170 = vector.broadcast %shift_right_logical3A_169 : i32 to vector<16xi32>
    %shift_right_logical3A_171 = arith.shrui %get3A_168, %shift_right_logical3A_170 : vector<16xi32>
    %shift_left3A_172 = arith.constant 10 : i32
    %shift_left3A_173 = vector.broadcast %shift_left3A_172 : i32 to vector<16xi32>
    %shift_left3A_174 = arith.shli %shift_right_logical3A_171, %shift_left3A_173 : vector<16xi32>
    %and3A_175 = arith.constant 1023 : i32
    %and3A_176 = vector.broadcast %and3A_175 : i32 to vector<16xi32>
    %and3A_177 = arith.andi %get3A_168, %and3A_176 : vector<16xi32>
    %or3A_178 = arith.ori %shift_left3A_174, %and3A_177 : vector<16xi32>
    %swap3A_179 = arith.constant 1 : i32
    %swap3A_180 = arith.index_cast %swap3A_179 : i32 to index
    %swap3A_181 = arith.constant 16 : index
    %swap3A_182 = tpu.vector_load %arg6[%swap3A_180, %swap3A_181] {strides = array<i32>} : memref<5x128xi32, #tpu.memory_space<vmem>>, vector<1x16xi32>,
    %swap3A_183 = vector.shape_cast %swap3A_182 : vector<1x16xi32> to vector<16xi32>
    %swap3A_184 = vector.shape_cast %or3A_178 : vector<16xi32> to vector<1x16xi32>
    tpu.vector_store %arg6[%swap3A_180, %swap3A_181], %swap3A_184 {strides = array<i32>} : memref<5x128xi32, #tpu.memory_space<vmem>>, vector<1x16xi32>,
    %get3A_185 = arith.constant 160 : index
    %get3A_186 = tpu.vector_load %arg5[%get3A_185] {strides = array<i32>} : memref<656xi32, #tpu.memory_space<vmem>>, vector<16xi32>,
    %get3A_187 = vector.shape_cast %get3A_186 : vector<16xi32> to vector<16xi32>
    %shift_right_logical3A_188 = arith.constant 11 : i32
    %shift_right_logical3A_189 = vector.broadcast %shift_right_logical3A_188 : i32 to vector<16xi32>
    %shift_right_logical3A_190 = arith.shrui %get3A_187, %shift_right_logical3A_189 : vector<16xi32>
    %shift_left3A_191 = arith.constant 10 : i32
    %shift_left3A_192 = vector.broadcast %shift_left3A_191 : i32 to vector<16xi32>
    %shift_left3A_193 = arith.shli %shift_right_logical3A_190, %shift_left3A_192 : vector<16xi32>
    %and3A_194 = arith.constant 1023 : i32
    %and3A_195 = vector.broadcast %and3A_194 : i32 to vector<16xi32>
    %and3A_196 = arith.andi %get3A_187, %and3A_195 : vector<16xi32>
    %or3A_197 = arith.ori %shift_left3A_193, %and3A_196 : vector<16xi32>
    %swap3A_198 = arith.constant 1 : i32
    %swap3A_199 = arith.index_cast %swap3A_198 : i32 to index
    %swap3A_200 = arith.constant 32 : index
    %swap3A_201 = tpu.vector_load %arg6[%swap3A_199, %swap3A_200] {strides = array<i32>} : memref<5x128xi32, #tpu.memory_space<vmem>>, vector<1x16xi32>,
    %swap3A_202 = vector.shape_cast %swap3A_201 : vector<1x16xi32> to vector<16xi32>
    %swap3A_203 = vector.shape_cast %or3A_197 : vector<16xi32> to vector<1x16xi32>
    tpu.vector_store %arg6[%swap3A_199, %swap3A_200], %swap3A_203 {strides = array<i32>} : memref<5x128xi32, #tpu.memory_space<vmem>>, vector<1x16xi32>,
    %get3A_204 = arith.constant 176 : index
    %get3A_205 = tpu.vector_load %arg5[%get3A_204] {strides = array<i32>} : memref<656xi32, #tpu.memory_space<vmem>>, vector<16xi32>,
    %get3A_206 = vector.shape_cast %get3A_205 : vector<16xi32> to vector<16xi32>
    %shift_right_logical3A_207 = arith.constant 11 : i32
    %shift_right_logical3A_208 = vector.broadcast %shift_right_logical3A_207 : i32 to vector<16xi32>
    %shift_right_logical3A_209 = arith.shrui %get3A_206, %shift_right_logical3A_208 : vector<16xi32>
    %shift_left3A_210 = arith.constant 10 : i32
    %shift_left3A_211 = vector.broadcast %shift_left3A_210 : i32 to vector<16xi32>
    %shift_left3A_212 = arith.shli %shift_right_logical3A_209, %shift_left3A_211 : vector<16xi32>
    %and3A_213 = arith.constant 1023 : i32
    %and3A_214 = vector.broadcast %and3A_213 : i32 to vector<16xi32>
    %and3A_215 = arith.andi %get3A_206, %and3A_214 : vector<16xi32>
    %or3A_216 = arith.ori %shift_left3A_212, %and3A_215 : vector<16xi32>
    %swap3A_217 = arith.constant 1 : i32
    %swap3A_218 = arith.index_cast %swap3A_217 : i32 to index
    %swap3A_219 = arith.constant 48 : index
    %swap3A_220 = tpu.vector_load %arg6[%swap3A_218, %swap3A_219] {strides = array<i32>} : memref<5x128xi32, #tpu.memory_space<vmem>>, vector<1x16xi32>,
    %swap3A_221 = vector.shape_cast %swap3A_220 : vector<1x16xi32> to vector<16xi32>
    %swap3A_222 = vector.shape_cast %or3A_216 : vector<16xi32> to vector<1x16xi32>
    tpu.vector_store %arg6[%swap3A_218, %swap3A_219], %swap3A_222 {strides = array<i32>} : memref<5x128xi32, #tpu.memory_space<vmem>>, vector<1x16xi32>,
    %get3A_223 = arith.constant 192 : index
    %get3A_224 = tpu.vector_load %arg5[%get3A_223] {strides = array<i32>} : memref<656xi32, #tpu.memory_space<vmem>>, vector<16xi32>,
    %get3A_225 = vector.shape_cast %get3A_224 : vector<16xi32> to vector<16xi32>
    %shift_right_logical3A_226 = arith.constant 11 : i32
    %shift_right_logical3A_227 = vector.broadcast %shift_right_logical3A_226 : i32 to vector<16xi32>
    %shift_right_logical3A_228 = arith.shrui %get3A_225, %shift_right_logical3A_227 : vector<16xi32>
    %shift_left3A_229 = arith.constant 10 : i32
    %shift_left3A_230 = vector.broadcast %shift_left3A_229 : i32 to vector<16xi32>
    %shift_left3A_231 = arith.shli %shift_right_logical3A_228, %shift_left3A_230 : vector<16xi32>
    %and3A_232 = arith.constant 1023 : i32
    %and3A_233 = vector.broadcast %and3A_232 : i32 to vector<16xi32>
    %and3A_234 = arith.andi %get3A_225, %and3A_233 : vector<16xi32>
    %or3A_235 = arith.ori %shift_left3A_231, %and3A_234 : vector<16xi32>
    %swap3A_236 = arith.constant 1 : i32
    %swap3A_237 = arith.index_cast %swap3A_236 : i32 to index
    %swap3A_238 = arith.constant 64 : index
    %swap3A_239 = tpu.vector_load %arg6[%swap3A_237, %swap3A_238] {strides = array<i32>} : memref<5x128xi32, #tpu.memory_space<vmem>>, vector<1x16xi32>,
    %swap3A_240 = vector.shape_cast %swap3A_239 : vector<1x16xi32> to vector<16xi32>
    %swap3A_241 = vector.shape_cast %or3A_235 : vector<16xi32> to vector<1x16xi32>
    tpu.vector_store %arg6[%swap3A_237, %swap3A_238], %swap3A_241 {strides = array<i32>} : memref<5x128xi32, #tpu.memory_space<vmem>>, vector<1x16xi32>,
    %get3A_242 = arith.constant 208 : index
    %get3A_243 = tpu.vector_load %arg5[%get3A_242] {strides = array<i32>} : memref<656xi32, #tpu.memory_space<vmem>>, vector<16xi32>,
    %get3A_244 = vector.shape_cast %get3A_243 : vector<16xi32> to vector<16xi32>
    %shift_right_logical3A_245 = arith.constant 11 : i32
    %shift_right_logical3A_246 = vector.broadcast %shift_right_logical3A_245 : i32 to vector<16xi32>
    %shift_right_logical3A_247 = arith.shrui %get3A_244, %shift_right_logical3A_246 : vector<16xi32>
    %shift_left3A_248 = arith.constant 10 : i32
    %shift_left3A_249 = vector.broadcast %shift_left3A_248 : i32 to vector<16xi32>
    %shift_left3A_250 = arith.shli %shift_right_logical3A_247, %shift_left3A_249 : vector<16xi32>
    %and3A_251 = arith.constant 1023 : i32
    %and3A_252 = vector.broadcast %and3A_251 : i32 to vector<16xi32>
    %and3A_253 = arith.andi %get3A_244, %and3A_252 : vector<16xi32>
    %or3A_254 = arith.ori %shift_left3A_250, %and3A_253 : vector<16xi32>
    %swap3A_255 = arith.constant 1 : i32
    %swap3A_256 = arith.index_cast %swap3A_255 : i32 to index
    %swap3A_257 = arith.constant 80 : index
    %swap3A_258 = tpu.vector_load %arg6[%swap3A_256, %swap3A_257] {strides = array<i32>} : memref<5x128xi32, #tpu.memory_space<vmem>>, vector<1x16xi32>,
    %swap3A_259 = vector.shape_cast %swap3A_258 : vector<1x16xi32> to vector<16xi32>
    %swap3A_260 = vector.shape_cast %or3A_254 : vector<16xi32> to vector<1x16xi32>
    tpu.vector_store %arg6[%swap3A_256, %swap3A_257], %swap3A_260 {strides = array<i32>} : memref<5x128xi32, #tpu.memory_space<vmem>>, vector<1x16xi32>,
    %get3A_261 = arith.constant 224 : index
    %get3A_262 = tpu.vector_load %arg5[%get3A_261] {strides = array<i32>} : memref<656xi32, #tpu.memory_space<vmem>>, vector<16xi32>,
    %get3A_263 = vector.shape_cast %get3A_262 : vector<16xi32> to vector<16xi32>
    %shift_right_logical3A_264 = arith.constant 11 : i32
    %shift_right_logical3A_265 = vector.broadcast %shift_right_logical3A_264 : i32 to vector<16xi32>
    %shift_right_logical3A_266 = arith.shrui %get3A_263, %shift_right_logical3A_265 : vector<16xi32>
    %shift_left3A_267 = arith.constant 10 : i32
    %shift_left3A_268 = vector.broadcast %shift_left3A_267 : i32 to vector<16xi32>
    %shift_left3A_269 = arith.shli %shift_right_logical3A_266, %shift_left3A_268 : vector<16xi32>
    %and3A_270 = arith.constant 1023 : i32
    %and3A_271 = vector.broadcast %and3A_270 : i32 to vector<16xi32>
    %and3A_272 = arith.andi %get3A_263, %and3A_271 : vector<16xi32>
    %or3A_273 = arith.ori %shift_left3A_269, %and3A_272 : vector<16xi32>
    %swap3A_274 = arith.constant 1 : i32
    %swap3A_275 = arith.index_cast %swap3A_274 : i32 to index
    %swap3A_276 = arith.constant 96 : index
    %swap3A_277 = tpu.vector_load %arg6[%swap3A_275, %swap3A_276] {strides = array<i32>} : memref<5x128xi32, #tpu.memory_space<vmem>>, vector<1x16xi32>,
    %swap3A_278 = vector.shape_cast %swap3A_277 : vector<1x16xi32> to vector<16xi32>
    %swap3A_279 = vector.shape_cast %or3A_273 : vector<16xi32> to vector<1x16xi32>
    tpu.vector_store %arg6[%swap3A_275, %swap3A_276], %swap3A_279 {strides = array<i32>} : memref<5x128xi32, #tpu.memory_space<vmem>>, vector<1x16xi32>,
    %get3A_280 = arith.constant 240 : index
    %get3A_281 = tpu.vector_load %arg5[%get3A_280] {strides = array<i32>} : memref<656xi32, #tpu.memory_space<vmem>>, vector<16xi32>,
    %get3A_282 = vector.shape_cast %get3A_281 : vector<16xi32> to vector<16xi32>
    %shift_right_logical3A_283 = arith.constant 11 : i32
    %shift_right_logical3A_284 = vector.broadcast %shift_right_logical3A_283 : i32 to vector<16xi32>
    %shift_right_logical3A_285 = arith.shrui %get3A_282, %shift_right_logical3A_284 : vector<16xi32>
    %shift_left3A_286 = arith.constant 10 : i32
    %shift_left3A_287 = vector.broadcast %shift_left3A_286 : i32 to vector<16xi32>
    %shift_left3A_288 = arith.shli %shift_right_logical3A_285, %shift_left3A_287 : vector<16xi32>
    %and3A_289 = arith.constant 1023 : i32
    %and3A_290 = vector.broadcast %and3A_289 : i32 to vector<16xi32>
    %and3A_291 = arith.andi %get3A_282, %and3A_290 : vector<16xi32>
    %or3A_292 = arith.ori %shift_left3A_288, %and3A_291 : vector<16xi32>
    %swap3A_293 = arith.constant 1 : i32
    %swap3A_294 = arith.index_cast %swap3A_293 : i32 to index
    %swap3A_295 = arith.constant 112 : index
    %swap3A_296 = tpu.vector_load %arg6[%swap3A_294, %swap3A_295] {strides = array<i32>} : memref<5x128xi32, #tpu.memory_space<vmem>>, vector<1x16xi32>,
    %swap3A_297 = vector.shape_cast %swap3A_296 : vector<1x16xi32> to vector<16xi32>
    %swap3A_298 = vector.shape_cast %or3A_292 : vector<16xi32> to vector<1x16xi32>
    tpu.vector_store %arg6[%swap3A_294, %swap3A_295], %swap3A_298 {strides = array<i32>} : memref<5x128xi32, #tpu.memory_space<vmem>>, vector<1x16xi32>,
    %get3A_299 = arith.constant 256 : index
    %get3A_300 = tpu.vector_load %arg5[%get3A_299] {strides = array<i32>} : memref<656xi32, #tpu.memory_space<vmem>>, vector<16xi32>,
    %get3A_301 = vector.shape_cast %get3A_300 : vector<16xi32> to vector<16xi32>
    %shift_right_logical3A_302 = arith.constant 11 : i32
    %shift_right_logical3A_303 = vector.broadcast %shift_right_logical3A_302 : i32 to vector<16xi32>
    %shift_right_logical3A_304 = arith.shrui %get3A_301, %shift_right_logical3A_303 : vector<16xi32>
    %shift_left3A_305 = arith.constant 10 : i32
    %shift_left3A_306 = vector.broadcast %shift_left3A_305 : i32 to vector<16xi32>
    %shift_left3A_307 = arith.shli %shift_right_logical3A_304, %shift_left3A_306 : vector<16xi32>
    %and3A_308 = arith.constant 1023 : i32
    %and3A_309 = vector.broadcast %and3A_308 : i32 to vector<16xi32>
    %and3A_310 = arith.andi %get3A_301, %and3A_309 : vector<16xi32>
    %or3A_311 = arith.ori %shift_left3A_307, %and3A_310 : vector<16xi32>
    %swap3A_312 = arith.constant 2 : i32
    %swap3A_313 = arith.index_cast %swap3A_312 : i32 to index
    %swap3A_314 = arith.constant 0 : index
    %swap3A_315 = tpu.vector_load %arg6[%swap3A_313, %swap3A_314] {strides = array<i32>} : memref<5x128xi32, #tpu.memory_space<vmem>>, vector<1x16xi32>,
    %swap3A_316 = vector.shape_cast %swap3A_315 : vector<1x16xi32> to vector<16xi32>
    %swap3A_317 = vector.shape_cast %or3A_311 : vector<16xi32> to vector<1x16xi32>
    tpu.vector_store %arg6[%swap3A_313, %swap3A_314], %swap3A_317 {strides = array<i32>} : memref<5x128xi32, #tpu.memory_space<vmem>>, vector<1x16xi32>,
    %get3A_318 = arith.constant 272 : index
    %get3A_319 = tpu.vector_load %arg5[%get3A_318] {strides = array<i32>} : memref<656xi32, #tpu.memory_space<vmem>>, vector<16xi32>,
    %get3A_320 = vector.shape_cast %get3A_319 : vector<16xi32> to vector<16xi32>
    %shift_right_logical3A_321 = arith.constant 11 : i32
    %shift_right_logical3A_322 = vector.broadcast %shift_right_logical3A_321 : i32 to vector<16xi32>
    %shift_right_logical3A_323 = arith.shrui %get3A_320, %shift_right_logical3A_322 : vector<16xi32>
    %shift_left3A_324 = arith.constant 10 : i32
    %shift_left3A_325 = vector.broadcast %shift_left3A_324 : i32 to vector<16xi32>
    %shift_left3A_326 = arith.shli %shift_right_logical3A_323, %shift_left3A_325 : vector<16xi32>
    %and3A_327 = arith.constant 1023 : i32
    %and3A_328 = vector.broadcast %and3A_327 : i32 to vector<16xi32>
    %and3A_329 = arith.andi %get3A_320, %and3A_328 : vector<16xi32>
    %or3A_330 = arith.ori %shift_left3A_326, %and3A_329 : vector<16xi32>
    %swap3A_331 = arith.constant 2 : i32
    %swap3A_332 = arith.index_cast %swap3A_331 : i32 to index
    %swap3A_333 = arith.constant 16 : index
    %swap3A_334 = tpu.vector_load %arg6[%swap3A_332, %swap3A_333] {strides = array<i32>} : memref<5x128xi32, #tpu.memory_space<vmem>>, vector<1x16xi32>,
    %swap3A_335 = vector.shape_cast %swap3A_334 : vector<1x16xi32> to vector<16xi32>
    %swap3A_336 = vector.shape_cast %or3A_330 : vector<16xi32> to vector<1x16xi32>
    tpu.vector_store %arg6[%swap3A_332, %swap3A_333], %swap3A_336 {strides = array<i32>} : memref<5x128xi32, #tpu.memory_space<vmem>>, vector<1x16xi32>,
    %get3A_337 = arith.constant 288 : index
    %get3A_338 = tpu.vector_load %arg5[%get3A_337] {strides = array<i32>} : memref<656xi32, #tpu.memory_space<vmem>>, vector<16xi32>,
    %get3A_339 = vector.shape_cast %get3A_338 : vector<16xi32> to vector<16xi32>
    %shift_right_logical3A_340 = arith.constant 11 : i32
    %shift_right_logical3A_341 = vector.broadcast %shift_right_logical3A_340 : i32 to vector<16xi32>
    %shift_right_logical3A_342 = arith.shrui %get3A_339, %shift_right_logical3A_341 : vector<16xi32>
    %shift_left3A_343 = arith.constant 10 : i32
    %shift_left3A_344 = vector.broadcast %shift_left3A_343 : i32 to vector<16xi32>
    %shift_left3A_345 = arith.shli %shift_right_logical3A_342, %shift_left3A_344 : vector<16xi32>
    %and3A_346 = arith.constant 1023 : i32
    %and3A_347 = vector.broadcast %and3A_346 : i32 to vector<16xi32>
    %and3A_348 = arith.andi %get3A_339, %and3A_347 : vector<16xi32>
    %or3A_349 = arith.ori %shift_left3A_345, %and3A_348 : vector<16xi32>
    %swap3A_350 = arith.constant 2 : i32
    %swap3A_351 = arith.index_cast %swap3A_350 : i32 to index
    %swap3A_352 = arith.constant 32 : index
    %swap3A_353 = tpu.vector_load %arg6[%swap3A_351, %swap3A_352] {strides = array<i32>} : memref<5x128xi32, #tpu.memory_space<vmem>>, vector<1x16xi32>,
    %swap3A_354 = vector.shape_cast %swap3A_353 : vector<1x16xi32> to vector<16xi32>
    %swap3A_355 = vector.shape_cast %or3A_349 : vector<16xi32> to vector<1x16xi32>
    tpu.vector_store %arg6[%swap3A_351, %swap3A_352], %swap3A_355 {strides = array<i32>} : memref<5x128xi32, #tpu.memory_space<vmem>>, vector<1x16xi32>,
    %get3A_356 = arith.constant 304 : index
    %get3A_357 = tpu.vector_load %arg5[%get3A_356] {strides = array<i32>} : memref<656xi32, #tpu.memory_space<vmem>>, vector<16xi32>,
    %get3A_358 = vector.shape_cast %get3A_357 : vector<16xi32> to vector<16xi32>
    %shift_right_logical3A_359 = arith.constant 11 : i32
    %shift_right_logical3A_360 = vector.broadcast %shift_right_logical3A_359 : i32 to vector<16xi32>
    %shift_right_logical3A_361 = arith.shrui %get3A_358, %shift_right_logical3A_360 : vector<16xi32>
    %shift_left3A_362 = arith.constant 10 : i32
    %shift_left3A_363 = vector.broadcast %shift_left3A_362 : i32 to vector<16xi32>
    %shift_left3A_364 = arith.shli %shift_right_logical3A_361, %shift_left3A_363 : vector<16xi32>
    %and3A_365 = arith.constant 1023 : i32
    %and3A_366 = vector.broadcast %and3A_365 : i32 to vector<16xi32>
    %and3A_367 = arith.andi %get3A_358, %and3A_366 : vector<16xi32>
    %or3A_368 = arith.ori %shift_left3A_364, %and3A_367 : vector<16xi32>
    %swap3A_369 = arith.constant 2 : i32
    %swap3A_370 = arith.index_cast %swap3A_369 : i32 to index
    %swap3A_371 = arith.constant 48 : index
    %swap3A_372 = tpu.vector_load %arg6[%swap3A_370, %swap3A_371] {strides = array<i32>} : memref<5x128xi32, #tpu.memory_space<vmem>>, vector<1x16xi32>,
    %swap3A_373 = vector.shape_cast %swap3A_372 : vector<1x16xi32> to vector<16xi32>
    %swap3A_374 = vector.shape_cast %or3A_368 : vector<16xi32> to vector<1x16xi32>
    tpu.vector_store %arg6[%swap3A_370, %swap3A_371], %swap3A_374 {strides = array<i32>} : memref<5x128xi32, #tpu.memory_space<vmem>>, vector<1x16xi32>,
    %get3A_375 = arith.constant 320 : index
    %get3A_376 = tpu.vector_load %arg5[%get3A_375] {strides = array<i32>} : memref<656xi32, #tpu.memory_space<vmem>>, vector<16xi32>,
    %get3A_377 = vector.shape_cast %get3A_376 : vector<16xi32> to vector<16xi32>
    %shift_right_logical3A_378 = arith.constant 11 : i32
    %shift_right_logical3A_379 = vector.broadcast %shift_right_logical3A_378 : i32 to vector<16xi32>
    %shift_right_logical3A_380 = arith.shrui %get3A_377, %shift_right_logical3A_379 : vector<16xi32>
    %shift_left3A_381 = arith.constant 10 : i32
    %shift_left3A_382 = vector.broadcast %shift_left3A_381 : i32 to vector<16xi32>
    %shift_left3A_383 = arith.shli %shift_right_logical3A_380, %shift_left3A_382 : vector<16xi32>
    %and3A_384 = arith.constant 1023 : i32
    %and3A_385 = vector.broadcast %and3A_384 : i32 to vector<16xi32>
    %and3A_386 = arith.andi %get3A_377, %and3A_385 : vector<16xi32>
    %or3A_387 = arith.ori %shift_left3A_383, %and3A_386 : vector<16xi32>
    %swap3A_388 = arith.constant 2 : i32
    %swap3A_389 = arith.index_cast %swap3A_388 : i32 to index
    %swap3A_390 = arith.constant 64 : index
    %swap3A_391 = tpu.vector_load %arg6[%swap3A_389, %swap3A_390] {strides = array<i32>} : memref<5x128xi32, #tpu.memory_space<vmem>>, vector<1x16xi32>,
    %swap3A_392 = vector.shape_cast %swap3A_391 : vector<1x16xi32> to vector<16xi32>
    %swap3A_393 = vector.shape_cast %or3A_387 : vector<16xi32> to vector<1x16xi32>
    tpu.vector_store %arg6[%swap3A_389, %swap3A_390], %swap3A_393 {strides = array<i32>} : memref<5x128xi32, #tpu.memory_space<vmem>>, vector<1x16xi32>,
    %get3A_394 = arith.constant 336 : index
    %get3A_395 = tpu.vector_load %arg5[%get3A_394] {strides = array<i32>} : memref<656xi32, #tpu.memory_space<vmem>>, vector<16xi32>,
    %get3A_396 = vector.shape_cast %get3A_395 : vector<16xi32> to vector<16xi32>
    %shift_right_logical3A_397 = arith.constant 11 : i32
    %shift_right_logical3A_398 = vector.broadcast %shift_right_logical3A_397 : i32 to vector<16xi32>
    %shift_right_logical3A_399 = arith.shrui %get3A_396, %shift_right_logical3A_398 : vector<16xi32>
    %shift_left3A_400 = arith.constant 10 : i32
    %shift_left3A_401 = vector.broadcast %shift_left3A_400 : i32 to vector<16xi32>
    %shift_left3A_402 = arith.shli %shift_right_logical3A_399, %shift_left3A_401 : vector<16xi32>
    %and3A_403 = arith.constant 1023 : i32
    %and3A_404 = vector.broadcast %and3A_403 : i32 to vector<16xi32>
    %and3A_405 = arith.andi %get3A_396, %and3A_404 : vector<16xi32>
    %or3A_406 = arith.ori %shift_left3A_402, %and3A_405 : vector<16xi32>
    %swap3A_407 = arith.constant 2 : i32
    %swap3A_408 = arith.index_cast %swap3A_407 : i32 to index
    %swap3A_409 = arith.constant 80 : index
    %swap3A_410 = tpu.vector_load %arg6[%swap3A_408, %swap3A_409] {strides = array<i32>} : memref<5x128xi32, #tpu.memory_space<vmem>>, vector<1x16xi32>,
    %swap3A_411 = vector.shape_cast %swap3A_410 : vector<1x16xi32> to vector<16xi32>
    %swap3A_412 = vector.shape_cast %or3A_406 : vector<16xi32> to vector<1x16xi32>
    tpu.vector_store %arg6[%swap3A_408, %swap3A_409], %swap3A_412 {strides = array<i32>} : memref<5x128xi32, #tpu.memory_space<vmem>>, vector<1x16xi32>,
    %get3A_413 = arith.constant 352 : index
    %get3A_414 = tpu.vector_load %arg5[%get3A_413] {strides = array<i32>} : memref<656xi32, #tpu.memory_space<vmem>>, vector<16xi32>,
    %get3A_415 = vector.shape_cast %get3A_414 : vector<16xi32> to vector<16xi32>
    %shift_right_logical3A_416 = arith.constant 11 : i32
    %shift_right_logical3A_417 = vector.broadcast %shift_right_logical3A_416 : i32 to vector<16xi32>
    %shift_right_logical3A_418 = arith.shrui %get3A_415, %shift_right_logical3A_417 : vector<16xi32>
    %shift_left3A_419 = arith.constant 10 : i32
    %shift_left3A_420 = vector.broadcast %shift_left3A_419 : i32 to vector<16xi32>
    %shift_left3A_421 = arith.shli %shift_right_logical3A_418, %shift_left3A_420 : vector<16xi32>
    %and3A_422 = arith.constant 1023 : i32
    %and3A_423 = vector.broadcast %and3A_422 : i32 to vector<16xi32>
    %and3A_424 = arith.andi %get3A_415, %and3A_423 : vector<16xi32>
    %or3A_425 = arith.ori %shift_left3A_421, %and3A_424 : vector<16xi32>
    %swap3A_426 = arith.constant 2 : i32
    %swap3A_427 = arith.index_cast %swap3A_426 : i32 to index
    %swap3A_428 = arith.constant 96 : index
    %swap3A_429 = tpu.vector_load %arg6[%swap3A_427, %swap3A_428] {strides = array<i32>} : memref<5x128xi32, #tpu.memory_space<vmem>>, vector<1x16xi32>,
    %swap3A_430 = vector.shape_cast %swap3A_429 : vector<1x16xi32> to vector<16xi32>
    %swap3A_431 = vector.shape_cast %or3A_425 : vector<16xi32> to vector<1x16xi32>
    tpu.vector_store %arg6[%swap3A_427, %swap3A_428], %swap3A_431 {strides = array<i32>} : memref<5x128xi32, #tpu.memory_space<vmem>>, vector<1x16xi32>,
    %get3A_432 = arith.constant 368 : index
    %get3A_433 = tpu.vector_load %arg5[%get3A_432] {strides = array<i32>} : memref<656xi32, #tpu.memory_space<vmem>>, vector<16xi32>,
    %get3A_434 = vector.shape_cast %get3A_433 : vector<16xi32> to vector<16xi32>
    %shift_right_logical3A_435 = arith.constant 11 : i32
    %shift_right_logical3A_436 = vector.broadcast %shift_right_logical3A_435 : i32 to vector<16xi32>
    %shift_right_logical3A_437 = arith.shrui %get3A_434, %shift_right_logical3A_436 : vector<16xi32>
    %shift_left3A_438 = arith.constant 10 : i32
    %shift_left3A_439 = vector.broadcast %shift_left3A_438 : i32 to vector<16xi32>
    %shift_left3A_440 = arith.shli %shift_right_logical3A_437, %shift_left3A_439 : vector<16xi32>
    %and3A_441 = arith.constant 1023 : i32
    %and3A_442 = vector.broadcast %and3A_441 : i32 to vector<16xi32>
    %and3A_443 = arith.andi %get3A_434, %and3A_442 : vector<16xi32>
    %or3A_444 = arith.ori %shift_left3A_440, %and3A_443 : vector<16xi32>
    %swap3A_445 = arith.constant 2 : i32
    %swap3A_446 = arith.index_cast %swap3A_445 : i32 to index
    %swap3A_447 = arith.constant 112 : index
    %swap3A_448 = tpu.vector_load %arg6[%swap3A_446, %swap3A_447] {strides = array<i32>} : memref<5x128xi32, #tpu.memory_space<vmem>>, vector<1x16xi32>,
    %swap3A_449 = vector.shape_cast %swap3A_448 : vector<1x16xi32> to vector<16xi32>
    %swap3A_450 = vector.shape_cast %or3A_444 : vector<16xi32> to vector<1x16xi32>
    tpu.vector_store %arg6[%swap3A_446, %swap3A_447], %swap3A_450 {strides = array<i32>} : memref<5x128xi32, #tpu.memory_space<vmem>>, vector<1x16xi32>,
    %get3A_451 = arith.constant 384 : index
    %get3A_452 = tpu.vector_load %arg5[%get3A_451] {strides = array<i32>} : memref<656xi32, #tpu.memory_space<vmem>>, vector<16xi32>,
    %get3A_453 = vector.shape_cast %get3A_452 : vector<16xi32> to vector<16xi32>
    %shift_right_logical3A_454 = arith.constant 11 : i32
    %shift_right_logical3A_455 = vector.broadcast %shift_right_logical3A_454 : i32 to vector<16xi32>
    %shift_right_logical3A_456 = arith.shrui %get3A_453, %shift_right_logical3A_455 : vector<16xi32>
    %shift_left3A_457 = arith.constant 10 : i32
    %shift_left3A_458 = vector.broadcast %shift_left3A_457 : i32 to vector<16xi32>
    %shift_left3A_459 = arith.shli %shift_right_logical3A_456, %shift_left3A_458 : vector<16xi32>
    %and3A_460 = arith.constant 1023 : i32
    %and3A_461 = vector.broadcast %and3A_460 : i32 to vector<16xi32>
    %and3A_462 = arith.andi %get3A_453, %and3A_461 : vector<16xi32>
    %or3A_463 = arith.ori %shift_left3A_459, %and3A_462 : vector<16xi32>
    %swap3A_464 = arith.constant 3 : i32
    %swap3A_465 = arith.index_cast %swap3A_464 : i32 to index
    %swap3A_466 = arith.constant 0 : index
    %swap3A_467 = tpu.vector_load %arg6[%swap3A_465, %swap3A_466] {strides = array<i32>} : memref<5x128xi32, #tpu.memory_space<vmem>>, vector<1x16xi32>,
    %swap3A_468 = vector.shape_cast %swap3A_467 : vector<1x16xi32> to vector<16xi32>
    %swap3A_469 = vector.shape_cast %or3A_463 : vector<16xi32> to vector<1x16xi32>
    tpu.vector_store %arg6[%swap3A_465, %swap3A_466], %swap3A_469 {strides = array<i32>} : memref<5x128xi32, #tpu.memory_space<vmem>>, vector<1x16xi32>,
    %get3A_470 = arith.constant 400 : index
    %get3A_471 = tpu.vector_load %arg5[%get3A_470] {strides = array<i32>} : memref<656xi32, #tpu.memory_space<vmem>>, vector<16xi32>,
    %get3A_472 = vector.shape_cast %get3A_471 : vector<16xi32> to vector<16xi32>
    %shift_right_logical3A_473 = arith.constant 11 : i32
    %shift_right_logical3A_474 = vector.broadcast %shift_right_logical3A_473 : i32 to vector<16xi32>
    %shift_right_logical3A_475 = arith.shrui %get3A_472, %shift_right_logical3A_474 : vector<16xi32>
    %shift_left3A_476 = arith.constant 10 : i32
    %shift_left3A_477 = vector.broadcast %shift_left3A_476 : i32 to vector<16xi32>
    %shift_left3A_478 = arith.shli %shift_right_logical3A_475, %shift_left3A_477 : vector<16xi32>
    %and3A_479 = arith.constant 1023 : i32
    %and3A_480 = vector.broadcast %and3A_479 : i32 to vector<16xi32>
    %and3A_481 = arith.andi %get3A_472, %and3A_480 : vector<16xi32>
    %or3A_482 = arith.ori %shift_left3A_478, %and3A_481 : vector<16xi32>
    %swap3A_483 = arith.constant 3 : i32
    %swap3A_484 = arith.index_cast %swap3A_483 : i32 to index
    %swap3A_485 = arith.constant 16 : index
    %swap3A_486 = tpu.vector_load %arg6[%swap3A_484, %swap3A_485] {strides = array<i32>} : memref<5x128xi32, #tpu.memory_space<vmem>>, vector<1x16xi32>,
    %swap3A_487 = vector.shape_cast %swap3A_486 : vector<1x16xi32> to vector<16xi32>
    %swap3A_488 = vector.shape_cast %or3A_482 : vector<16xi32> to vector<1x16xi32>
    tpu.vector_store %arg6[%swap3A_484, %swap3A_485], %swap3A_488 {strides = array<i32>} : memref<5x128xi32, #tpu.memory_space<vmem>>, vector<1x16xi32>,
    %get3A_489 = arith.constant 416 : index
    %get3A_490 = tpu.vector_load %arg5[%get3A_489] {strides = array<i32>} : memref<656xi32, #tpu.memory_space<vmem>>, vector<16xi32>,
    %get3A_491 = vector.shape_cast %get3A_490 : vector<16xi32> to vector<16xi32>
    %shift_right_logical3A_492 = arith.constant 11 : i32
    %shift_right_logical3A_493 = vector.broadcast %shift_right_logical3A_492 : i32 to vector<16xi32>
    %shift_right_logical3A_494 = arith.shrui %get3A_491, %shift_right_logical3A_493 : vector<16xi32>
    %shift_left3A_495 = arith.constant 10 : i32
    %shift_left3A_496 = vector.broadcast %shift_left3A_495 : i32 to vector<16xi32>
    %shift_left3A_497 = arith.shli %shift_right_logical3A_494, %shift_left3A_496 : vector<16xi32>
    %and3A_498 = arith.constant 1023 : i32
    %and3A_499 = vector.broadcast %and3A_498 : i32 to vector<16xi32>
    %and3A_500 = arith.andi %get3A_491, %and3A_499 : vector<16xi32>
    %or3A_501 = arith.ori %shift_left3A_497, %and3A_500 : vector<16xi32>
    %swap3A_502 = arith.constant 3 : i32
    %swap3A_503 = arith.index_cast %swap3A_502 : i32 to index
    %swap3A_504 = arith.constant 32 : index
    %swap3A_505 = tpu.vector_load %arg6[%swap3A_503, %swap3A_504] {strides = array<i32>} : memref<5x128xi32, #tpu.memory_space<vmem>>, vector<1x16xi32>,
    %swap3A_506 = vector.shape_cast %swap3A_505 : vector<1x16xi32> to vector<16xi32>
    %swap3A_507 = vector.shape_cast %or3A_501 : vector<16xi32> to vector<1x16xi32>
    tpu.vector_store %arg6[%swap3A_503, %swap3A_504], %swap3A_507 {strides = array<i32>} : memref<5x128xi32, #tpu.memory_space<vmem>>, vector<1x16xi32>,
    %get3A_508 = arith.constant 432 : index
    %get3A_509 = tpu.vector_load %arg5[%get3A_508] {strides = array<i32>} : memref<656xi32, #tpu.memory_space<vmem>>, vector<16xi32>,
    %get3A_510 = vector.shape_cast %get3A_509 : vector<16xi32> to vector<16xi32>
    %shift_right_logical3A_511 = arith.constant 11 : i32
    %shift_right_logical3A_512 = vector.broadcast %shift_right_logical3A_511 : i32 to vector<16xi32>
    %shift_right_logical3A_513 = arith.shrui %get3A_510, %shift_right_logical3A_512 : vector<16xi32>
    %shift_left3A_514 = arith.constant 10 : i32
    %shift_left3A_515 = vector.broadcast %shift_left3A_514 : i32 to vector<16xi32>
    %shift_left3A_516 = arith.shli %shift_right_logical3A_513, %shift_left3A_515 : vector<16xi32>
    %and3A_517 = arith.constant 1023 : i32
    %and3A_518 = vector.broadcast %and3A_517 : i32 to vector<16xi32>
    %and3A_519 = arith.andi %get3A_510, %and3A_518 : vector<16xi32>
    %or3A_520 = arith.ori %shift_left3A_516, %and3A_519 : vector<16xi32>
    %swap3A_521 = arith.constant 3 : i32
    %swap3A_522 = arith.index_cast %swap3A_521 : i32 to index
    %swap3A_523 = arith.constant 48 : index
    %swap3A_524 = tpu.vector_load %arg6[%swap3A_522, %swap3A_523] {strides = array<i32>} : memref<5x128xi32, #tpu.memory_space<vmem>>, vector<1x16xi32>,
    %swap3A_525 = vector.shape_cast %swap3A_524 : vector<1x16xi32> to vector<16xi32>
    %swap3A_526 = vector.shape_cast %or3A_520 : vector<16xi32> to vector<1x16xi32>
    tpu.vector_store %arg6[%swap3A_522, %swap3A_523], %swap3A_526 {strides = array<i32>} : memref<5x128xi32, #tpu.memory_space<vmem>>, vector<1x16xi32>,
    %get3A_527 = arith.constant 448 : index
    %get3A_528 = tpu.vector_load %arg5[%get3A_527] {strides = array<i32>} : memref<656xi32, #tpu.memory_space<vmem>>, vector<16xi32>,
    %get3A_529 = vector.shape_cast %get3A_528 : vector<16xi32> to vector<16xi32>
    %shift_right_logical3A_530 = arith.constant 11 : i32
    %shift_right_logical3A_531 = vector.broadcast %shift_right_logical3A_530 : i32 to vector<16xi32>
    %shift_right_logical3A_532 = arith.shrui %get3A_529, %shift_right_logical3A_531 : vector<16xi32>
    %shift_left3A_533 = arith.constant 10 : i32
    %shift_left3A_534 = vector.broadcast %shift_left3A_533 : i32 to vector<16xi32>
    %shift_left3A_535 = arith.shli %shift_right_logical3A_532, %shift_left3A_534 : vector<16xi32>
    %and3A_536 = arith.constant 1023 : i32
    %and3A_537 = vector.broadcast %and3A_536 : i32 to vector<16xi32>
    %and3A_538 = arith.andi %get3A_529, %and3A_537 : vector<16xi32>
    %or3A_539 = arith.ori %shift_left3A_535, %and3A_538 : vector<16xi32>
    %swap3A_540 = arith.constant 3 : i32
    %swap3A_541 = arith.index_cast %swap3A_540 : i32 to index
    %swap3A_542 = arith.constant 64 : index
    %swap3A_543 = tpu.vector_load %arg6[%swap3A_541, %swap3A_542] {strides = array<i32>} : memref<5x128xi32, #tpu.memory_space<vmem>>, vector<1x16xi32>,
    %swap3A_544 = vector.shape_cast %swap3A_543 : vector<1x16xi32> to vector<16xi32>
    %swap3A_545 = vector.shape_cast %or3A_539 : vector<16xi32> to vector<1x16xi32>
    tpu.vector_store %arg6[%swap3A_541, %swap3A_542], %swap3A_545 {strides = array<i32>} : memref<5x128xi32, #tpu.memory_space<vmem>>, vector<1x16xi32>,
    %get3A_546 = arith.constant 464 : index
    %get3A_547 = tpu.vector_load %arg5[%get3A_546] {strides = array<i32>} : memref<656xi32, #tpu.memory_space<vmem>>, vector<16xi32>,
    %get3A_548 = vector.shape_cast %get3A_547 : vector<16xi32> to vector<16xi32>
    %shift_right_logical3A_549 = arith.constant 11 : i32
    %shift_right_logical3A_550 = vector.broadcast %shift_right_logical3A_549 : i32 to vector<16xi32>
    %shift_right_logical3A_551 = arith.shrui %get3A_548, %shift_right_logical3A_550 : vector<16xi32>
    %shift_left3A_552 = arith.constant 10 : i32
    %shift_left3A_553 = vector.broadcast %shift_left3A_552 : i32 to vector<16xi32>
    %shift_left3A_554 = arith.shli %shift_right_logical3A_551, %shift_left3A_553 : vector<16xi32>
    %and3A_555 = arith.constant 1023 : i32
    %and3A_556 = vector.broadcast %and3A_555 : i32 to vector<16xi32>
    %and3A_557 = arith.andi %get3A_548, %and3A_556 : vector<16xi32>
    %or3A_558 = arith.ori %shift_left3A_554, %and3A_557 : vector<16xi32>
    %swap3A_559 = arith.constant 3 : i32
    %swap3A_560 = arith.index_cast %swap3A_559 : i32 to index
    %swap3A_561 = arith.constant 80 : index
    %swap3A_562 = tpu.vector_load %arg6[%swap3A_560, %swap3A_561] {strides = array<i32>} : memref<5x128xi32, #tpu.memory_space<vmem>>, vector<1x16xi32>,
    %swap3A_563 = vector.shape_cast %swap3A_562 : vector<1x16xi32> to vector<16xi32>
    %swap3A_564 = vector.shape_cast %or3A_558 : vector<16xi32> to vector<1x16xi32>
    tpu.vector_store %arg6[%swap3A_560, %swap3A_561], %swap3A_564 {strides = array<i32>} : memref<5x128xi32, #tpu.memory_space<vmem>>, vector<1x16xi32>,
    %get3A_565 = arith.constant 480 : index
    %get3A_566 = tpu.vector_load %arg5[%get3A_565] {strides = array<i32>} : memref<656xi32, #tpu.memory_space<vmem>>, vector<16xi32>,
    %get3A_567 = vector.shape_cast %get3A_566 : vector<16xi32> to vector<16xi32>
    %shift_right_logical3A_568 = arith.constant 11 : i32
    %shift_right_logical3A_569 = vector.broadcast %shift_right_logical3A_568 : i32 to vector<16xi32>
    %shift_right_logical3A_570 = arith.shrui %get3A_567, %shift_right_logical3A_569 : vector<16xi32>
    %shift_left3A_571 = arith.constant 10 : i32
    %shift_left3A_572 = vector.broadcast %shift_left3A_571 : i32 to vector<16xi32>
    %shift_left3A_573 = arith.shli %shift_right_logical3A_570, %shift_left3A_572 : vector<16xi32>
    %and3A_574 = arith.constant 1023 : i32
    %and3A_575 = vector.broadcast %and3A_574 : i32 to vector<16xi32>
    %and3A_576 = arith.andi %get3A_567, %and3A_575 : vector<16xi32>
    %or3A_577 = arith.ori %shift_left3A_573, %and3A_576 : vector<16xi32>
    %swap3A_578 = arith.constant 3 : i32
    %swap3A_579 = arith.index_cast %swap3A_578 : i32 to index
    %swap3A_580 = arith.constant 96 : index
    %swap3A_581 = tpu.vector_load %arg6[%swap3A_579, %swap3A_580] {strides = array<i32>} : memref<5x128xi32, #tpu.memory_space<vmem>>, vector<1x16xi32>,
    %swap3A_582 = vector.shape_cast %swap3A_581 : vector<1x16xi32> to vector<16xi32>
    %swap3A_583 = vector.shape_cast %or3A_577 : vector<16xi32> to vector<1x16xi32>
    tpu.vector_store %arg6[%swap3A_579, %swap3A_580], %swap3A_583 {strides = array<i32>} : memref<5x128xi32, #tpu.memory_space<vmem>>, vector<1x16xi32>,
    %get3A_584 = arith.constant 496 : index
    %get3A_585 = tpu.vector_load %arg5[%get3A_584] {strides = array<i32>} : memref<656xi32, #tpu.memory_space<vmem>>, vector<16xi32>,
    %get3A_586 = vector.shape_cast %get3A_585 : vector<16xi32> to vector<16xi32>
    %shift_right_logical3A_587 = arith.constant 11 : i32
    %shift_right_logical3A_588 = vector.broadcast %shift_right_logical3A_587 : i32 to vector<16xi32>
    %shift_right_logical3A_589 = arith.shrui %get3A_586, %shift_right_logical3A_588 : vector<16xi32>
    %shift_left3A_590 = arith.constant 10 : i32
    %shift_left3A_591 = vector.broadcast %shift_left3A_590 : i32 to vector<16xi32>
    %shift_left3A_592 = arith.shli %shift_right_logical3A_589, %shift_left3A_591 : vector<16xi32>
    %and3A_593 = arith.constant 1023 : i32
    %and3A_594 = vector.broadcast %and3A_593 : i32 to vector<16xi32>
    %and3A_595 = arith.andi %get3A_586, %and3A_594 : vector<16xi32>
    %or3A_596 = arith.ori %shift_left3A_592, %and3A_595 : vector<16xi32>
    %swap3A_597 = arith.constant 3 : i32
    %swap3A_598 = arith.index_cast %swap3A_597 : i32 to index
    %swap3A_599 = arith.constant 112 : index
    %swap3A_600 = tpu.vector_load %arg6[%swap3A_598, %swap3A_599] {strides = array<i32>} : memref<5x128xi32, #tpu.memory_space<vmem>>, vector<1x16xi32>,
    %swap3A_601 = vector.shape_cast %swap3A_600 : vector<1x16xi32> to vector<16xi32>
    %swap3A_602 = vector.shape_cast %or3A_596 : vector<16xi32> to vector<1x16xi32>
    tpu.vector_store %arg6[%swap3A_598, %swap3A_599], %swap3A_602 {strides = array<i32>} : memref<5x128xi32, #tpu.memory_space<vmem>>, vector<1x16xi32>,
    %get3A_603 = arith.constant 512 : index
    %get3A_604 = tpu.vector_load %arg5[%get3A_603] {strides = array<i32>} : memref<656xi32, #tpu.memory_space<vmem>>, vector<16xi32>,
    %get3A_605 = vector.shape_cast %get3A_604 : vector<16xi32> to vector<16xi32>
    %shift_right_logical3A_606 = arith.constant 11 : i32
    %shift_right_logical3A_607 = vector.broadcast %shift_right_logical3A_606 : i32 to vector<16xi32>
    %shift_right_logical3A_608 = arith.shrui %get3A_605, %shift_right_logical3A_607 : vector<16xi32>
    %shift_left3A_609 = arith.constant 10 : i32
    %shift_left3A_610 = vector.broadcast %shift_left3A_609 : i32 to vector<16xi32>
    %shift_left3A_611 = arith.shli %shift_right_logical3A_608, %shift_left3A_610 : vector<16xi32>
    %and3A_612 = arith.constant 1023 : i32
    %and3A_613 = vector.broadcast %and3A_612 : i32 to vector<16xi32>
    %and3A_614 = arith.andi %get3A_605, %and3A_613 : vector<16xi32>
    %or3A_615 = arith.ori %shift_left3A_611, %and3A_614 : vector<16xi32>
    %swap3A_616 = arith.constant 4 : i32
    %swap3A_617 = arith.index_cast %swap3A_616 : i32 to index
    %swap3A_618 = arith.constant 0 : index
    %swap3A_619 = tpu.vector_load %arg6[%swap3A_617, %swap3A_618] {strides = array<i32>} : memref<5x128xi32, #tpu.memory_space<vmem>>, vector<1x16xi32>,
    %swap3A_620 = vector.shape_cast %swap3A_619 : vector<1x16xi32> to vector<16xi32>
    %swap3A_621 = vector.shape_cast %or3A_615 : vector<16xi32> to vector<1x16xi32>
    tpu.vector_store %arg6[%swap3A_617, %swap3A_618], %swap3A_621 {strides = array<i32>} : memref<5x128xi32, #tpu.memory_space<vmem>>, vector<1x16xi32>,
    %get3A_622 = arith.constant 528 : index
    %get3A_623 = tpu.vector_load %arg5[%get3A_622] {strides = array<i32>} : memref<656xi32, #tpu.memory_space<vmem>>, vector<16xi32>,
    %get3A_624 = vector.shape_cast %get3A_623 : vector<16xi32> to vector<16xi32>
    %shift_right_logical3A_625 = arith.constant 11 : i32
    %shift_right_logical3A_626 = vector.broadcast %shift_right_logical3A_625 : i32 to vector<16xi32>
    %shift_right_logical3A_627 = arith.shrui %get3A_624, %shift_right_logical3A_626 : vector<16xi32>
    %shift_left3A_628 = arith.constant 10 : i32
    %shift_left3A_629 = vector.broadcast %shift_left3A_628 : i32 to vector<16xi32>
    %shift_left3A_630 = arith.shli %shift_right_logical3A_627, %shift_left3A_629 : vector<16xi32>
    %and3A_631 = arith.constant 1023 : i32
    %and3A_632 = vector.broadcast %and3A_631 : i32 to vector<16xi32>
    %and3A_633 = arith.andi %get3A_624, %and3A_632 : vector<16xi32>
    %or3A_634 = arith.ori %shift_left3A_630, %and3A_633 : vector<16xi32>
    %swap3A_635 = arith.constant 4 : i32
    %swap3A_636 = arith.index_cast %swap3A_635 : i32 to index
    %swap3A_637 = arith.constant 16 : index
    %swap3A_638 = tpu.vector_load %arg6[%swap3A_636, %swap3A_637] {strides = array<i32>} : memref<5x128xi32, #tpu.memory_space<vmem>>, vector<1x16xi32>,
    %swap3A_639 = vector.shape_cast %swap3A_638 : vector<1x16xi32> to vector<16xi32>
    %swap3A_640 = vector.shape_cast %or3A_634 : vector<16xi32> to vector<1x16xi32>
    tpu.vector_store %arg6[%swap3A_636, %swap3A_637], %swap3A_640 {strides = array<i32>} : memref<5x128xi32, #tpu.memory_space<vmem>>, vector<1x16xi32>,
    %get3A_641 = arith.constant 544 : index
    %get3A_642 = tpu.vector_load %arg5[%get3A_641] {strides = array<i32>} : memref<656xi32, #tpu.memory_space<vmem>>, vector<16xi32>,
    %get3A_643 = vector.shape_cast %get3A_642 : vector<16xi32> to vector<16xi32>
    %shift_right_logical3A_644 = arith.constant 11 : i32
    %shift_right_logical3A_645 = vector.broadcast %shift_right_logical3A_644 : i32 to vector<16xi32>
    %shift_right_logical3A_646 = arith.shrui %get3A_643, %shift_right_logical3A_645 : vector<16xi32>
    %shift_left3A_647 = arith.constant 10 : i32
    %shift_left3A_648 = vector.broadcast %shift_left3A_647 : i32 to vector<16xi32>
    %shift_left3A_649 = arith.shli %shift_right_logical3A_646, %shift_left3A_648 : vector<16xi32>
    %and3A_650 = arith.constant 1023 : i32
    %and3A_651 = vector.broadcast %and3A_650 : i32 to vector<16xi32>
    %and3A_652 = arith.andi %get3A_643, %and3A_651 : vector<16xi32>
    %or3A_653 = arith.ori %shift_left3A_649, %and3A_652 : vector<16xi32>
    %swap3A_654 = arith.constant 4 : i32
    %swap3A_655 = arith.index_cast %swap3A_654 : i32 to index
    %swap3A_656 = arith.constant 32 : index
    %swap3A_657 = tpu.vector_load %arg6[%swap3A_655, %swap3A_656] {strides = array<i32>} : memref<5x128xi32, #tpu.memory_space<vmem>>, vector<1x16xi32>,
    %swap3A_658 = vector.shape_cast %swap3A_657 : vector<1x16xi32> to vector<16xi32>
    %swap3A_659 = vector.shape_cast %or3A_653 : vector<16xi32> to vector<1x16xi32>
    tpu.vector_store %arg6[%swap3A_655, %swap3A_656], %swap3A_659 {strides = array<i32>} : memref<5x128xi32, #tpu.memory_space<vmem>>, vector<1x16xi32>,
    %get3A_660 = arith.constant 560 : index
    %get3A_661 = tpu.vector_load %arg5[%get3A_660] {strides = array<i32>} : memref<656xi32, #tpu.memory_space<vmem>>, vector<16xi32>,
    %get3A_662 = vector.shape_cast %get3A_661 : vector<16xi32> to vector<16xi32>
    %shift_right_logical3A_663 = arith.constant 11 : i32
    %shift_right_logical3A_664 = vector.broadcast %shift_right_logical3A_663 : i32 to vector<16xi32>
    %shift_right_logical3A_665 = arith.shrui %get3A_662, %shift_right_logical3A_664 : vector<16xi32>
    %shift_left3A_666 = arith.constant 10 : i32
    %shift_left3A_667 = vector.broadcast %shift_left3A_666 : i32 to vector<16xi32>
    %shift_left3A_668 = arith.shli %shift_right_logical3A_665, %shift_left3A_667 : vector<16xi32>
    %and3A_669 = arith.constant 1023 : i32
    %and3A_670 = vector.broadcast %and3A_669 : i32 to vector<16xi32>
    %and3A_671 = arith.andi %get3A_662, %and3A_670 : vector<16xi32>
    %or3A_672 = arith.ori %shift_left3A_668, %and3A_671 : vector<16xi32>
    %swap3A_673 = arith.constant 4 : i32
    %swap3A_674 = arith.index_cast %swap3A_673 : i32 to index
    %swap3A_675 = arith.constant 48 : index
    %swap3A_676 = tpu.vector_load %arg6[%swap3A_674, %swap3A_675] {strides = array<i32>} : memref<5x128xi32, #tpu.memory_space<vmem>>, vector<1x16xi32>,
    %swap3A_677 = vector.shape_cast %swap3A_676 : vector<1x16xi32> to vector<16xi32>
    %swap3A_678 = vector.shape_cast %or3A_672 : vector<16xi32> to vector<1x16xi32>
    tpu.vector_store %arg6[%swap3A_674, %swap3A_675], %swap3A_678 {strides = array<i32>} : memref<5x128xi32, #tpu.memory_space<vmem>>, vector<1x16xi32>,
    %get3A_679 = arith.constant 576 : index
    %get3A_680 = tpu.vector_load %arg5[%get3A_679] {strides = array<i32>} : memref<656xi32, #tpu.memory_space<vmem>>, vector<16xi32>,
    %get3A_681 = vector.shape_cast %get3A_680 : vector<16xi32> to vector<16xi32>
    %shift_right_logical3A_682 = arith.constant 11 : i32
    %shift_right_logical3A_683 = vector.broadcast %shift_right_logical3A_682 : i32 to vector<16xi32>
    %shift_right_logical3A_684 = arith.shrui %get3A_681, %shift_right_logical3A_683 : vector<16xi32>
    %shift_left3A_685 = arith.constant 10 : i32
    %shift_left3A_686 = vector.broadcast %shift_left3A_685 : i32 to vector<16xi32>
    %shift_left3A_687 = arith.shli %shift_right_logical3A_684, %shift_left3A_686 : vector<16xi32>
    %and3A_688 = arith.constant 1023 : i32
    %and3A_689 = vector.broadcast %and3A_688 : i32 to vector<16xi32>
    %and3A_690 = arith.andi %get3A_681, %and3A_689 : vector<16xi32>
    %or3A_691 = arith.ori %shift_left3A_687, %and3A_690 : vector<16xi32>
    %swap3A_692 = arith.constant 4 : i32
    %swap3A_693 = arith.index_cast %swap3A_692 : i32 to index
    %swap3A_694 = arith.constant 64 : index
    %swap3A_695 = tpu.vector_load %arg6[%swap3A_693, %swap3A_694] {strides = array<i32>} : memref<5x128xi32, #tpu.memory_space<vmem>>, vector<1x16xi32>,
    %swap3A_696 = vector.shape_cast %swap3A_695 : vector<1x16xi32> to vector<16xi32>
    %swap3A_697 = vector.shape_cast %or3A_691 : vector<16xi32> to vector<1x16xi32>
    tpu.vector_store %arg6[%swap3A_693, %swap3A_694], %swap3A_697 {strides = array<i32>} : memref<5x128xi32, #tpu.memory_space<vmem>>, vector<1x16xi32>,
    %get3A_698 = arith.constant 592 : index
    %get3A_699 = tpu.vector_load %arg5[%get3A_698] {strides = array<i32>} : memref<656xi32, #tpu.memory_space<vmem>>, vector<16xi32>,
    %get3A_700 = vector.shape_cast %get3A_699 : vector<16xi32> to vector<16xi32>
    %shift_right_logical3A_701 = arith.constant 11 : i32
    %shift_right_logical3A_702 = vector.broadcast %shift_right_logical3A_701 : i32 to vector<16xi32>
    %shift_right_logical3A_703 = arith.shrui %get3A_700, %shift_right_logical3A_702 : vector<16xi32>
    %shift_left3A_704 = arith.constant 10 : i32
    %shift_left3A_705 = vector.broadcast %shift_left3A_704 : i32 to vector<16xi32>
    %shift_left3A_706 = arith.shli %shift_right_logical3A_703, %shift_left3A_705 : vector<16xi32>
    %and3A_707 = arith.constant 1023 : i32
    %and3A_708 = vector.broadcast %and3A_707 : i32 to vector<16xi32>
    %and3A_709 = arith.andi %get3A_700, %and3A_708 : vector<16xi32>
    %or3A_710 = arith.ori %shift_left3A_706, %and3A_709 : vector<16xi32>
    %swap3A_711 = arith.constant 4 : i32
    %swap3A_712 = arith.index_cast %swap3A_711 : i32 to index
    %swap3A_713 = arith.constant 80 : index
    %swap3A_714 = tpu.vector_load %arg6[%swap3A_712, %swap3A_713] {strides = array<i32>} : memref<5x128xi32, #tpu.memory_space<vmem>>, vector<1x16xi32>,
    %swap3A_715 = vector.shape_cast %swap3A_714 : vector<1x16xi32> to vector<16xi32>
    %swap3A_716 = vector.shape_cast %or3A_710 : vector<16xi32> to vector<1x16xi32>
    tpu.vector_store %arg6[%swap3A_712, %swap3A_713], %swap3A_716 {strides = array<i32>} : memref<5x128xi32, #tpu.memory_space<vmem>>, vector<1x16xi32>,
    %get3A_717 = arith.constant 608 : index
    %get3A_718 = tpu.vector_load %arg5[%get3A_717] {strides = array<i32>} : memref<656xi32, #tpu.memory_space<vmem>>, vector<16xi32>,
    %get3A_719 = vector.shape_cast %get3A_718 : vector<16xi32> to vector<16xi32>
    %shift_right_logical3A_720 = arith.constant 11 : i32
    %shift_right_logical3A_721 = vector.broadcast %shift_right_logical3A_720 : i32 to vector<16xi32>
    %shift_right_logical3A_722 = arith.shrui %get3A_719, %shift_right_logical3A_721 : vector<16xi32>
    %shift_left3A_723 = arith.constant 10 : i32
    %shift_left3A_724 = vector.broadcast %shift_left3A_723 : i32 to vector<16xi32>
    %shift_left3A_725 = arith.shli %shift_right_logical3A_722, %shift_left3A_724 : vector<16xi32>
    %and3A_726 = arith.constant 1023 : i32
    %and3A_727 = vector.broadcast %and3A_726 : i32 to vector<16xi32>
    %and3A_728 = arith.andi %get3A_719, %and3A_727 : vector<16xi32>
    %or3A_729 = arith.ori %shift_left3A_725, %and3A_728 : vector<16xi32>
    %swap3A_730 = arith.constant 4 : i32
    %swap3A_731 = arith.index_cast %swap3A_730 : i32 to index
    %swap3A_732 = arith.constant 96 : index
    %swap3A_733 = tpu.vector_load %arg6[%swap3A_731, %swap3A_732] {strides = array<i32>} : memref<5x128xi32, #tpu.memory_space<vmem>>, vector<1x16xi32>,
    %swap3A_734 = vector.shape_cast %swap3A_733 : vector<1x16xi32> to vector<16xi32>
    %swap3A_735 = vector.shape_cast %or3A_729 : vector<16xi32> to vector<1x16xi32>
    tpu.vector_store %arg6[%swap3A_731, %swap3A_732], %swap3A_735 {strides = array<i32>} : memref<5x128xi32, #tpu.memory_space<vmem>>, vector<1x16xi32>,
    %get3A_736 = arith.constant 624 : index
    %get3A_737 = tpu.vector_load %arg5[%get3A_736] {strides = array<i32>} : memref<656xi32, #tpu.memory_space<vmem>>, vector<16xi32>,
    %get3A_738 = vector.shape_cast %get3A_737 : vector<16xi32> to vector<16xi32>
    %shift_right_logical3A_739 = arith.constant 11 : i32
    %shift_right_logical3A_740 = vector.broadcast %shift_right_logical3A_739 : i32 to vector<16xi32>
    %shift_right_logical3A_741 = arith.shrui %get3A_738, %shift_right_logical3A_740 : vector<16xi32>
    %shift_left3A_742 = arith.constant 10 : i32
    %shift_left3A_743 = vector.broadcast %shift_left3A_742 : i32 to vector<16xi32>
    %shift_left3A_744 = arith.shli %shift_right_logical3A_741, %shift_left3A_743 : vector<16xi32>
    %and3A_745 = arith.constant 1023 : i32
    %and3A_746 = vector.broadcast %and3A_745 : i32 to vector<16xi32>
    %and3A_747 = arith.andi %get3A_738, %and3A_746 : vector<16xi32>
    %or3A_748 = arith.ori %shift_left3A_744, %and3A_747 : vector<16xi32>
    %swap3A_749 = arith.constant 4 : i32
    %swap3A_750 = arith.index_cast %swap3A_749 : i32 to index
    %swap3A_751 = arith.constant 112 : index
    %swap3A_752 = tpu.vector_load %arg6[%swap3A_750, %swap3A_751] {strides = array<i32>} : memref<5x128xi32, #tpu.memory_space<vmem>>, vector<1x16xi32>,
    %swap3A_753 = vector.shape_cast %swap3A_752 : vector<1x16xi32> to vector<16xi32>
    %swap3A_754 = vector.shape_cast %or3A_748 : vector<16xi32> to vector<1x16xi32>
    tpu.vector_store %arg6[%swap3A_750, %swap3A_751], %swap3A_754 {strides = array<i32>} : memref<5x128xi32, #tpu.memory_space<vmem>>, vector<1x16xi32>,
    %dma_start3A = arith.constant 0 : i32
    %dma_start3A_755 = arith.constant 0 : i32
    %dma_start3A_756 = arith.constant 0 : i32
    %dma_start3A_757 = tpu.memref_slice %arg7[%dma_start3A_755, %dma_start3A_756] : memref<640x128xf32, #tpu.memory_space<vmem>> -> memref<128x128xf32, #tpu.memory_space<vmem>>
    %dma_start3A_758 = arith.constant 0 : i32
    %dma_start3A_759 = tpu.memref_slice %arg6[%dma_start3A, %dma_start3A_758] : memref<5x128xi32, #tpu.memory_space<vmem>> -> memref<1x128xi32, #tpu.memory_space<vmem>>
    %dma_start3A_760 = tpu.memref_squeeze %dma_start3A_759 : memref<1x128xi32, #tpu.memory_space<vmem>> -> memref<128xi32, #tpu.memory_space<vmem>>
    %dma_start3A_761 = arith.constant 0 : i32
    %dma_start3A_762 = arith.constant 0 : i32
    %dma_start3A_763 = tpu.memref_slice %arg3[%dma_start3A_761, %dma_start3A_762] : memref<50176x128xf32, #tpu.memory_space<hbm>> -> memref<50176x128xf32, #tpu.memory_space<hbm>>
    tpu.enqueue_indirect_dma source(%dma_start3A_763 : memref<50176x128xf32, #tpu.memory_space<hbm>>) target(%dma_start3A_757 : memref<128x128xf32, #tpu.memory_space<vmem>>) offsets(%dma_start3A_760 : memref<128xi32, #tpu.memory_space<vmem>>) semaphore(%arg9 : memref<!tpu.dma_semaphore, #tpu.memory_space<semaphore_mem>>)
    %dma_start3A_764 = arith.constant 1 : i32
    %dma_start3A_765 = arith.constant 128 : i32
    %dma_start3A_766 = arith.constant 0 : i32
    %dma_start3A_767 = tpu.memref_slice %arg7[%dma_start3A_765, %dma_start3A_766] : memref<640x128xf32, #tpu.memory_space<vmem>> -> memref<128x128xf32, #tpu.memory_space<vmem>>
    %dma_start3A_768 = arith.constant 0 : i32
    %dma_start3A_769 = tpu.memref_slice %arg6[%dma_start3A_764, %dma_start3A_768] : memref<5x128xi32, #tpu.memory_space<vmem>> -> memref<1x128xi32, #tpu.memory_space<vmem>>
    %dma_start3A_770 = tpu.memref_squeeze %dma_start3A_769 : memref<1x128xi32, #tpu.memory_space<vmem>> -> memref<128xi32, #tpu.memory_space<vmem>>
    %dma_start3A_771 = arith.constant 0 : i32
    %dma_start3A_772 = arith.constant 0 : i32
    %dma_start3A_773 = tpu.memref_slice %arg3[%dma_start3A_771, %dma_start3A_772] : memref<50176x128xf32, #tpu.memory_space<hbm>> -> memref<50176x128xf32, #tpu.memory_space<hbm>>
    tpu.enqueue_indirect_dma source(%dma_start3A_773 : memref<50176x128xf32, #tpu.memory_space<hbm>>) target(%dma_start3A_767 : memref<128x128xf32, #tpu.memory_space<vmem>>) offsets(%dma_start3A_770 : memref<128xi32, #tpu.memory_space<vmem>>) semaphore(%arg9 : memref<!tpu.dma_semaphore, #tpu.memory_space<semaphore_mem>>)
    %dma_start3A_774 = arith.constant 2 : i32
    %dma_start3A_775 = arith.constant 256 : i32
    %dma_start3A_776 = arith.constant 0 : i32
    %dma_start3A_777 = tpu.memref_slice %arg7[%dma_start3A_775, %dma_start3A_776] : memref<640x128xf32, #tpu.memory_space<vmem>> -> memref<128x128xf32, #tpu.memory_space<vmem>>
    %dma_start3A_778 = arith.constant 0 : i32
    %dma_start3A_779 = tpu.memref_slice %arg6[%dma_start3A_774, %dma_start3A_778] : memref<5x128xi32, #tpu.memory_space<vmem>> -> memref<1x128xi32, #tpu.memory_space<vmem>>
    %dma_start3A_780 = tpu.memref_squeeze %dma_start3A_779 : memref<1x128xi32, #tpu.memory_space<vmem>> -> memref<128xi32, #tpu.memory_space<vmem>>
    %dma_start3A_781 = arith.constant 0 : i32
    %dma_start3A_782 = arith.constant 0 : i32
    %dma_start3A_783 = tpu.memref_slice %arg3[%dma_start3A_781, %dma_start3A_782] : memref<50176x128xf32, #tpu.memory_space<hbm>> -> memref<50176x128xf32, #tpu.memory_space<hbm>>
    tpu.enqueue_indirect_dma source(%dma_start3A_783 : memref<50176x128xf32, #tpu.memory_space<hbm>>) target(%dma_start3A_777 : memref<128x128xf32, #tpu.memory_space<vmem>>) offsets(%dma_start3A_780 : memref<128xi32, #tpu.memory_space<vmem>>) semaphore(%arg9 : memref<!tpu.dma_semaphore, #tpu.memory_space<semaphore_mem>>)
    %dma_start3A_784 = arith.constant 3 : i32
    %dma_start3A_785 = arith.constant 384 : i32
    %dma_start3A_786 = arith.constant 0 : i32
    %dma_start3A_787 = tpu.memref_slice %arg7[%dma_start3A_785, %dma_start3A_786] : memref<640x128xf32, #tpu.memory_space<vmem>> -> memref<128x128xf32, #tpu.memory_space<vmem>>
    %dma_start3A_788 = arith.constant 0 : i32
    %dma_start3A_789 = tpu.memref_slice %arg6[%dma_start3A_784, %dma_start3A_788] : memref<5x128xi32, #tpu.memory_space<vmem>> -> memref<1x128xi32, #tpu.memory_space<vmem>>
    %dma_start3A_790 = tpu.memref_squeeze %dma_start3A_789 : memref<1x128xi32, #tpu.memory_space<vmem>> -> memref<128xi32, #tpu.memory_space<vmem>>
    %dma_start3A_791 = arith.constant 0 : i32
    %dma_start3A_792 = arith.constant 0 : i32
    %dma_start3A_793 = tpu.memref_slice %arg3[%dma_start3A_791, %dma_start3A_792] : memref<50176x128xf32, #tpu.memory_space<hbm>> -> memref<50176x128xf32, #tpu.memory_space<hbm>>
    tpu.enqueue_indirect_dma source(%dma_start3A_793 : memref<50176x128xf32, #tpu.memory_space<hbm>>) target(%dma_start3A_787 : memref<128x128xf32, #tpu.memory_space<vmem>>) offsets(%dma_start3A_790 : memref<128xi32, #tpu.memory_space<vmem>>) semaphore(%arg9 : memref<!tpu.dma_semaphore, #tpu.memory_space<semaphore_mem>>)
    %dma_start3A_794 = arith.constant 4 : i32
    %dma_start3A_795 = arith.constant 512 : i32
    %dma_start3A_796 = arith.constant 0 : i32
    %dma_start3A_797 = tpu.memref_slice %arg7[%dma_start3A_795, %dma_start3A_796] : memref<640x128xf32, #tpu.memory_space<vmem>> -> memref<128x128xf32, #tpu.memory_space<vmem>>
    %dma_start3A_798 = arith.constant 0 : i32
    %dma_start3A_799 = tpu.memref_slice %arg6[%dma_start3A_794, %dma_start3A_798] : memref<5x128xi32, #tpu.memory_space<vmem>> -> memref<1x128xi32, #tpu.memory_space<vmem>>
    %dma_start3A_800 = tpu.memref_squeeze %dma_start3A_799 : memref<1x128xi32, #tpu.memory_space<vmem>> -> memref<128xi32, #tpu.memory_space<vmem>>
    %dma_start3A_801 = arith.constant 0 : i32
    %dma_start3A_802 = arith.constant 0 : i32
    %dma_start3A_803 = tpu.memref_slice %arg3[%dma_start3A_801, %dma_start3A_802] : memref<50176x128xf32, #tpu.memory_space<hbm>> -> memref<50176x128xf32, #tpu.memory_space<hbm>>
    tpu.enqueue_indirect_dma source(%dma_start3A_803 : memref<50176x128xf32, #tpu.memory_space<hbm>>) target(%dma_start3A_797 : memref<128x128xf32, #tpu.memory_space<vmem>>) offsets(%dma_start3A_800 : memref<128xi32, #tpu.memory_space<vmem>>) semaphore(%arg9 : memref<!tpu.dma_semaphore, #tpu.memory_space<semaphore_mem>>)
    %dma_wait3A = arith.constant 0 : i32
    %dma_wait3A_804 = arith.constant 0 : i32
    %dma_wait3A_805 = arith.constant 0 : i32
    %dma_wait3A_806 = tpu.memref_slice %arg7[%dma_wait3A_804, %dma_wait3A_805] : memref<640x128xf32, #tpu.memory_space<vmem>> -> memref<128x128xf32, #tpu.memory_space<vmem>>
    %dma_wait3A_807 = arith.constant 0 : i32
    %dma_wait3A_808 = tpu.memref_slice %arg6[%dma_wait3A, %dma_wait3A_807] : memref<5x128xi32, #tpu.memory_space<vmem>> -> memref<1x128xi32, #tpu.memory_space<vmem>>
    %dma_wait3A_809 = tpu.memref_squeeze %dma_wait3A_808 : memref<1x128xi32, #tpu.memory_space<vmem>> -> memref<128xi32, #tpu.memory_space<vmem>>
    %dma_wait3A_810 = arith.constant 0 : i32
    %dma_wait3A_811 = arith.constant 0 : i32
    %dma_wait3A_812 = tpu.memref_slice %arg3[%dma_wait3A_810, %dma_wait3A_811] : memref<50176x128xf32, #tpu.memory_space<hbm>> -> memref<50176x128xf32, #tpu.memory_space<hbm>>
    tpu.wait_indirect_dma semaphore(%arg9 : memref<!tpu.dma_semaphore, #tpu.memory_space<semaphore_mem>>) src(%dma_wait3A_812 : memref<50176x128xf32, #tpu.memory_space<hbm>>) dst(%dma_wait3A_806 : memref<128x128xf32, #tpu.memory_space<vmem>>)
    %dma_wait3A_813 = arith.constant 1 : i32
    %dma_wait3A_814 = arith.constant 128 : i32
    %dma_wait3A_815 = arith.constant 0 : i32
    %dma_wait3A_816 = tpu.memref_slice %arg7[%dma_wait3A_814, %dma_wait3A_815] : memref<640x128xf32, #tpu.memory_space<vmem>> -> memref<128x128xf32, #tpu.memory_space<vmem>>
    %dma_wait3A_817 = arith.constant 0 : i32
    %dma_wait3A_818 = tpu.memref_slice %arg6[%dma_wait3A_813, %dma_wait3A_817] : memref<5x128xi32, #tpu.memory_space<vmem>> -> memref<1x128xi32, #tpu.memory_space<vmem>>
    %dma_wait3A_819 = tpu.memref_squeeze %dma_wait3A_818 : memref<1x128xi32, #tpu.memory_space<vmem>> -> memref<128xi32, #tpu.memory_space<vmem>>
    %dma_wait3A_820 = arith.constant 0 : i32
    %dma_wait3A_821 = arith.constant 0 : i32
    %dma_wait3A_822 = tpu.memref_slice %arg3[%dma_wait3A_820, %dma_wait3A_821] : memref<50176x128xf32, #tpu.memory_space<hbm>> -> memref<50176x128xf32, #tpu.memory_space<hbm>>
    tpu.wait_indirect_dma semaphore(%arg9 : memref<!tpu.dma_semaphore, #tpu.memory_space<semaphore_mem>>) src(%dma_wait3A_822 : memref<50176x128xf32, #tpu.memory_space<hbm>>) dst(%dma_wait3A_816 : memref<128x128xf32, #tpu.memory_space<vmem>>)
    %dma_wait3A_823 = arith.constant 2 : i32
    %dma_wait3A_824 = arith.constant 256 : i32
    %dma_wait3A_825 = arith.constant 0 : i32
    %dma_wait3A_826 = tpu.memref_slice %arg7[%dma_wait3A_824, %dma_wait3A_825] : memref<640x128xf32, #tpu.memory_space<vmem>> -> memref<128x128xf32, #tpu.memory_space<vmem>>
    %dma_wait3A_827 = arith.constant 0 : i32
    %dma_wait3A_828 = tpu.memref_slice %arg6[%dma_wait3A_823, %dma_wait3A_827] : memref<5x128xi32, #tpu.memory_space<vmem>> -> memref<1x128xi32, #tpu.memory_space<vmem>>
    %dma_wait3A_829 = tpu.memref_squeeze %dma_wait3A_828 : memref<1x128xi32, #tpu.memory_space<vmem>> -> memref<128xi32, #tpu.memory_space<vmem>>
    %dma_wait3A_830 = arith.constant 0 : i32
    %dma_wait3A_831 = arith.constant 0 : i32
    %dma_wait3A_832 = tpu.memref_slice %arg3[%dma_wait3A_830, %dma_wait3A_831] : memref<50176x128xf32, #tpu.memory_space<hbm>> -> memref<50176x128xf32, #tpu.memory_space<hbm>>
    tpu.wait_indirect_dma semaphore(%arg9 : memref<!tpu.dma_semaphore, #tpu.memory_space<semaphore_mem>>) src(%dma_wait3A_832 : memref<50176x128xf32, #tpu.memory_space<hbm>>) dst(%dma_wait3A_826 : memref<128x128xf32, #tpu.memory_space<vmem>>)
    %dma_wait3A_833 = arith.constant 3 : i32
    %dma_wait3A_834 = arith.constant 384 : i32
    %dma_wait3A_835 = arith.constant 0 : i32
    %dma_wait3A_836 = tpu.memref_slice %arg7[%dma_wait3A_834, %dma_wait3A_835] : memref<640x128xf32, #tpu.memory_space<vmem>> -> memref<128x128xf32, #tpu.memory_space<vmem>>
    %dma_wait3A_837 = arith.constant 0 : i32
    %dma_wait3A_838 = tpu.memref_slice %arg6[%dma_wait3A_833, %dma_wait3A_837] : memref<5x128xi32, #tpu.memory_space<vmem>> -> memref<1x128xi32, #tpu.memory_space<vmem>>
    %dma_wait3A_839 = tpu.memref_squeeze %dma_wait3A_838 : memref<1x128xi32, #tpu.memory_space<vmem>> -> memref<128xi32, #tpu.memory_space<vmem>>
    %dma_wait3A_840 = arith.constant 0 : i32
    %dma_wait3A_841 = arith.constant 0 : i32
    %dma_wait3A_842 = tpu.memref_slice %arg3[%dma_wait3A_840, %dma_wait3A_841] : memref<50176x128xf32, #tpu.memory_space<hbm>> -> memref<50176x128xf32, #tpu.memory_space<hbm>>
    tpu.wait_indirect_dma semaphore(%arg9 : memref<!tpu.dma_semaphore, #tpu.memory_space<semaphore_mem>>) src(%dma_wait3A_842 : memref<50176x128xf32, #tpu.memory_space<hbm>>) dst(%dma_wait3A_836 : memref<128x128xf32, #tpu.memory_space<vmem>>)
    %dma_wait3A_843 = arith.constant 4 : i32
    %dma_wait3A_844 = arith.constant 512 : i32
    %dma_wait3A_845 = arith.constant 0 : i32
    %dma_wait3A_846 = tpu.memref_slice %arg7[%dma_wait3A_844, %dma_wait3A_845] : memref<640x128xf32, #tpu.memory_space<vmem>> -> memref<128x128xf32, #tpu.memory_space<vmem>>
    %dma_wait3A_847 = arith.constant 0 : i32
    %dma_wait3A_848 = tpu.memref_slice %arg6[%dma_wait3A_843, %dma_wait3A_847] : memref<5x128xi32, #tpu.memory_space<vmem>> -> memref<1x128xi32, #tpu.memory_space<vmem>>
    %dma_wait3A_849 = tpu.memref_squeeze %dma_wait3A_848 : memref<1x128xi32, #tpu.memory_space<vmem>> -> memref<128xi32, #tpu.memory_space<vmem>>
    %dma_wait3A_850 = arith.constant 0 : i32
    %dma_wait3A_851 = arith.constant 0 : i32
    %dma_wait3A_852 = tpu.memref_slice %arg3[%dma_wait3A_850, %dma_wait3A_851] : memref<50176x128xf32, #tpu.memory_space<hbm>> -> memref<50176x128xf32, #tpu.memory_space<hbm>>
    tpu.wait_indirect_dma semaphore(%arg9 : memref<!tpu.dma_semaphore, #tpu.memory_space<semaphore_mem>>) src(%dma_wait3A_852 : memref<50176x128xf32, #tpu.memory_space<hbm>>) dst(%dma_wait3A_846 : memref<128x128xf32, #tpu.memory_space<vmem>>)
    %scan3A = arith.constant 0 : i32
    %scan3A_853 = arith.constant 0 : i32
    %scan3A_854 = arith.constant 32 : i32
    %scan3A_855 = arith.addi %scan3A_853, %scan3A_854 : i32
    %scan3A_856 = arith.constant 1 : i32
    scf.for %scan3A_860 = %scan3A_853 to %scan3A_855 step %scan3A_856  : i32 {
      %broadcast_in_dim3A = arith.constant 0.000000e+00 : f32
      %broadcast_in_dim3A_861 = vector.broadcast %broadcast_in_dim3A : f32 to vector<16xf32>
      %mul3A_862 = arith.constant 20 : i32
      %mul3A_863 = arith.muli %scan3A_860, %mul3A_862 : i32
      %add3A_864 = arith.constant 0 : i32
      %add3A_865 = arith.addi %mul3A_863, %add3A_864 : i32
      %get3A_866 = arith.index_cast %add3A_865 : i32 to index
      %get3A_867 = tpu.vector_load %arg5[%get3A_866] {strides = array<i32>} : memref<656xi32, #tpu.memory_space<vmem>>, vector<16xi32>,
      %get3A_868 = vector.shape_cast %get3A_867 : vector<16xi32> to vector<16xi32>
      %slice3A = vector.extract_strided_slice %get3A_868 {offsets = [0], sizes = [1], strides = [1]} : vector<16xi32> to vector<1xi32>
      %squeeze3A = vector.extract %slice3A[0] : i32 from vector<1xi32>
      %shift_right_logical3A_869 = arith.constant 10 : i32
      %shift_right_logical3A_870 = arith.shrui %squeeze3A, %shift_right_logical3A_869 : i32
      %and3A_871 = arith.constant 1 : i32
      %and3A_872 = arith.andi %shift_right_logical3A_870, %and3A_871 : i32
      %mul3A_873 = arith.constant 64 : i32
      %mul3A_874 = arith.muli %and3A_872, %mul3A_873 : i32
      %add3A_875 = arith.constant 0 : i32
      %add3A_876 = arith.addi %mul3A_874, %add3A_875 : i32
      %get3A_877 = arith.index_cast %add3A_865 : i32 to index
      %get3A_878 = arith.index_cast %add3A_876 : i32 to index
      %get3A_879 = tpu.vector_load %arg7[%get3A_877, %get3A_878] {strides = array<i32>} : memref<640x128xf32, #tpu.memory_space<vmem>>, vector<1x16xf32>,
      %get3A_880 = vector.shape_cast %get3A_879 : vector<1x16xf32> to vector<16xf32>
      %add3A_881 = arith.addf %broadcast_in_dim3A_861, %get3A_880 : vector<16xf32>
      %mul3A_882 = arith.constant 20 : i32
      %mul3A_883 = arith.muli %scan3A_860, %mul3A_882 : i32
      %add3A_884 = arith.constant 1 : i32
      %add3A_885 = arith.addi %mul3A_883, %add3A_884 : i32
      %get3A_886 = arith.index_cast %add3A_885 : i32 to index
      %get3A_887 = tpu.vector_load %arg5[%get3A_886] {strides = array<i32>} : memref<656xi32, #tpu.memory_space<vmem>>, vector<16xi32>,
      %get3A_888 = vector.shape_cast %get3A_887 : vector<16xi32> to vector<16xi32>
      %slice3A_889 = vector.extract_strided_slice %get3A_888 {offsets = [0], sizes = [1], strides = [1]} : vector<16xi32> to vector<1xi32>
      %squeeze3A_890 = vector.extract %slice3A_889[0] : i32 from vector<1xi32>
      %shift_right_logical3A_891 = arith.constant 10 : i32
      %shift_right_logical3A_892 = arith.shrui %squeeze3A_890, %shift_right_logical3A_891 : i32
      %and3A_893 = arith.constant 1 : i32
      %and3A_894 = arith.andi %shift_right_logical3A_892, %and3A_893 : i32
      %mul3A_895 = arith.constant 64 : i32
      %mul3A_896 = arith.muli %and3A_894, %mul3A_895 : i32
      %add3A_897 = arith.constant 0 : i32
      %add3A_898 = arith.addi %mul3A_896, %add3A_897 : i32
      %get3A_899 = arith.index_cast %add3A_885 : i32 to index
      %get3A_900 = arith.index_cast %add3A_898 : i32 to index
      %get3A_901 = tpu.vector_load %arg7[%get3A_899, %get3A_900] {strides = array<i32>} : memref<640x128xf32, #tpu.memory_space<vmem>>, vector<1x16xf32>,
      %get3A_902 = vector.shape_cast %get3A_901 : vector<1x16xf32> to vector<16xf32>
      %add3A_903 = arith.addf %add3A_881, %get3A_902 : vector<16xf32>
      %mul3A_904 = arith.constant 20 : i32
      %mul3A_905 = arith.muli %scan3A_860, %mul3A_904 : i32
      %add3A_906 = arith.constant 2 : i32
      %add3A_907 = arith.addi %mul3A_905, %add3A_906 : i32
      %get3A_908 = arith.index_cast %add3A_907 : i32 to index
      %get3A_909 = tpu.vector_load %arg5[%get3A_908] {strides = array<i32>} : memref<656xi32, #tpu.memory_space<vmem>>, vector<16xi32>,
      %get3A_910 = vector.shape_cast %get3A_909 : vector<16xi32> to vector<16xi32>
      %slice3A_911 = vector.extract_strided_slice %get3A_910 {offsets = [0], sizes = [1], strides = [1]} : vector<16xi32> to vector<1xi32>
      %squeeze3A_912 = vector.extract %slice3A_911[0] : i32 from vector<1xi32>
      %shift_right_logical3A_913 = arith.constant 10 : i32
      %shift_right_logical3A_914 = arith.shrui %squeeze3A_912, %shift_right_logical3A_913 : i32
      %and3A_915 = arith.constant 1 : i32
      %and3A_916 = arith.andi %shift_right_logical3A_914, %and3A_915 : i32
      %mul3A_917 = arith.constant 64 : i32
      %mul3A_918 = arith.muli %and3A_916, %mul3A_917 : i32
      %add3A_919 = arith.constant 0 : i32
      %add3A_920 = arith.addi %mul3A_918, %add3A_919 : i32
      %get3A_921 = arith.index_cast %add3A_907 : i32 to index
      %get3A_922 = arith.index_cast %add3A_920 : i32 to index
      %get3A_923 = tpu.vector_load %arg7[%get3A_921, %get3A_922] {strides = array<i32>} : memref<640x128xf32, #tpu.memory_space<vmem>>, vector<1x16xf32>,
      %get3A_924 = vector.shape_cast %get3A_923 : vector<1x16xf32> to vector<16xf32>
      %add3A_925 = arith.addf %add3A_903, %get3A_924 : vector<16xf32>
      %mul3A_926 = arith.constant 20 : i32
      %mul3A_927 = arith.muli %scan3A_860, %mul3A_926 : i32
      %add3A_928 = arith.constant 3 : i32
      %add3A_929 = arith.addi %mul3A_927, %add3A_928 : i32
      %get3A_930 = arith.index_cast %add3A_929 : i32 to index
      %get3A_931 = tpu.vector_load %arg5[%get3A_930] {strides = array<i32>} : memref<656xi32, #tpu.memory_space<vmem>>, vector<16xi32>,
      %get3A_932 = vector.shape_cast %get3A_931 : vector<16xi32> to vector<16xi32>
      %slice3A_933 = vector.extract_strided_slice %get3A_932 {offsets = [0], sizes = [1], strides = [1]} : vector<16xi32> to vector<1xi32>
      %squeeze3A_934 = vector.extract %slice3A_933[0] : i32 from vector<1xi32>
      %shift_right_logical3A_935 = arith.constant 10 : i32
      %shift_right_logical3A_936 = arith.shrui %squeeze3A_934, %shift_right_logical3A_935 : i32
      %and3A_937 = arith.constant 1 : i32
      %and3A_938 = arith.andi %shift_right_logical3A_936, %and3A_937 : i32
      %mul3A_939 = arith.constant 64 : i32
      %mul3A_940 = arith.muli %and3A_938, %mul3A_939 : i32
      %add3A_941 = arith.constant 0 : i32
      %add3A_942 = arith.addi %mul3A_940, %add3A_941 : i32
      %get3A_943 = arith.index_cast %add3A_929 : i32 to index
      %get3A_944 = arith.index_cast %add3A_942 : i32 to index
      %get3A_945 = tpu.vector_load %arg7[%get3A_943, %get3A_944] {strides = array<i32>} : memref<640x128xf32, #tpu.memory_space<vmem>>, vector<1x16xf32>,
      %get3A_946 = vector.shape_cast %get3A_945 : vector<1x16xf32> to vector<16xf32>
      %add3A_947 = arith.addf %add3A_925, %get3A_946 : vector<16xf32>
      %mul3A_948 = arith.constant 20 : i32
      %mul3A_949 = arith.muli %scan3A_860, %mul3A_948 : i32
      %add3A_950 = arith.constant 4 : i32
      %add3A_951 = arith.addi %mul3A_949, %add3A_950 : i32
      %get3A_952 = arith.index_cast %add3A_951 : i32 to index
      %get3A_953 = tpu.vector_load %arg5[%get3A_952] {strides = array<i32>} : memref<656xi32, #tpu.memory_space<vmem>>, vector<16xi32>,
      %get3A_954 = vector.shape_cast %get3A_953 : vector<16xi32> to vector<16xi32>
      %slice3A_955 = vector.extract_strided_slice %get3A_954 {offsets = [0], sizes = [1], strides = [1]} : vector<16xi32> to vector<1xi32>
      %squeeze3A_956 = vector.extract %slice3A_955[0] : i32 from vector<1xi32>
      %shift_right_logical3A_957 = arith.constant 10 : i32
      %shift_right_logical3A_958 = arith.shrui %squeeze3A_956, %shift_right_logical3A_957 : i32
      %and3A_959 = arith.constant 1 : i32
      %and3A_960 = arith.andi %shift_right_logical3A_958, %and3A_959 : i32
      %mul3A_961 = arith.constant 64 : i32
      %mul3A_962 = arith.muli %and3A_960, %mul3A_961 : i32
      %add3A_963 = arith.constant 0 : i32
      %add3A_964 = arith.addi %mul3A_962, %add3A_963 : i32
      %get3A_965 = arith.index_cast %add3A_951 : i32 to index
      %get3A_966 = arith.index_cast %add3A_964 : i32 to index
      %get3A_967 = tpu.vector_load %arg7[%get3A_965, %get3A_966] {strides = array<i32>} : memref<640x128xf32, #tpu.memory_space<vmem>>, vector<1x16xf32>,
      %get3A_968 = vector.shape_cast %get3A_967 : vector<1x16xf32> to vector<16xf32>
      %add3A_969 = arith.addf %add3A_947, %get3A_968 : vector<16xf32>
      %mul3A_970 = arith.constant 20 : i32
      %mul3A_971 = arith.muli %scan3A_860, %mul3A_970 : i32
      %add3A_972 = arith.constant 5 : i32
      %add3A_973 = arith.addi %mul3A_971, %add3A_972 : i32
      %get3A_974 = arith.index_cast %add3A_973 : i32 to index
      %get3A_975 = tpu.vector_load %arg5[%get3A_974] {strides = array<i32>} : memref<656xi32, #tpu.memory_space<vmem>>, vector<16xi32>,
      %get3A_976 = vector.shape_cast %get3A_975 : vector<16xi32> to vector<16xi32>
      %slice3A_977 = vector.extract_strided_slice %get3A_976 {offsets = [0], sizes = [1], strides = [1]} : vector<16xi32> to vector<1xi32>
      %squeeze3A_978 = vector.extract %slice3A_977[0] : i32 from vector<1xi32>
      %shift_right_logical3A_979 = arith.constant 10 : i32
      %shift_right_logical3A_980 = arith.shrui %squeeze3A_978, %shift_right_logical3A_979 : i32
      %and3A_981 = arith.constant 1 : i32
      %and3A_982 = arith.andi %shift_right_logical3A_980, %and3A_981 : i32
      %mul3A_983 = arith.constant 64 : i32
      %mul3A_984 = arith.muli %and3A_982, %mul3A_983 : i32
      %add3A_985 = arith.constant 0 : i32
      %add3A_986 = arith.addi %mul3A_984, %add3A_985 : i32
      %get3A_987 = arith.index_cast %add3A_973 : i32 to index
      %get3A_988 = arith.index_cast %add3A_986 : i32 to index
      %get3A_989 = tpu.vector_load %arg7[%get3A_987, %get3A_988] {strides = array<i32>} : memref<640x128xf32, #tpu.memory_space<vmem>>, vector<1x16xf32>,
      %get3A_990 = vector.shape_cast %get3A_989 : vector<1x16xf32> to vector<16xf32>
      %add3A_991 = arith.addf %add3A_969, %get3A_990 : vector<16xf32>
      %mul3A_992 = arith.constant 20 : i32
      %mul3A_993 = arith.muli %scan3A_860, %mul3A_992 : i32
      %add3A_994 = arith.constant 6 : i32
      %add3A_995 = arith.addi %mul3A_993, %add3A_994 : i32
      %get3A_996 = arith.index_cast %add3A_995 : i32 to index
      %get3A_997 = tpu.vector_load %arg5[%get3A_996] {strides = array<i32>} : memref<656xi32, #tpu.memory_space<vmem>>, vector<16xi32>,
      %get3A_998 = vector.shape_cast %get3A_997 : vector<16xi32> to vector<16xi32>
      %slice3A_999 = vector.extract_strided_slice %get3A_998 {offsets = [0], sizes = [1], strides = [1]} : vector<16xi32> to vector<1xi32>
      %squeeze3A_1000 = vector.extract %slice3A_999[0] : i32 from vector<1xi32>
      %shift_right_logical3A_1001 = arith.constant 10 : i32
      %shift_right_logical3A_1002 = arith.shrui %squeeze3A_1000, %shift_right_logical3A_1001 : i32
      %and3A_1003 = arith.constant 1 : i32
      %and3A_1004 = arith.andi %shift_right_logical3A_1002, %and3A_1003 : i32
      %mul3A_1005 = arith.constant 64 : i32
      %mul3A_1006 = arith.muli %and3A_1004, %mul3A_1005 : i32
      %add3A_1007 = arith.constant 0 : i32
      %add3A_1008 = arith.addi %mul3A_1006, %add3A_1007 : i32
      %get3A_1009 = arith.index_cast %add3A_995 : i32 to index
      %get3A_1010 = arith.index_cast %add3A_1008 : i32 to index
      %get3A_1011 = tpu.vector_load %arg7[%get3A_1009, %get3A_1010] {strides = array<i32>} : memref<640x128xf32, #tpu.memory_space<vmem>>, vector<1x16xf32>,
      %get3A_1012 = vector.shape_cast %get3A_1011 : vector<1x16xf32> to vector<16xf32>
      %add3A_1013 = arith.addf %add3A_991, %get3A_1012 : vector<16xf32>
      %mul3A_1014 = arith.constant 20 : i32
      %mul3A_1015 = arith.muli %scan3A_860, %mul3A_1014 : i32
      %add3A_1016 = arith.constant 7 : i32
      %add3A_1017 = arith.addi %mul3A_1015, %add3A_1016 : i32
      %get3A_1018 = arith.index_cast %add3A_1017 : i32 to index
      %get3A_1019 = tpu.vector_load %arg5[%get3A_1018] {strides = array<i32>} : memref<656xi32, #tpu.memory_space<vmem>>, vector<16xi32>,
      %get3A_1020 = vector.shape_cast %get3A_1019 : vector<16xi32> to vector<16xi32>
      %slice3A_1021 = vector.extract_strided_slice %get3A_1020 {offsets = [0], sizes = [1], strides = [1]} : vector<16xi32> to vector<1xi32>
      %squeeze3A_1022 = vector.extract %slice3A_1021[0] : i32 from vector<1xi32>
      %shift_right_logical3A_1023 = arith.constant 10 : i32
      %shift_right_logical3A_1024 = arith.shrui %squeeze3A_1022, %shift_right_logical3A_1023 : i32
      %and3A_1025 = arith.constant 1 : i32
      %and3A_1026 = arith.andi %shift_right_logical3A_1024, %and3A_1025 : i32
      %mul3A_1027 = arith.constant 64 : i32
      %mul3A_1028 = arith.muli %and3A_1026, %mul3A_1027 : i32
      %add3A_1029 = arith.constant 0 : i32
      %add3A_1030 = arith.addi %mul3A_1028, %add3A_1029 : i32
      %get3A_1031 = arith.index_cast %add3A_1017 : i32 to index
      %get3A_1032 = arith.index_cast %add3A_1030 : i32 to index
      %get3A_1033 = tpu.vector_load %arg7[%get3A_1031, %get3A_1032] {strides = array<i32>} : memref<640x128xf32, #tpu.memory_space<vmem>>, vector<1x16xf32>,
      %get3A_1034 = vector.shape_cast %get3A_1033 : vector<1x16xf32> to vector<16xf32>
      %add3A_1035 = arith.addf %add3A_1013, %get3A_1034 : vector<16xf32>
      %mul3A_1036 = arith.constant 20 : i32
      %mul3A_1037 = arith.muli %scan3A_860, %mul3A_1036 : i32
      %add3A_1038 = arith.constant 8 : i32
      %add3A_1039 = arith.addi %mul3A_1037, %add3A_1038 : i32
      %get3A_1040 = arith.index_cast %add3A_1039 : i32 to index
      %get3A_1041 = tpu.vector_load %arg5[%get3A_1040] {strides = array<i32>} : memref<656xi32, #tpu.memory_space<vmem>>, vector<16xi32>,
      %get3A_1042 = vector.shape_cast %get3A_1041 : vector<16xi32> to vector<16xi32>
      %slice3A_1043 = vector.extract_strided_slice %get3A_1042 {offsets = [0], sizes = [1], strides = [1]} : vector<16xi32> to vector<1xi32>
      %squeeze3A_1044 = vector.extract %slice3A_1043[0] : i32 from vector<1xi32>
      %shift_right_logical3A_1045 = arith.constant 10 : i32
      %shift_right_logical3A_1046 = arith.shrui %squeeze3A_1044, %shift_right_logical3A_1045 : i32
      %and3A_1047 = arith.constant 1 : i32
      %and3A_1048 = arith.andi %shift_right_logical3A_1046, %and3A_1047 : i32
      %mul3A_1049 = arith.constant 64 : i32
      %mul3A_1050 = arith.muli %and3A_1048, %mul3A_1049 : i32
      %add3A_1051 = arith.constant 0 : i32
      %add3A_1052 = arith.addi %mul3A_1050, %add3A_1051 : i32
      %get3A_1053 = arith.index_cast %add3A_1039 : i32 to index
      %get3A_1054 = arith.index_cast %add3A_1052 : i32 to index
      %get3A_1055 = tpu.vector_load %arg7[%get3A_1053, %get3A_1054] {strides = array<i32>} : memref<640x128xf32, #tpu.memory_space<vmem>>, vector<1x16xf32>,
      %get3A_1056 = vector.shape_cast %get3A_1055 : vector<1x16xf32> to vector<16xf32>
      %add3A_1057 = arith.addf %add3A_1035, %get3A_1056 : vector<16xf32>
      %mul3A_1058 = arith.constant 20 : i32
      %mul3A_1059 = arith.muli %scan3A_860, %mul3A_1058 : i32
      %add3A_1060 = arith.constant 9 : i32
      %add3A_1061 = arith.addi %mul3A_1059, %add3A_1060 : i32
      %get3A_1062 = arith.index_cast %add3A_1061 : i32 to index
      %get3A_1063 = tpu.vector_load %arg5[%get3A_1062] {strides = array<i32>} : memref<656xi32, #tpu.memory_space<vmem>>, vector<16xi32>,
      %get3A_1064 = vector.shape_cast %get3A_1063 : vector<16xi32> to vector<16xi32>
      %slice3A_1065 = vector.extract_strided_slice %get3A_1064 {offsets = [0], sizes = [1], strides = [1]} : vector<16xi32> to vector<1xi32>
      %squeeze3A_1066 = vector.extract %slice3A_1065[0] : i32 from vector<1xi32>
      %shift_right_logical3A_1067 = arith.constant 10 : i32
      %shift_right_logical3A_1068 = arith.shrui %squeeze3A_1066, %shift_right_logical3A_1067 : i32
      %and3A_1069 = arith.constant 1 : i32
      %and3A_1070 = arith.andi %shift_right_logical3A_1068, %and3A_1069 : i32
      %mul3A_1071 = arith.constant 64 : i32
      %mul3A_1072 = arith.muli %and3A_1070, %mul3A_1071 : i32
      %add3A_1073 = arith.constant 0 : i32
      %add3A_1074 = arith.addi %mul3A_1072, %add3A_1073 : i32
      %get3A_1075 = arith.index_cast %add3A_1061 : i32 to index
      %get3A_1076 = arith.index_cast %add3A_1074 : i32 to index
      %get3A_1077 = tpu.vector_load %arg7[%get3A_1075, %get3A_1076] {strides = array<i32>} : memref<640x128xf32, #tpu.memory_space<vmem>>, vector<1x16xf32>,
      %get3A_1078 = vector.shape_cast %get3A_1077 : vector<1x16xf32> to vector<16xf32>
      %add3A_1079 = arith.addf %add3A_1057, %get3A_1078 : vector<16xf32>
      %mul3A_1080 = arith.constant 20 : i32
      %mul3A_1081 = arith.muli %scan3A_860, %mul3A_1080 : i32
      %add3A_1082 = arith.constant 10 : i32
      %add3A_1083 = arith.addi %mul3A_1081, %add3A_1082 : i32
      %get3A_1084 = arith.index_cast %add3A_1083 : i32 to index
      %get3A_1085 = tpu.vector_load %arg5[%get3A_1084] {strides = array<i32>} : memref<656xi32, #tpu.memory_space<vmem>>, vector<16xi32>,
      %get3A_1086 = vector.shape_cast %get3A_1085 : vector<16xi32> to vector<16xi32>
      %slice3A_1087 = vector.extract_strided_slice %get3A_1086 {offsets = [0], sizes = [1], strides = [1]} : vector<16xi32> to vector<1xi32>
      %squeeze3A_1088 = vector.extract %slice3A_1087[0] : i32 from vector<1xi32>
      %shift_right_logical3A_1089 = arith.constant 10 : i32
      %shift_right_logical3A_1090 = arith.shrui %squeeze3A_1088, %shift_right_logical3A_1089 : i32
      %and3A_1091 = arith.constant 1 : i32
      %and3A_1092 = arith.andi %shift_right_logical3A_1090, %and3A_1091 : i32
      %mul3A_1093 = arith.constant 64 : i32
      %mul3A_1094 = arith.muli %and3A_1092, %mul3A_1093 : i32
      %add3A_1095 = arith.constant 0 : i32
      %add3A_1096 = arith.addi %mul3A_1094, %add3A_1095 : i32
      %get3A_1097 = arith.index_cast %add3A_1083 : i32 to index
      %get3A_1098 = arith.index_cast %add3A_1096 : i32 to index
      %get3A_1099 = tpu.vector_load %arg7[%get3A_1097, %get3A_1098] {strides = array<i32>} : memref<640x128xf32, #tpu.memory_space<vmem>>, vector<1x16xf32>,
      %get3A_1100 = vector.shape_cast %get3A_1099 : vector<1x16xf32> to vector<16xf32>
      %add3A_1101 = arith.addf %add3A_1079, %get3A_1100 : vector<16xf32>
      %mul3A_1102 = arith.constant 20 : i32
      %mul3A_1103 = arith.muli %scan3A_860, %mul3A_1102 : i32
      %add3A_1104 = arith.constant 11 : i32
      %add3A_1105 = arith.addi %mul3A_1103, %add3A_1104 : i32
      %get3A_1106 = arith.index_cast %add3A_1105 : i32 to index
      %get3A_1107 = tpu.vector_load %arg5[%get3A_1106] {strides = array<i32>} : memref<656xi32, #tpu.memory_space<vmem>>, vector<16xi32>,
      %get3A_1108 = vector.shape_cast %get3A_1107 : vector<16xi32> to vector<16xi32>
      %slice3A_1109 = vector.extract_strided_slice %get3A_1108 {offsets = [0], sizes = [1], strides = [1]} : vector<16xi32> to vector<1xi32>
      %squeeze3A_1110 = vector.extract %slice3A_1109[0] : i32 from vector<1xi32>
      %shift_right_logical3A_1111 = arith.constant 10 : i32
      %shift_right_logical3A_1112 = arith.shrui %squeeze3A_1110, %shift_right_logical3A_1111 : i32
      %and3A_1113 = arith.constant 1 : i32
      %and3A_1114 = arith.andi %shift_right_logical3A_1112, %and3A_1113 : i32
      %mul3A_1115 = arith.constant 64 : i32
      %mul3A_1116 = arith.muli %and3A_1114, %mul3A_1115 : i32
      %add3A_1117 = arith.constant 0 : i32
      %add3A_1118 = arith.addi %mul3A_1116, %add3A_1117 : i32
      %get3A_1119 = arith.index_cast %add3A_1105 : i32 to index
      %get3A_1120 = arith.index_cast %add3A_1118 : i32 to index
      %get3A_1121 = tpu.vector_load %arg7[%get3A_1119, %get3A_1120] {strides = array<i32>} : memref<640x128xf32, #tpu.memory_space<vmem>>, vector<1x16xf32>,
      %get3A_1122 = vector.shape_cast %get3A_1121 : vector<1x16xf32> to vector<16xf32>
      %add3A_1123 = arith.addf %add3A_1101, %get3A_1122 : vector<16xf32>
      %mul3A_1124 = arith.constant 20 : i32
      %mul3A_1125 = arith.muli %scan3A_860, %mul3A_1124 : i32
      %add3A_1126 = arith.constant 12 : i32
      %add3A_1127 = arith.addi %mul3A_1125, %add3A_1126 : i32
      %get3A_1128 = arith.index_cast %add3A_1127 : i32 to index
      %get3A_1129 = tpu.vector_load %arg5[%get3A_1128] {strides = array<i32>} : memref<656xi32, #tpu.memory_space<vmem>>, vector<16xi32>,
      %get3A_1130 = vector.shape_cast %get3A_1129 : vector<16xi32> to vector<16xi32>
      %slice3A_1131 = vector.extract_strided_slice %get3A_1130 {offsets = [0], sizes = [1], strides = [1]} : vector<16xi32> to vector<1xi32>
      %squeeze3A_1132 = vector.extract %slice3A_1131[0] : i32 from vector<1xi32>
      %shift_right_logical3A_1133 = arith.constant 10 : i32
      %shift_right_logical3A_1134 = arith.shrui %squeeze3A_1132, %shift_right_logical3A_1133 : i32
      %and3A_1135 = arith.constant 1 : i32
      %and3A_1136 = arith.andi %shift_right_logical3A_1134, %and3A_1135 : i32
      %mul3A_1137 = arith.constant 64 : i32
      %mul3A_1138 = arith.muli %and3A_1136, %mul3A_1137 : i32
      %add3A_1139 = arith.constant 0 : i32
      %add3A_1140 = arith.addi %mul3A_1138, %add3A_1139 : i32
      %get3A_1141 = arith.index_cast %add3A_1127 : i32 to index
      %get3A_1142 = arith.index_cast %add3A_1140 : i32 to index
      %get3A_1143 = tpu.vector_load %arg7[%get3A_1141, %get3A_1142] {strides = array<i32>} : memref<640x128xf32, #tpu.memory_space<vmem>>, vector<1x16xf32>,
      %get3A_1144 = vector.shape_cast %get3A_1143 : vector<1x16xf32> to vector<16xf32>
      %add3A_1145 = arith.addf %add3A_1123, %get3A_1144 : vector<16xf32>
      %mul3A_1146 = arith.constant 20 : i32
      %mul3A_1147 = arith.muli %scan3A_860, %mul3A_1146 : i32
      %add3A_1148 = arith.constant 13 : i32
      %add3A_1149 = arith.addi %mul3A_1147, %add3A_1148 : i32
      %get3A_1150 = arith.index_cast %add3A_1149 : i32 to index
      %get3A_1151 = tpu.vector_load %arg5[%get3A_1150] {strides = array<i32>} : memref<656xi32, #tpu.memory_space<vmem>>, vector<16xi32>,
      %get3A_1152 = vector.shape_cast %get3A_1151 : vector<16xi32> to vector<16xi32>
      %slice3A_1153 = vector.extract_strided_slice %get3A_1152 {offsets = [0], sizes = [1], strides = [1]} : vector<16xi32> to vector<1xi32>
      %squeeze3A_1154 = vector.extract %slice3A_1153[0] : i32 from vector<1xi32>
      %shift_right_logical3A_1155 = arith.constant 10 : i32
      %shift_right_logical3A_1156 = arith.shrui %squeeze3A_1154, %shift_right_logical3A_1155 : i32
      %and3A_1157 = arith.constant 1 : i32
      %and3A_1158 = arith.andi %shift_right_logical3A_1156, %and3A_1157 : i32
      %mul3A_1159 = arith.constant 64 : i32
      %mul3A_1160 = arith.muli %and3A_1158, %mul3A_1159 : i32
      %add3A_1161 = arith.constant 0 : i32
      %add3A_1162 = arith.addi %mul3A_1160, %add3A_1161 : i32
      %get3A_1163 = arith.index_cast %add3A_1149 : i32 to index
      %get3A_1164 = arith.index_cast %add3A_1162 : i32 to index
      %get3A_1165 = tpu.vector_load %arg7[%get3A_1163, %get3A_1164] {strides = array<i32>} : memref<640x128xf32, #tpu.memory_space<vmem>>, vector<1x16xf32>,
      %get3A_1166 = vector.shape_cast %get3A_1165 : vector<1x16xf32> to vector<16xf32>
      %add3A_1167 = arith.addf %add3A_1145, %get3A_1166 : vector<16xf32>
      %mul3A_1168 = arith.constant 20 : i32
      %mul3A_1169 = arith.muli %scan3A_860, %mul3A_1168 : i32
      %add3A_1170 = arith.constant 14 : i32
      %add3A_1171 = arith.addi %mul3A_1169, %add3A_1170 : i32
      %get3A_1172 = arith.index_cast %add3A_1171 : i32 to index
      %get3A_1173 = tpu.vector_load %arg5[%get3A_1172] {strides = array<i32>} : memref<656xi32, #tpu.memory_space<vmem>>, vector<16xi32>,
      %get3A_1174 = vector.shape_cast %get3A_1173 : vector<16xi32> to vector<16xi32>
      %slice3A_1175 = vector.extract_strided_slice %get3A_1174 {offsets = [0], sizes = [1], strides = [1]} : vector<16xi32> to vector<1xi32>
      %squeeze3A_1176 = vector.extract %slice3A_1175[0] : i32 from vector<1xi32>
      %shift_right_logical3A_1177 = arith.constant 10 : i32
      %shift_right_logical3A_1178 = arith.shrui %squeeze3A_1176, %shift_right_logical3A_1177 : i32
      %and3A_1179 = arith.constant 1 : i32
      %and3A_1180 = arith.andi %shift_right_logical3A_1178, %and3A_1179 : i32
      %mul3A_1181 = arith.constant 64 : i32
      %mul3A_1182 = arith.muli %and3A_1180, %mul3A_1181 : i32
      %add3A_1183 = arith.constant 0 : i32
      %add3A_1184 = arith.addi %mul3A_1182, %add3A_1183 : i32
      %get3A_1185 = arith.index_cast %add3A_1171 : i32 to index
      %get3A_1186 = arith.index_cast %add3A_1184 : i32 to index
      %get3A_1187 = tpu.vector_load %arg7[%get3A_1185, %get3A_1186] {strides = array<i32>} : memref<640x128xf32, #tpu.memory_space<vmem>>, vector<1x16xf32>,
      %get3A_1188 = vector.shape_cast %get3A_1187 : vector<1x16xf32> to vector<16xf32>
      %add3A_1189 = arith.addf %add3A_1167, %get3A_1188 : vector<16xf32>
      %mul3A_1190 = arith.constant 20 : i32
      %mul3A_1191 = arith.muli %scan3A_860, %mul3A_1190 : i32
      %add3A_1192 = arith.constant 15 : i32
      %add3A_1193 = arith.addi %mul3A_1191, %add3A_1192 : i32
      %get3A_1194 = arith.index_cast %add3A_1193 : i32 to index
      %get3A_1195 = tpu.vector_load %arg5[%get3A_1194] {strides = array<i32>} : memref<656xi32, #tpu.memory_space<vmem>>, vector<16xi32>,
      %get3A_1196 = vector.shape_cast %get3A_1195 : vector<16xi32> to vector<16xi32>
      %slice3A_1197 = vector.extract_strided_slice %get3A_1196 {offsets = [0], sizes = [1], strides = [1]} : vector<16xi32> to vector<1xi32>
      %squeeze3A_1198 = vector.extract %slice3A_1197[0] : i32 from vector<1xi32>
      %shift_right_logical3A_1199 = arith.constant 10 : i32
      %shift_right_logical3A_1200 = arith.shrui %squeeze3A_1198, %shift_right_logical3A_1199 : i32
      %and3A_1201 = arith.constant 1 : i32
      %and3A_1202 = arith.andi %shift_right_logical3A_1200, %and3A_1201 : i32
      %mul3A_1203 = arith.constant 64 : i32
      %mul3A_1204 = arith.muli %and3A_1202, %mul3A_1203 : i32
      %add3A_1205 = arith.constant 0 : i32
      %add3A_1206 = arith.addi %mul3A_1204, %add3A_1205 : i32
      %get3A_1207 = arith.index_cast %add3A_1193 : i32 to index
      %get3A_1208 = arith.index_cast %add3A_1206 : i32 to index
      %get3A_1209 = tpu.vector_load %arg7[%get3A_1207, %get3A_1208] {strides = array<i32>} : memref<640x128xf32, #tpu.memory_space<vmem>>, vector<1x16xf32>,
      %get3A_1210 = vector.shape_cast %get3A_1209 : vector<1x16xf32> to vector<16xf32>
      %add3A_1211 = arith.addf %add3A_1189, %get3A_1210 : vector<16xf32>
      %mul3A_1212 = arith.constant 20 : i32
      %mul3A_1213 = arith.muli %scan3A_860, %mul3A_1212 : i32
      %add3A_1214 = arith.constant 16 : i32
      %add3A_1215 = arith.addi %mul3A_1213, %add3A_1214 : i32
      %get3A_1216 = arith.index_cast %add3A_1215 : i32 to index
      %get3A_1217 = tpu.vector_load %arg5[%get3A_1216] {strides = array<i32>} : memref<656xi32, #tpu.memory_space<vmem>>, vector<16xi32>,
      %get3A_1218 = vector.shape_cast %get3A_1217 : vector<16xi32> to vector<16xi32>
      %slice3A_1219 = vector.extract_strided_slice %get3A_1218 {offsets = [0], sizes = [1], strides = [1]} : vector<16xi32> to vector<1xi32>
      %squeeze3A_1220 = vector.extract %slice3A_1219[0] : i32 from vector<1xi32>
      %shift_right_logical3A_1221 = arith.constant 10 : i32
      %shift_right_logical3A_1222 = arith.shrui %squeeze3A_1220, %shift_right_logical3A_1221 : i32
      %and3A_1223 = arith.constant 1 : i32
      %and3A_1224 = arith.andi %shift_right_logical3A_1222, %and3A_1223 : i32
      %mul3A_1225 = arith.constant 64 : i32
      %mul3A_1226 = arith.muli %and3A_1224, %mul3A_1225 : i32
      %add3A_1227 = arith.constant 0 : i32
      %add3A_1228 = arith.addi %mul3A_1226, %add3A_1227 : i32
      %get3A_1229 = arith.index_cast %add3A_1215 : i32 to index
      %get3A_1230 = arith.index_cast %add3A_1228 : i32 to index
      %get3A_1231 = tpu.vector_load %arg7[%get3A_1229, %get3A_1230] {strides = array<i32>} : memref<640x128xf32, #tpu.memory_space<vmem>>, vector<1x16xf32>,
      %get3A_1232 = vector.shape_cast %get3A_1231 : vector<1x16xf32> to vector<16xf32>
      %add3A_1233 = arith.addf %add3A_1211, %get3A_1232 : vector<16xf32>
      %mul3A_1234 = arith.constant 20 : i32
      %mul3A_1235 = arith.muli %scan3A_860, %mul3A_1234 : i32
      %add3A_1236 = arith.constant 17 : i32
      %add3A_1237 = arith.addi %mul3A_1235, %add3A_1236 : i32
      %get3A_1238 = arith.index_cast %add3A_1237 : i32 to index
      %get3A_1239 = tpu.vector_load %arg5[%get3A_1238] {strides = array<i32>} : memref<656xi32, #tpu.memory_space<vmem>>, vector<16xi32>,
      %get3A_1240 = vector.shape_cast %get3A_1239 : vector<16xi32> to vector<16xi32>
      %slice3A_1241 = vector.extract_strided_slice %get3A_1240 {offsets = [0], sizes = [1], strides = [1]} : vector<16xi32> to vector<1xi32>
      %squeeze3A_1242 = vector.extract %slice3A_1241[0] : i32 from vector<1xi32>
      %shift_right_logical3A_1243 = arith.constant 10 : i32
      %shift_right_logical3A_1244 = arith.shrui %squeeze3A_1242, %shift_right_logical3A_1243 : i32
      %and3A_1245 = arith.constant 1 : i32
      %and3A_1246 = arith.andi %shift_right_logical3A_1244, %and3A_1245 : i32
      %mul3A_1247 = arith.constant 64 : i32
      %mul3A_1248 = arith.muli %and3A_1246, %mul3A_1247 : i32
      %add3A_1249 = arith.constant 0 : i32
      %add3A_1250 = arith.addi %mul3A_1248, %add3A_1249 : i32
      %get3A_1251 = arith.index_cast %add3A_1237 : i32 to index
      %get3A_1252 = arith.index_cast %add3A_1250 : i32 to index
      %get3A_1253 = tpu.vector_load %arg7[%get3A_1251, %get3A_1252] {strides = array<i32>} : memref<640x128xf32, #tpu.memory_space<vmem>>, vector<1x16xf32>,
      %get3A_1254 = vector.shape_cast %get3A_1253 : vector<1x16xf32> to vector<16xf32>
      %add3A_1255 = arith.addf %add3A_1233, %get3A_1254 : vector<16xf32>
      %mul3A_1256 = arith.constant 20 : i32
      %mul3A_1257 = arith.muli %scan3A_860, %mul3A_1256 : i32
      %add3A_1258 = arith.constant 18 : i32
      %add3A_1259 = arith.addi %mul3A_1257, %add3A_1258 : i32
      %get3A_1260 = arith.index_cast %add3A_1259 : i32 to index
      %get3A_1261 = tpu.vector_load %arg5[%get3A_1260] {strides = array<i32>} : memref<656xi32, #tpu.memory_space<vmem>>, vector<16xi32>,
      %get3A_1262 = vector.shape_cast %get3A_1261 : vector<16xi32> to vector<16xi32>
      %slice3A_1263 = vector.extract_strided_slice %get3A_1262 {offsets = [0], sizes = [1], strides = [1]} : vector<16xi32> to vector<1xi32>
      %squeeze3A_1264 = vector.extract %slice3A_1263[0] : i32 from vector<1xi32>
      %shift_right_logical3A_1265 = arith.constant 10 : i32
      %shift_right_logical3A_1266 = arith.shrui %squeeze3A_1264, %shift_right_logical3A_1265 : i32
      %and3A_1267 = arith.constant 1 : i32
      %and3A_1268 = arith.andi %shift_right_logical3A_1266, %and3A_1267 : i32
      %mul3A_1269 = arith.constant 64 : i32
      %mul3A_1270 = arith.muli %and3A_1268, %mul3A_1269 : i32
      %add3A_1271 = arith.constant 0 : i32
      %add3A_1272 = arith.addi %mul3A_1270, %add3A_1271 : i32
      %get3A_1273 = arith.index_cast %add3A_1259 : i32 to index
      %get3A_1274 = arith.index_cast %add3A_1272 : i32 to index
      %get3A_1275 = tpu.vector_load %arg7[%get3A_1273, %get3A_1274] {strides = array<i32>} : memref<640x128xf32, #tpu.memory_space<vmem>>, vector<1x16xf32>,
      %get3A_1276 = vector.shape_cast %get3A_1275 : vector<1x16xf32> to vector<16xf32>
      %add3A_1277 = arith.addf %add3A_1255, %get3A_1276 : vector<16xf32>
      %mul3A_1278 = arith.constant 20 : i32
      %mul3A_1279 = arith.muli %scan3A_860, %mul3A_1278 : i32
      %add3A_1280 = arith.constant 19 : i32
      %add3A_1281 = arith.addi %mul3A_1279, %add3A_1280 : i32
      %get3A_1282 = arith.index_cast %add3A_1281 : i32 to index
      %get3A_1283 = tpu.vector_load %arg5[%get3A_1282] {strides = array<i32>} : memref<656xi32, #tpu.memory_space<vmem>>, vector<16xi32>,
      %get3A_1284 = vector.shape_cast %get3A_1283 : vector<16xi32> to vector<16xi32>
      %slice3A_1285 = vector.extract_strided_slice %get3A_1284 {offsets = [0], sizes = [1], strides = [1]} : vector<16xi32> to vector<1xi32>
      %squeeze3A_1286 = vector.extract %slice3A_1285[0] : i32 from vector<1xi32>
      %shift_right_logical3A_1287 = arith.constant 10 : i32
      %shift_right_logical3A_1288 = arith.shrui %squeeze3A_1286, %shift_right_logical3A_1287 : i32
      %and3A_1289 = arith.constant 1 : i32
      %and3A_1290 = arith.andi %shift_right_logical3A_1288, %and3A_1289 : i32
      %mul3A_1291 = arith.constant 64 : i32
      %mul3A_1292 = arith.muli %and3A_1290, %mul3A_1291 : i32
      %add3A_1293 = arith.constant 0 : i32
      %add3A_1294 = arith.addi %mul3A_1292, %add3A_1293 : i32
      %get3A_1295 = arith.index_cast %add3A_1281 : i32 to index
      %get3A_1296 = arith.index_cast %add3A_1294 : i32 to index
      %get3A_1297 = tpu.vector_load %arg7[%get3A_1295, %get3A_1296] {strides = array<i32>} : memref<640x128xf32, #tpu.memory_space<vmem>>, vector<1x16xf32>,
      %get3A_1298 = vector.shape_cast %get3A_1297 : vector<1x16xf32> to vector<16xf32>
      %add3A_1299 = arith.addf %add3A_1277, %get3A_1298 : vector<16xf32>
      %mul3A_1300 = arith.constant 5.000000e-02 : f32
      %mul3A_1301 = vector.broadcast %mul3A_1300 : f32 to vector<16xf32>
      %mul3A_1302 = arith.mulf %add3A_1299, %mul3A_1301 : vector<16xf32>
      %swap3A_1303 = arith.index_cast %scan3A_860 : i32 to index
      %swap3A_1304 = arith.constant 0 : index
      %swap3A_1305 = tpu.vector_load %arg8[%swap3A_1303, %swap3A_1304] {strides = array<i32>} : memref<32x128xf32, #tpu.memory_space<vmem>>, vector<1x16xf32>,
      %swap3A_1306 = vector.shape_cast %swap3A_1305 : vector<1x16xf32> to vector<16xf32>
      %swap3A_1307 = vector.shape_cast %mul3A_1302 : vector<16xf32> to vector<1x16xf32>
      tpu.vector_store %arg8[%swap3A_1303, %swap3A_1304], %swap3A_1307 {strides = array<i32>} : memref<32x128xf32, #tpu.memory_space<vmem>>, vector<1x16xf32>,
      %broadcast_in_dim3A_1308 = arith.constant 0.000000e+00 : f32
      %broadcast_in_dim3A_1309 = vector.broadcast %broadcast_in_dim3A_1308 : f32 to vector<16xf32>
      %swap3A_1310 = arith.index_cast %scan3A_860 : i32 to index
      %swap3A_1311 = arith.constant 64 : index
      %swap3A_1312 = tpu.vector_load %arg8[%swap3A_1310, %swap3A_1311] {strides = array<i32>} : memref<32x128xf32, #tpu.memory_space<vmem>>, vector<1x16xf32>,
      %swap3A_1313 = vector.shape_cast %swap3A_1312 : vector<1x16xf32> to vector<16xf32>
      %swap3A_1314 = vector.shape_cast %broadcast_in_dim3A_1309 : vector<16xf32> to vector<1x16xf32>
      tpu.vector_store %arg8[%swap3A_1310, %swap3A_1311], %swap3A_1314 {strides = array<i32>} : memref<32x128xf32, #tpu.memory_space<vmem>>, vector<1x16xf32>,
      %broadcast_in_dim3A_1315 = arith.constant 0.000000e+00 : f32
      %broadcast_in_dim3A_1316 = vector.broadcast %broadcast_in_dim3A_1315 : f32 to vector<16xf32>
      %mul3A_1317 = arith.constant 20 : i32
      %mul3A_1318 = arith.muli %scan3A_860, %mul3A_1317 : i32
      %add3A_1319 = arith.constant 0 : i32
      %add3A_1320 = arith.addi %mul3A_1318, %add3A_1319 : i32
      %get3A_1321 = arith.index_cast %add3A_1320 : i32 to index
      %get3A_1322 = tpu.vector_load %arg5[%get3A_1321] {strides = array<i32>} : memref<656xi32, #tpu.memory_space<vmem>>, vector<16xi32>,
      %get3A_1323 = vector.shape_cast %get3A_1322 : vector<16xi32> to vector<16xi32>
      %slice3A_1324 = vector.extract_strided_slice %get3A_1323 {offsets = [0], sizes = [1], strides = [1]} : vector<16xi32> to vector<1xi32>
      %squeeze3A_1325 = vector.extract %slice3A_1324[0] : i32 from vector<1xi32>
      %shift_right_logical3A_1326 = arith.constant 10 : i32
      %shift_right_logical3A_1327 = arith.shrui %squeeze3A_1325, %shift_right_logical3A_1326 : i32
      %and3A_1328 = arith.constant 1 : i32
      %and3A_1329 = arith.andi %shift_right_logical3A_1327, %and3A_1328 : i32
      %mul3A_1330 = arith.constant 64 : i32
      %mul3A_1331 = arith.muli %and3A_1329, %mul3A_1330 : i32
      %add3A_1332 = arith.constant 16 : i32
      %add3A_1333 = arith.addi %mul3A_1331, %add3A_1332 : i32
      %get3A_1334 = arith.index_cast %add3A_1320 : i32 to index
      %get3A_1335 = arith.index_cast %add3A_1333 : i32 to index
      %get3A_1336 = tpu.vector_load %arg7[%get3A_1334, %get3A_1335] {strides = array<i32>} : memref<640x128xf32, #tpu.memory_space<vmem>>, vector<1x16xf32>,
      %get3A_1337 = vector.shape_cast %get3A_1336 : vector<1x16xf32> to vector<16xf32>
      %add3A_1338 = arith.addf %broadcast_in_dim3A_1316, %get3A_1337 : vector<16xf32>
      %mul3A_1339 = arith.constant 20 : i32
      %mul3A_1340 = arith.muli %scan3A_860, %mul3A_1339 : i32
      %add3A_1341 = arith.constant 1 : i32
      %add3A_1342 = arith.addi %mul3A_1340, %add3A_1341 : i32
      %get3A_1343 = arith.index_cast %add3A_1342 : i32 to index
      %get3A_1344 = tpu.vector_load %arg5[%get3A_1343] {strides = array<i32>} : memref<656xi32, #tpu.memory_space<vmem>>, vector<16xi32>,
      %get3A_1345 = vector.shape_cast %get3A_1344 : vector<16xi32> to vector<16xi32>
      %slice3A_1346 = vector.extract_strided_slice %get3A_1345 {offsets = [0], sizes = [1], strides = [1]} : vector<16xi32> to vector<1xi32>
      %squeeze3A_1347 = vector.extract %slice3A_1346[0] : i32 from vector<1xi32>
      %shift_right_logical3A_1348 = arith.constant 10 : i32
      %shift_right_logical3A_1349 = arith.shrui %squeeze3A_1347, %shift_right_logical3A_1348 : i32
      %and3A_1350 = arith.constant 1 : i32
      %and3A_1351 = arith.andi %shift_right_logical3A_1349, %and3A_1350 : i32
      %mul3A_1352 = arith.constant 64 : i32
      %mul3A_1353 = arith.muli %and3A_1351, %mul3A_1352 : i32
      %add3A_1354 = arith.constant 16 : i32
      %add3A_1355 = arith.addi %mul3A_1353, %add3A_1354 : i32
      %get3A_1356 = arith.index_cast %add3A_1342 : i32 to index
      %get3A_1357 = arith.index_cast %add3A_1355 : i32 to index
      %get3A_1358 = tpu.vector_load %arg7[%get3A_1356, %get3A_1357] {strides = array<i32>} : memref<640x128xf32, #tpu.memory_space<vmem>>, vector<1x16xf32>,
      %get3A_1359 = vector.shape_cast %get3A_1358 : vector<1x16xf32> to vector<16xf32>
      %add3A_1360 = arith.addf %add3A_1338, %get3A_1359 : vector<16xf32>
      %mul3A_1361 = arith.constant 20 : i32
      %mul3A_1362 = arith.muli %scan3A_860, %mul3A_1361 : i32
      %add3A_1363 = arith.constant 2 : i32
      %add3A_1364 = arith.addi %mul3A_1362, %add3A_1363 : i32
      %get3A_1365 = arith.index_cast %add3A_1364 : i32 to index
      %get3A_1366 = tpu.vector_load %arg5[%get3A_1365] {strides = array<i32>} : memref<656xi32, #tpu.memory_space<vmem>>, vector<16xi32>,
      %get3A_1367 = vector.shape_cast %get3A_1366 : vector<16xi32> to vector<16xi32>
      %slice3A_1368 = vector.extract_strided_slice %get3A_1367 {offsets = [0], sizes = [1], strides = [1]} : vector<16xi32> to vector<1xi32>
      %squeeze3A_1369 = vector.extract %slice3A_1368[0] : i32 from vector<1xi32>
      %shift_right_logical3A_1370 = arith.constant 10 : i32
      %shift_right_logical3A_1371 = arith.shrui %squeeze3A_1369, %shift_right_logical3A_1370 : i32
      %and3A_1372 = arith.constant 1 : i32
      %and3A_1373 = arith.andi %shift_right_logical3A_1371, %and3A_1372 : i32
      %mul3A_1374 = arith.constant 64 : i32
      %mul3A_1375 = arith.muli %and3A_1373, %mul3A_1374 : i32
      %add3A_1376 = arith.constant 16 : i32
      %add3A_1377 = arith.addi %mul3A_1375, %add3A_1376 : i32
      %get3A_1378 = arith.index_cast %add3A_1364 : i32 to index
      %get3A_1379 = arith.index_cast %add3A_1377 : i32 to index
      %get3A_1380 = tpu.vector_load %arg7[%get3A_1378, %get3A_1379] {strides = array<i32>} : memref<640x128xf32, #tpu.memory_space<vmem>>, vector<1x16xf32>,
      %get3A_1381 = vector.shape_cast %get3A_1380 : vector<1x16xf32> to vector<16xf32>
      %add3A_1382 = arith.addf %add3A_1360, %get3A_1381 : vector<16xf32>
      %mul3A_1383 = arith.constant 20 : i32
      %mul3A_1384 = arith.muli %scan3A_860, %mul3A_1383 : i32
      %add3A_1385 = arith.constant 3 : i32
      %add3A_1386 = arith.addi %mul3A_1384, %add3A_1385 : i32
      %get3A_1387 = arith.index_cast %add3A_1386 : i32 to index
      %get3A_1388 = tpu.vector_load %arg5[%get3A_1387] {strides = array<i32>} : memref<656xi32, #tpu.memory_space<vmem>>, vector<16xi32>,
      %get3A_1389 = vector.shape_cast %get3A_1388 : vector<16xi32> to vector<16xi32>
      %slice3A_1390 = vector.extract_strided_slice %get3A_1389 {offsets = [0], sizes = [1], strides = [1]} : vector<16xi32> to vector<1xi32>
      %squeeze3A_1391 = vector.extract %slice3A_1390[0] : i32 from vector<1xi32>
      %shift_right_logical3A_1392 = arith.constant 10 : i32
      %shift_right_logical3A_1393 = arith.shrui %squeeze3A_1391, %shift_right_logical3A_1392 : i32
      %and3A_1394 = arith.constant 1 : i32
      %and3A_1395 = arith.andi %shift_right_logical3A_1393, %and3A_1394 : i32
      %mul3A_1396 = arith.constant 64 : i32
      %mul3A_1397 = arith.muli %and3A_1395, %mul3A_1396 : i32
      %add3A_1398 = arith.constant 16 : i32
      %add3A_1399 = arith.addi %mul3A_1397, %add3A_1398 : i32
      %get3A_1400 = arith.index_cast %add3A_1386 : i32 to index
      %get3A_1401 = arith.index_cast %add3A_1399 : i32 to index
      %get3A_1402 = tpu.vector_load %arg7[%get3A_1400, %get3A_1401] {strides = array<i32>} : memref<640x128xf32, #tpu.memory_space<vmem>>, vector<1x16xf32>,
      %get3A_1403 = vector.shape_cast %get3A_1402 : vector<1x16xf32> to vector<16xf32>
      %add3A_1404 = arith.addf %add3A_1382, %get3A_1403 : vector<16xf32>
      %mul3A_1405 = arith.constant 20 : i32
      %mul3A_1406 = arith.muli %scan3A_860, %mul3A_1405 : i32
      %add3A_1407 = arith.constant 4 : i32
      %add3A_1408 = arith.addi %mul3A_1406, %add3A_1407 : i32
      %get3A_1409 = arith.index_cast %add3A_1408 : i32 to index
      %get3A_1410 = tpu.vector_load %arg5[%get3A_1409] {strides = array<i32>} : memref<656xi32, #tpu.memory_space<vmem>>, vector<16xi32>,
      %get3A_1411 = vector.shape_cast %get3A_1410 : vector<16xi32> to vector<16xi32>
      %slice3A_1412 = vector.extract_strided_slice %get3A_1411 {offsets = [0], sizes = [1], strides = [1]} : vector<16xi32> to vector<1xi32>
      %squeeze3A_1413 = vector.extract %slice3A_1412[0] : i32 from vector<1xi32>
      %shift_right_logical3A_1414 = arith.constant 10 : i32
      %shift_right_logical3A_1415 = arith.shrui %squeeze3A_1413, %shift_right_logical3A_1414 : i32
      %and3A_1416 = arith.constant 1 : i32
      %and3A_1417 = arith.andi %shift_right_logical3A_1415, %and3A_1416 : i32
      %mul3A_1418 = arith.constant 64 : i32
      %mul3A_1419 = arith.muli %and3A_1417, %mul3A_1418 : i32
      %add3A_1420 = arith.constant 16 : i32
      %add3A_1421 = arith.addi %mul3A_1419, %add3A_1420 : i32
      %get3A_1422 = arith.index_cast %add3A_1408 : i32 to index
      %get3A_1423 = arith.index_cast %add3A_1421 : i32 to index
      %get3A_1424 = tpu.vector_load %arg7[%get3A_1422, %get3A_1423] {strides = array<i32>} : memref<640x128xf32, #tpu.memory_space<vmem>>, vector<1x16xf32>,
      %get3A_1425 = vector.shape_cast %get3A_1424 : vector<1x16xf32> to vector<16xf32>
      %add3A_1426 = arith.addf %add3A_1404, %get3A_1425 : vector<16xf32>
      %mul3A_1427 = arith.constant 20 : i32
      %mul3A_1428 = arith.muli %scan3A_860, %mul3A_1427 : i32
      %add3A_1429 = arith.constant 5 : i32
      %add3A_1430 = arith.addi %mul3A_1428, %add3A_1429 : i32
      %get3A_1431 = arith.index_cast %add3A_1430 : i32 to index
      %get3A_1432 = tpu.vector_load %arg5[%get3A_1431] {strides = array<i32>} : memref<656xi32, #tpu.memory_space<vmem>>, vector<16xi32>,
      %get3A_1433 = vector.shape_cast %get3A_1432 : vector<16xi32> to vector<16xi32>
      %slice3A_1434 = vector.extract_strided_slice %get3A_1433 {offsets = [0], sizes = [1], strides = [1]} : vector<16xi32> to vector<1xi32>
      %squeeze3A_1435 = vector.extract %slice3A_1434[0] : i32 from vector<1xi32>
      %shift_right_logical3A_1436 = arith.constant 10 : i32
      %shift_right_logical3A_1437 = arith.shrui %squeeze3A_1435, %shift_right_logical3A_1436 : i32
      %and3A_1438 = arith.constant 1 : i32
      %and3A_1439 = arith.andi %shift_right_logical3A_1437, %and3A_1438 : i32
      %mul3A_1440 = arith.constant 64 : i32
      %mul3A_1441 = arith.muli %and3A_1439, %mul3A_1440 : i32
      %add3A_1442 = arith.constant 16 : i32
      %add3A_1443 = arith.addi %mul3A_1441, %add3A_1442 : i32
      %get3A_1444 = arith.index_cast %add3A_1430 : i32 to index
      %get3A_1445 = arith.index_cast %add3A_1443 : i32 to index
      %get3A_1446 = tpu.vector_load %arg7[%get3A_1444, %get3A_1445] {strides = array<i32>} : memref<640x128xf32, #tpu.memory_space<vmem>>, vector<1x16xf32>,
      %get3A_1447 = vector.shape_cast %get3A_1446 : vector<1x16xf32> to vector<16xf32>
      %add3A_1448 = arith.addf %add3A_1426, %get3A_1447 : vector<16xf32>
      %mul3A_1449 = arith.constant 20 : i32
      %mul3A_1450 = arith.muli %scan3A_860, %mul3A_1449 : i32
      %add3A_1451 = arith.constant 6 : i32
      %add3A_1452 = arith.addi %mul3A_1450, %add3A_1451 : i32
      %get3A_1453 = arith.index_cast %add3A_1452 : i32 to index
      %get3A_1454 = tpu.vector_load %arg5[%get3A_1453] {strides = array<i32>} : memref<656xi32, #tpu.memory_space<vmem>>, vector<16xi32>,
      %get3A_1455 = vector.shape_cast %get3A_1454 : vector<16xi32> to vector<16xi32>
      %slice3A_1456 = vector.extract_strided_slice %get3A_1455 {offsets = [0], sizes = [1], strides = [1]} : vector<16xi32> to vector<1xi32>
      %squeeze3A_1457 = vector.extract %slice3A_1456[0] : i32 from vector<1xi32>
      %shift_right_logical3A_1458 = arith.constant 10 : i32
      %shift_right_logical3A_1459 = arith.shrui %squeeze3A_1457, %shift_right_logical3A_1458 : i32
      %and3A_1460 = arith.constant 1 : i32
      %and3A_1461 = arith.andi %shift_right_logical3A_1459, %and3A_1460 : i32
      %mul3A_1462 = arith.constant 64 : i32
      %mul3A_1463 = arith.muli %and3A_1461, %mul3A_1462 : i32
      %add3A_1464 = arith.constant 16 : i32
      %add3A_1465 = arith.addi %mul3A_1463, %add3A_1464 : i32
      %get3A_1466 = arith.index_cast %add3A_1452 : i32 to index
      %get3A_1467 = arith.index_cast %add3A_1465 : i32 to index
      %get3A_1468 = tpu.vector_load %arg7[%get3A_1466, %get3A_1467] {strides = array<i32>} : memref<640x128xf32, #tpu.memory_space<vmem>>, vector<1x16xf32>,
      %get3A_1469 = vector.shape_cast %get3A_1468 : vector<1x16xf32> to vector<16xf32>
      %add3A_1470 = arith.addf %add3A_1448, %get3A_1469 : vector<16xf32>
      %mul3A_1471 = arith.constant 20 : i32
      %mul3A_1472 = arith.muli %scan3A_860, %mul3A_1471 : i32
      %add3A_1473 = arith.constant 7 : i32
      %add3A_1474 = arith.addi %mul3A_1472, %add3A_1473 : i32
      %get3A_1475 = arith.index_cast %add3A_1474 : i32 to index
      %get3A_1476 = tpu.vector_load %arg5[%get3A_1475] {strides = array<i32>} : memref<656xi32, #tpu.memory_space<vmem>>, vector<16xi32>,
      %get3A_1477 = vector.shape_cast %get3A_1476 : vector<16xi32> to vector<16xi32>
      %slice3A_1478 = vector.extract_strided_slice %get3A_1477 {offsets = [0], sizes = [1], strides = [1]} : vector<16xi32> to vector<1xi32>
      %squeeze3A_1479 = vector.extract %slice3A_1478[0] : i32 from vector<1xi32>
      %shift_right_logical3A_1480 = arith.constant 10 : i32
      %shift_right_logical3A_1481 = arith.shrui %squeeze3A_1479, %shift_right_logical3A_1480 : i32
      %and3A_1482 = arith.constant 1 : i32
      %and3A_1483 = arith.andi %shift_right_logical3A_1481, %and3A_1482 : i32
      %mul3A_1484 = arith.constant 64 : i32
      %mul3A_1485 = arith.muli %and3A_1483, %mul3A_1484 : i32
      %add3A_1486 = arith.constant 16 : i32
      %add3A_1487 = arith.addi %mul3A_1485, %add3A_1486 : i32
      %get3A_1488 = arith.index_cast %add3A_1474 : i32 to index
      %get3A_1489 = arith.index_cast %add3A_1487 : i32 to index
      %get3A_1490 = tpu.vector_load %arg7[%get3A_1488, %get3A_1489] {strides = array<i32>} : memref<640x128xf32, #tpu.memory_space<vmem>>, vector<1x16xf32>,
      %get3A_1491 = vector.shape_cast %get3A_1490 : vector<1x16xf32> to vector<16xf32>
      %add3A_1492 = arith.addf %add3A_1470, %get3A_1491 : vector<16xf32>
      %mul3A_1493 = arith.constant 20 : i32
      %mul3A_1494 = arith.muli %scan3A_860, %mul3A_1493 : i32
      %add3A_1495 = arith.constant 8 : i32
      %add3A_1496 = arith.addi %mul3A_1494, %add3A_1495 : i32
      %get3A_1497 = arith.index_cast %add3A_1496 : i32 to index
      %get3A_1498 = tpu.vector_load %arg5[%get3A_1497] {strides = array<i32>} : memref<656xi32, #tpu.memory_space<vmem>>, vector<16xi32>,
      %get3A_1499 = vector.shape_cast %get3A_1498 : vector<16xi32> to vector<16xi32>
      %slice3A_1500 = vector.extract_strided_slice %get3A_1499 {offsets = [0], sizes = [1], strides = [1]} : vector<16xi32> to vector<1xi32>
      %squeeze3A_1501 = vector.extract %slice3A_1500[0] : i32 from vector<1xi32>
      %shift_right_logical3A_1502 = arith.constant 10 : i32
      %shift_right_logical3A_1503 = arith.shrui %squeeze3A_1501, %shift_right_logical3A_1502 : i32
      %and3A_1504 = arith.constant 1 : i32
      %and3A_1505 = arith.andi %shift_right_logical3A_1503, %and3A_1504 : i32
      %mul3A_1506 = arith.constant 64 : i32
      %mul3A_1507 = arith.muli %and3A_1505, %mul3A_1506 : i32
      %add3A_1508 = arith.constant 16 : i32
      %add3A_1509 = arith.addi %mul3A_1507, %add3A_1508 : i32
      %get3A_1510 = arith.index_cast %add3A_1496 : i32 to index
      %get3A_1511 = arith.index_cast %add3A_1509 : i32 to index
      %get3A_1512 = tpu.vector_load %arg7[%get3A_1510, %get3A_1511] {strides = array<i32>} : memref<640x128xf32, #tpu.memory_space<vmem>>, vector<1x16xf32>,
      %get3A_1513 = vector.shape_cast %get3A_1512 : vector<1x16xf32> to vector<16xf32>
      %add3A_1514 = arith.addf %add3A_1492, %get3A_1513 : vector<16xf32>
      %mul3A_1515 = arith.constant 20 : i32
      %mul3A_1516 = arith.muli %scan3A_860, %mul3A_1515 : i32
      %add3A_1517 = arith.constant 9 : i32
      %add3A_1518 = arith.addi %mul3A_1516, %add3A_1517 : i32
      %get3A_1519 = arith.index_cast %add3A_1518 : i32 to index
      %get3A_1520 = tpu.vector_load %arg5[%get3A_1519] {strides = array<i32>} : memref<656xi32, #tpu.memory_space<vmem>>, vector<16xi32>,
      %get3A_1521 = vector.shape_cast %get3A_1520 : vector<16xi32> to vector<16xi32>
      %slice3A_1522 = vector.extract_strided_slice %get3A_1521 {offsets = [0], sizes = [1], strides = [1]} : vector<16xi32> to vector<1xi32>
      %squeeze3A_1523 = vector.extract %slice3A_1522[0] : i32 from vector<1xi32>
      %shift_right_logical3A_1524 = arith.constant 10 : i32
      %shift_right_logical3A_1525 = arith.shrui %squeeze3A_1523, %shift_right_logical3A_1524 : i32
      %and3A_1526 = arith.constant 1 : i32
      %and3A_1527 = arith.andi %shift_right_logical3A_1525, %and3A_1526 : i32
      %mul3A_1528 = arith.constant 64 : i32
      %mul3A_1529 = arith.muli %and3A_1527, %mul3A_1528 : i32
      %add3A_1530 = arith.constant 16 : i32
      %add3A_1531 = arith.addi %mul3A_1529, %add3A_1530 : i32
      %get3A_1532 = arith.index_cast %add3A_1518 : i32 to index
      %get3A_1533 = arith.index_cast %add3A_1531 : i32 to index
      %get3A_1534 = tpu.vector_load %arg7[%get3A_1532, %get3A_1533] {strides = array<i32>} : memref<640x128xf32, #tpu.memory_space<vmem>>, vector<1x16xf32>,
      %get3A_1535 = vector.shape_cast %get3A_1534 : vector<1x16xf32> to vector<16xf32>
      %add3A_1536 = arith.addf %add3A_1514, %get3A_1535 : vector<16xf32>
      %mul3A_1537 = arith.constant 20 : i32
      %mul3A_1538 = arith.muli %scan3A_860, %mul3A_1537 : i32
      %add3A_1539 = arith.constant 10 : i32
      %add3A_1540 = arith.addi %mul3A_1538, %add3A_1539 : i32
      %get3A_1541 = arith.index_cast %add3A_1540 : i32 to index
      %get3A_1542 = tpu.vector_load %arg5[%get3A_1541] {strides = array<i32>} : memref<656xi32, #tpu.memory_space<vmem>>, vector<16xi32>,
      %get3A_1543 = vector.shape_cast %get3A_1542 : vector<16xi32> to vector<16xi32>
      %slice3A_1544 = vector.extract_strided_slice %get3A_1543 {offsets = [0], sizes = [1], strides = [1]} : vector<16xi32> to vector<1xi32>
      %squeeze3A_1545 = vector.extract %slice3A_1544[0] : i32 from vector<1xi32>
      %shift_right_logical3A_1546 = arith.constant 10 : i32
      %shift_right_logical3A_1547 = arith.shrui %squeeze3A_1545, %shift_right_logical3A_1546 : i32
      %and3A_1548 = arith.constant 1 : i32
      %and3A_1549 = arith.andi %shift_right_logical3A_1547, %and3A_1548 : i32
      %mul3A_1550 = arith.constant 64 : i32
      %mul3A_1551 = arith.muli %and3A_1549, %mul3A_1550 : i32
      %add3A_1552 = arith.constant 16 : i32
      %add3A_1553 = arith.addi %mul3A_1551, %add3A_1552 : i32
      %get3A_1554 = arith.index_cast %add3A_1540 : i32 to index
      %get3A_1555 = arith.index_cast %add3A_1553 : i32 to index
      %get3A_1556 = tpu.vector_load %arg7[%get3A_1554, %get3A_1555] {strides = array<i32>} : memref<640x128xf32, #tpu.memory_space<vmem>>, vector<1x16xf32>,
      %get3A_1557 = vector.shape_cast %get3A_1556 : vector<1x16xf32> to vector<16xf32>
      %add3A_1558 = arith.addf %add3A_1536, %get3A_1557 : vector<16xf32>
      %mul3A_1559 = arith.constant 20 : i32
      %mul3A_1560 = arith.muli %scan3A_860, %mul3A_1559 : i32
      %add3A_1561 = arith.constant 11 : i32
      %add3A_1562 = arith.addi %mul3A_1560, %add3A_1561 : i32
      %get3A_1563 = arith.index_cast %add3A_1562 : i32 to index
      %get3A_1564 = tpu.vector_load %arg5[%get3A_1563] {strides = array<i32>} : memref<656xi32, #tpu.memory_space<vmem>>, vector<16xi32>,
      %get3A_1565 = vector.shape_cast %get3A_1564 : vector<16xi32> to vector<16xi32>
      %slice3A_1566 = vector.extract_strided_slice %get3A_1565 {offsets = [0], sizes = [1], strides = [1]} : vector<16xi32> to vector<1xi32>
      %squeeze3A_1567 = vector.extract %slice3A_1566[0] : i32 from vector<1xi32>
      %shift_right_logical3A_1568 = arith.constant 10 : i32
      %shift_right_logical3A_1569 = arith.shrui %squeeze3A_1567, %shift_right_logical3A_1568 : i32
      %and3A_1570 = arith.constant 1 : i32
      %and3A_1571 = arith.andi %shift_right_logical3A_1569, %and3A_1570 : i32
      %mul3A_1572 = arith.constant 64 : i32
      %mul3A_1573 = arith.muli %and3A_1571, %mul3A_1572 : i32
      %add3A_1574 = arith.constant 16 : i32
      %add3A_1575 = arith.addi %mul3A_1573, %add3A_1574 : i32
      %get3A_1576 = arith.index_cast %add3A_1562 : i32 to index
      %get3A_1577 = arith.index_cast %add3A_1575 : i32 to index
      %get3A_1578 = tpu.vector_load %arg7[%get3A_1576, %get3A_1577] {strides = array<i32>} : memref<640x128xf32, #tpu.memory_space<vmem>>, vector<1x16xf32>,
      %get3A_1579 = vector.shape_cast %get3A_1578 : vector<1x16xf32> to vector<16xf32>
      %add3A_1580 = arith.addf %add3A_1558, %get3A_1579 : vector<16xf32>
      %mul3A_1581 = arith.constant 20 : i32
      %mul3A_1582 = arith.muli %scan3A_860, %mul3A_1581 : i32
      %add3A_1583 = arith.constant 12 : i32
      %add3A_1584 = arith.addi %mul3A_1582, %add3A_1583 : i32
      %get3A_1585 = arith.index_cast %add3A_1584 : i32 to index
      %get3A_1586 = tpu.vector_load %arg5[%get3A_1585] {strides = array<i32>} : memref<656xi32, #tpu.memory_space<vmem>>, vector<16xi32>,
      %get3A_1587 = vector.shape_cast %get3A_1586 : vector<16xi32> to vector<16xi32>
      %slice3A_1588 = vector.extract_strided_slice %get3A_1587 {offsets = [0], sizes = [1], strides = [1]} : vector<16xi32> to vector<1xi32>
      %squeeze3A_1589 = vector.extract %slice3A_1588[0] : i32 from vector<1xi32>
      %shift_right_logical3A_1590 = arith.constant 10 : i32
      %shift_right_logical3A_1591 = arith.shrui %squeeze3A_1589, %shift_right_logical3A_1590 : i32
      %and3A_1592 = arith.constant 1 : i32
      %and3A_1593 = arith.andi %shift_right_logical3A_1591, %and3A_1592 : i32
      %mul3A_1594 = arith.constant 64 : i32
      %mul3A_1595 = arith.muli %and3A_1593, %mul3A_1594 : i32
      %add3A_1596 = arith.constant 16 : i32
      %add3A_1597 = arith.addi %mul3A_1595, %add3A_1596 : i32
      %get3A_1598 = arith.index_cast %add3A_1584 : i32 to index
      %get3A_1599 = arith.index_cast %add3A_1597 : i32 to index
      %get3A_1600 = tpu.vector_load %arg7[%get3A_1598, %get3A_1599] {strides = array<i32>} : memref<640x128xf32, #tpu.memory_space<vmem>>, vector<1x16xf32>,
      %get3A_1601 = vector.shape_cast %get3A_1600 : vector<1x16xf32> to vector<16xf32>
      %add3A_1602 = arith.addf %add3A_1580, %get3A_1601 : vector<16xf32>
      %mul3A_1603 = arith.constant 20 : i32
      %mul3A_1604 = arith.muli %scan3A_860, %mul3A_1603 : i32
      %add3A_1605 = arith.constant 13 : i32
      %add3A_1606 = arith.addi %mul3A_1604, %add3A_1605 : i32
      %get3A_1607 = arith.index_cast %add3A_1606 : i32 to index
      %get3A_1608 = tpu.vector_load %arg5[%get3A_1607] {strides = array<i32>} : memref<656xi32, #tpu.memory_space<vmem>>, vector<16xi32>,
      %get3A_1609 = vector.shape_cast %get3A_1608 : vector<16xi32> to vector<16xi32>
      %slice3A_1610 = vector.extract_strided_slice %get3A_1609 {offsets = [0], sizes = [1], strides = [1]} : vector<16xi32> to vector<1xi32>
      %squeeze3A_1611 = vector.extract %slice3A_1610[0] : i32 from vector<1xi32>
      %shift_right_logical3A_1612 = arith.constant 10 : i32
      %shift_right_logical3A_1613 = arith.shrui %squeeze3A_1611, %shift_right_logical3A_1612 : i32
      %and3A_1614 = arith.constant 1 : i32
      %and3A_1615 = arith.andi %shift_right_logical3A_1613, %and3A_1614 : i32
      %mul3A_1616 = arith.constant 64 : i32
      %mul3A_1617 = arith.muli %and3A_1615, %mul3A_1616 : i32
      %add3A_1618 = arith.constant 16 : i32
      %add3A_1619 = arith.addi %mul3A_1617, %add3A_1618 : i32
      %get3A_1620 = arith.index_cast %add3A_1606 : i32 to index
      %get3A_1621 = arith.index_cast %add3A_1619 : i32 to index
      %get3A_1622 = tpu.vector_load %arg7[%get3A_1620, %get3A_1621] {strides = array<i32>} : memref<640x128xf32, #tpu.memory_space<vmem>>, vector<1x16xf32>,
      %get3A_1623 = vector.shape_cast %get3A_1622 : vector<1x16xf32> to vector<16xf32>
      %add3A_1624 = arith.addf %add3A_1602, %get3A_1623 : vector<16xf32>
      %mul3A_1625 = arith.constant 20 : i32
      %mul3A_1626 = arith.muli %scan3A_860, %mul3A_1625 : i32
      %add3A_1627 = arith.constant 14 : i32
      %add3A_1628 = arith.addi %mul3A_1626, %add3A_1627 : i32
      %get3A_1629 = arith.index_cast %add3A_1628 : i32 to index
      %get3A_1630 = tpu.vector_load %arg5[%get3A_1629] {strides = array<i32>} : memref<656xi32, #tpu.memory_space<vmem>>, vector<16xi32>,
      %get3A_1631 = vector.shape_cast %get3A_1630 : vector<16xi32> to vector<16xi32>
      %slice3A_1632 = vector.extract_strided_slice %get3A_1631 {offsets = [0], sizes = [1], strides = [1]} : vector<16xi32> to vector<1xi32>
      %squeeze3A_1633 = vector.extract %slice3A_1632[0] : i32 from vector<1xi32>
      %shift_right_logical3A_1634 = arith.constant 10 : i32
      %shift_right_logical3A_1635 = arith.shrui %squeeze3A_1633, %shift_right_logical3A_1634 : i32
      %and3A_1636 = arith.constant 1 : i32
      %and3A_1637 = arith.andi %shift_right_logical3A_1635, %and3A_1636 : i32
      %mul3A_1638 = arith.constant 64 : i32
      %mul3A_1639 = arith.muli %and3A_1637, %mul3A_1638 : i32
      %add3A_1640 = arith.constant 16 : i32
      %add3A_1641 = arith.addi %mul3A_1639, %add3A_1640 : i32
      %get3A_1642 = arith.index_cast %add3A_1628 : i32 to index
      %get3A_1643 = arith.index_cast %add3A_1641 : i32 to index
      %get3A_1644 = tpu.vector_load %arg7[%get3A_1642, %get3A_1643] {strides = array<i32>} : memref<640x128xf32, #tpu.memory_space<vmem>>, vector<1x16xf32>,
      %get3A_1645 = vector.shape_cast %get3A_1644 : vector<1x16xf32> to vector<16xf32>
      %add3A_1646 = arith.addf %add3A_1624, %get3A_1645 : vector<16xf32>
      %mul3A_1647 = arith.constant 20 : i32
      %mul3A_1648 = arith.muli %scan3A_860, %mul3A_1647 : i32
      %add3A_1649 = arith.constant 15 : i32
      %add3A_1650 = arith.addi %mul3A_1648, %add3A_1649 : i32
      %get3A_1651 = arith.index_cast %add3A_1650 : i32 to index
      %get3A_1652 = tpu.vector_load %arg5[%get3A_1651] {strides = array<i32>} : memref<656xi32, #tpu.memory_space<vmem>>, vector<16xi32>,
      %get3A_1653 = vector.shape_cast %get3A_1652 : vector<16xi32> to vector<16xi32>
      %slice3A_1654 = vector.extract_strided_slice %get3A_1653 {offsets = [0], sizes = [1], strides = [1]} : vector<16xi32> to vector<1xi32>
      %squeeze3A_1655 = vector.extract %slice3A_1654[0] : i32 from vector<1xi32>
      %shift_right_logical3A_1656 = arith.constant 10 : i32
      %shift_right_logical3A_1657 = arith.shrui %squeeze3A_1655, %shift_right_logical3A_1656 : i32
      %and3A_1658 = arith.constant 1 : i32
      %and3A_1659 = arith.andi %shift_right_logical3A_1657, %and3A_1658 : i32
      %mul3A_1660 = arith.constant 64 : i32
      %mul3A_1661 = arith.muli %and3A_1659, %mul3A_1660 : i32
      %add3A_1662 = arith.constant 16 : i32
      %add3A_1663 = arith.addi %mul3A_1661, %add3A_1662 : i32
      %get3A_1664 = arith.index_cast %add3A_1650 : i32 to index
      %get3A_1665 = arith.index_cast %add3A_1663 : i32 to index
      %get3A_1666 = tpu.vector_load %arg7[%get3A_1664, %get3A_1665] {strides = array<i32>} : memref<640x128xf32, #tpu.memory_space<vmem>>, vector<1x16xf32>,
      %get3A_1667 = vector.shape_cast %get3A_1666 : vector<1x16xf32> to vector<16xf32>
      %add3A_1668 = arith.addf %add3A_1646, %get3A_1667 : vector<16xf32>
      %mul3A_1669 = arith.constant 20 : i32
      %mul3A_1670 = arith.muli %scan3A_860, %mul3A_1669 : i32
      %add3A_1671 = arith.constant 16 : i32
      %add3A_1672 = arith.addi %mul3A_1670, %add3A_1671 : i32
      %get3A_1673 = arith.index_cast %add3A_1672 : i32 to index
      %get3A_1674 = tpu.vector_load %arg5[%get3A_1673] {strides = array<i32>} : memref<656xi32, #tpu.memory_space<vmem>>, vector<16xi32>,
      %get3A_1675 = vector.shape_cast %get3A_1674 : vector<16xi32> to vector<16xi32>
      %slice3A_1676 = vector.extract_strided_slice %get3A_1675 {offsets = [0], sizes = [1], strides = [1]} : vector<16xi32> to vector<1xi32>
      %squeeze3A_1677 = vector.extract %slice3A_1676[0] : i32 from vector<1xi32>
      %shift_right_logical3A_1678 = arith.constant 10 : i32
      %shift_right_logical3A_1679 = arith.shrui %squeeze3A_1677, %shift_right_logical3A_1678 : i32
      %and3A_1680 = arith.constant 1 : i32
      %and3A_1681 = arith.andi %shift_right_logical3A_1679, %and3A_1680 : i32
      %mul3A_1682 = arith.constant 64 : i32
      %mul3A_1683 = arith.muli %and3A_1681, %mul3A_1682 : i32
      %add3A_1684 = arith.constant 16 : i32
      %add3A_1685 = arith.addi %mul3A_1683, %add3A_1684 : i32
      %get3A_1686 = arith.index_cast %add3A_1672 : i32 to index
      %get3A_1687 = arith.index_cast %add3A_1685 : i32 to index
      %get3A_1688 = tpu.vector_load %arg7[%get3A_1686, %get3A_1687] {strides = array<i32>} : memref<640x128xf32, #tpu.memory_space<vmem>>, vector<1x16xf32>,
      %get3A_1689 = vector.shape_cast %get3A_1688 : vector<1x16xf32> to vector<16xf32>
      %add3A_1690 = arith.addf %add3A_1668, %get3A_1689 : vector<16xf32>
      %mul3A_1691 = arith.constant 20 : i32
      %mul3A_1692 = arith.muli %scan3A_860, %mul3A_1691 : i32
      %add3A_1693 = arith.constant 17 : i32
      %add3A_1694 = arith.addi %mul3A_1692, %add3A_1693 : i32
      %get3A_1695 = arith.index_cast %add3A_1694 : i32 to index
      %get3A_1696 = tpu.vector_load %arg5[%get3A_1695] {strides = array<i32>} : memref<656xi32, #tpu.memory_space<vmem>>, vector<16xi32>,
      %get3A_1697 = vector.shape_cast %get3A_1696 : vector<16xi32> to vector<16xi32>
      %slice3A_1698 = vector.extract_strided_slice %get3A_1697 {offsets = [0], sizes = [1], strides = [1]} : vector<16xi32> to vector<1xi32>
      %squeeze3A_1699 = vector.extract %slice3A_1698[0] : i32 from vector<1xi32>
      %shift_right_logical3A_1700 = arith.constant 10 : i32
      %shift_right_logical3A_1701 = arith.shrui %squeeze3A_1699, %shift_right_logical3A_1700 : i32
      %and3A_1702 = arith.constant 1 : i32
      %and3A_1703 = arith.andi %shift_right_logical3A_1701, %and3A_1702 : i32
      %mul3A_1704 = arith.constant 64 : i32
      %mul3A_1705 = arith.muli %and3A_1703, %mul3A_1704 : i32
      %add3A_1706 = arith.constant 16 : i32
      %add3A_1707 = arith.addi %mul3A_1705, %add3A_1706 : i32
      %get3A_1708 = arith.index_cast %add3A_1694 : i32 to index
      %get3A_1709 = arith.index_cast %add3A_1707 : i32 to index
      %get3A_1710 = tpu.vector_load %arg7[%get3A_1708, %get3A_1709] {strides = array<i32>} : memref<640x128xf32, #tpu.memory_space<vmem>>, vector<1x16xf32>,
      %get3A_1711 = vector.shape_cast %get3A_1710 : vector<1x16xf32> to vector<16xf32>
      %add3A_1712 = arith.addf %add3A_1690, %get3A_1711 : vector<16xf32>
      %mul3A_1713 = arith.constant 20 : i32
      %mul3A_1714 = arith.muli %scan3A_860, %mul3A_1713 : i32
      %add3A_1715 = arith.constant 18 : i32
      %add3A_1716 = arith.addi %mul3A_1714, %add3A_1715 : i32
      %get3A_1717 = arith.index_cast %add3A_1716 : i32 to index
      %get3A_1718 = tpu.vector_load %arg5[%get3A_1717] {strides = array<i32>} : memref<656xi32, #tpu.memory_space<vmem>>, vector<16xi32>,
      %get3A_1719 = vector.shape_cast %get3A_1718 : vector<16xi32> to vector<16xi32>
      %slice3A_1720 = vector.extract_strided_slice %get3A_1719 {offsets = [0], sizes = [1], strides = [1]} : vector<16xi32> to vector<1xi32>
      %squeeze3A_1721 = vector.extract %slice3A_1720[0] : i32 from vector<1xi32>
      %shift_right_logical3A_1722 = arith.constant 10 : i32
      %shift_right_logical3A_1723 = arith.shrui %squeeze3A_1721, %shift_right_logical3A_1722 : i32
      %and3A_1724 = arith.constant 1 : i32
      %and3A_1725 = arith.andi %shift_right_logical3A_1723, %and3A_1724 : i32
      %mul3A_1726 = arith.constant 64 : i32
      %mul3A_1727 = arith.muli %and3A_1725, %mul3A_1726 : i32
      %add3A_1728 = arith.constant 16 : i32
      %add3A_1729 = arith.addi %mul3A_1727, %add3A_1728 : i32
      %get3A_1730 = arith.index_cast %add3A_1716 : i32 to index
      %get3A_1731 = arith.index_cast %add3A_1729 : i32 to index
      %get3A_1732 = tpu.vector_load %arg7[%get3A_1730, %get3A_1731] {strides = array<i32>} : memref<640x128xf32, #tpu.memory_space<vmem>>, vector<1x16xf32>,
      %get3A_1733 = vector.shape_cast %get3A_1732 : vector<1x16xf32> to vector<16xf32>
      %add3A_1734 = arith.addf %add3A_1712, %get3A_1733 : vector<16xf32>
      %mul3A_1735 = arith.constant 20 : i32
      %mul3A_1736 = arith.muli %scan3A_860, %mul3A_1735 : i32
      %add3A_1737 = arith.constant 19 : i32
      %add3A_1738 = arith.addi %mul3A_1736, %add3A_1737 : i32
      %get3A_1739 = arith.index_cast %add3A_1738 : i32 to index
      %get3A_1740 = tpu.vector_load %arg5[%get3A_1739] {strides = array<i32>} : memref<656xi32, #tpu.memory_space<vmem>>, vector<16xi32>,
      %get3A_1741 = vector.shape_cast %get3A_1740 : vector<16xi32> to vector<16xi32>
      %slice3A_1742 = vector.extract_strided_slice %get3A_1741 {offsets = [0], sizes = [1], strides = [1]} : vector<16xi32> to vector<1xi32>
      %squeeze3A_1743 = vector.extract %slice3A_1742[0] : i32 from vector<1xi32>
      %shift_right_logical3A_1744 = arith.constant 10 : i32
      %shift_right_logical3A_1745 = arith.shrui %squeeze3A_1743, %shift_right_logical3A_1744 : i32
      %and3A_1746 = arith.constant 1 : i32
      %and3A_1747 = arith.andi %shift_right_logical3A_1745, %and3A_1746 : i32
      %mul3A_1748 = arith.constant 64 : i32
      %mul3A_1749 = arith.muli %and3A_1747, %mul3A_1748 : i32
      %add3A_1750 = arith.constant 16 : i32
      %add3A_1751 = arith.addi %mul3A_1749, %add3A_1750 : i32
      %get3A_1752 = arith.index_cast %add3A_1738 : i32 to index
      %get3A_1753 = arith.index_cast %add3A_1751 : i32 to index
      %get3A_1754 = tpu.vector_load %arg7[%get3A_1752, %get3A_1753] {strides = array<i32>} : memref<640x128xf32, #tpu.memory_space<vmem>>, vector<1x16xf32>,
      %get3A_1755 = vector.shape_cast %get3A_1754 : vector<1x16xf32> to vector<16xf32>
      %add3A_1756 = arith.addf %add3A_1734, %get3A_1755 : vector<16xf32>
      %mul3A_1757 = arith.constant 5.000000e-02 : f32
      %mul3A_1758 = vector.broadcast %mul3A_1757 : f32 to vector<16xf32>
      %mul3A_1759 = arith.mulf %add3A_1756, %mul3A_1758 : vector<16xf32>
      %swap3A_1760 = arith.index_cast %scan3A_860 : i32 to index
      %swap3A_1761 = arith.constant 16 : index
      %swap3A_1762 = tpu.vector_load %arg8[%swap3A_1760, %swap3A_1761] {strides = array<i32>} : memref<32x128xf32, #tpu.memory_space<vmem>>, vector<1x16xf32>,
      %swap3A_1763 = vector.shape_cast %swap3A_1762 : vector<1x16xf32> to vector<16xf32>
      %swap3A_1764 = vector.shape_cast %mul3A_1759 : vector<16xf32> to vector<1x16xf32>
      tpu.vector_store %arg8[%swap3A_1760, %swap3A_1761], %swap3A_1764 {strides = array<i32>} : memref<32x128xf32, #tpu.memory_space<vmem>>, vector<1x16xf32>,
      %broadcast_in_dim3A_1765 = arith.constant 0.000000e+00 : f32
      %broadcast_in_dim3A_1766 = vector.broadcast %broadcast_in_dim3A_1765 : f32 to vector<16xf32>
      %swap3A_1767 = arith.index_cast %scan3A_860 : i32 to index
      %swap3A_1768 = arith.constant 80 : index
      %swap3A_1769 = tpu.vector_load %arg8[%swap3A_1767, %swap3A_1768] {strides = array<i32>} : memref<32x128xf32, #tpu.memory_space<vmem>>, vector<1x16xf32>,
      %swap3A_1770 = vector.shape_cast %swap3A_1769 : vector<1x16xf32> to vector<16xf32>
      %swap3A_1771 = vector.shape_cast %broadcast_in_dim3A_1766 : vector<16xf32> to vector<1x16xf32>
      tpu.vector_store %arg8[%swap3A_1767, %swap3A_1768], %swap3A_1771 {strides = array<i32>} : memref<32x128xf32, #tpu.memory_space<vmem>>, vector<1x16xf32>,
      %broadcast_in_dim3A_1772 = arith.constant 0.000000e+00 : f32
      %broadcast_in_dim3A_1773 = vector.broadcast %broadcast_in_dim3A_1772 : f32 to vector<16xf32>
      %mul3A_1774 = arith.constant 20 : i32
      %mul3A_1775 = arith.muli %scan3A_860, %mul3A_1774 : i32
      %add3A_1776 = arith.constant 0 : i32
      %add3A_1777 = arith.addi %mul3A_1775, %add3A_1776 : i32
      %get3A_1778 = arith.index_cast %add3A_1777 : i32 to index
      %get3A_1779 = tpu.vector_load %arg5[%get3A_1778] {strides = array<i32>} : memref<656xi32, #tpu.memory_space<vmem>>, vector<16xi32>,
      %get3A_1780 = vector.shape_cast %get3A_1779 : vector<16xi32> to vector<16xi32>
      %slice3A_1781 = vector.extract_strided_slice %get3A_1780 {offsets = [0], sizes = [1], strides = [1]} : vector<16xi32> to vector<1xi32>
      %squeeze3A_1782 = vector.extract %slice3A_1781[0] : i32 from vector<1xi32>
      %shift_right_logical3A_1783 = arith.constant 10 : i32
      %shift_right_logical3A_1784 = arith.shrui %squeeze3A_1782, %shift_right_logical3A_1783 : i32
      %and3A_1785 = arith.constant 1 : i32
      %and3A_1786 = arith.andi %shift_right_logical3A_1784, %and3A_1785 : i32
      %mul3A_1787 = arith.constant 64 : i32
      %mul3A_1788 = arith.muli %and3A_1786, %mul3A_1787 : i32
      %add3A_1789 = arith.constant 32 : i32
      %add3A_1790 = arith.addi %mul3A_1788, %add3A_1789 : i32
      %get3A_1791 = arith.index_cast %add3A_1777 : i32 to index
      %get3A_1792 = arith.index_cast %add3A_1790 : i32 to index
      %get3A_1793 = tpu.vector_load %arg7[%get3A_1791, %get3A_1792] {strides = array<i32>} : memref<640x128xf32, #tpu.memory_space<vmem>>, vector<1x16xf32>,
      %get3A_1794 = vector.shape_cast %get3A_1793 : vector<1x16xf32> to vector<16xf32>
      %add3A_1795 = arith.addf %broadcast_in_dim3A_1773, %get3A_1794 : vector<16xf32>
      %mul3A_1796 = arith.constant 20 : i32
      %mul3A_1797 = arith.muli %scan3A_860, %mul3A_1796 : i32
      %add3A_1798 = arith.constant 1 : i32
      %add3A_1799 = arith.addi %mul3A_1797, %add3A_1798 : i32
      %get3A_1800 = arith.index_cast %add3A_1799 : i32 to index
      %get3A_1801 = tpu.vector_load %arg5[%get3A_1800] {strides = array<i32>} : memref<656xi32, #tpu.memory_space<vmem>>, vector<16xi32>,
      %get3A_1802 = vector.shape_cast %get3A_1801 : vector<16xi32> to vector<16xi32>
      %slice3A_1803 = vector.extract_strided_slice %get3A_1802 {offsets = [0], sizes = [1], strides = [1]} : vector<16xi32> to vector<1xi32>
      %squeeze3A_1804 = vector.extract %slice3A_1803[0] : i32 from vector<1xi32>
      %shift_right_logical3A_1805 = arith.constant 10 : i32
      %shift_right_logical3A_1806 = arith.shrui %squeeze3A_1804, %shift_right_logical3A_1805 : i32
      %and3A_1807 = arith.constant 1 : i32
      %and3A_1808 = arith.andi %shift_right_logical3A_1806, %and3A_1807 : i32
      %mul3A_1809 = arith.constant 64 : i32
      %mul3A_1810 = arith.muli %and3A_1808, %mul3A_1809 : i32
      %add3A_1811 = arith.constant 32 : i32
      %add3A_1812 = arith.addi %mul3A_1810, %add3A_1811 : i32
      %get3A_1813 = arith.index_cast %add3A_1799 : i32 to index
      %get3A_1814 = arith.index_cast %add3A_1812 : i32 to index
      %get3A_1815 = tpu.vector_load %arg7[%get3A_1813, %get3A_1814] {strides = array<i32>} : memref<640x128xf32, #tpu.memory_space<vmem>>, vector<1x16xf32>,
      %get3A_1816 = vector.shape_cast %get3A_1815 : vector<1x16xf32> to vector<16xf32>
      %add3A_1817 = arith.addf %add3A_1795, %get3A_1816 : vector<16xf32>
      %mul3A_1818 = arith.constant 20 : i32
      %mul3A_1819 = arith.muli %scan3A_860, %mul3A_1818 : i32
      %add3A_1820 = arith.constant 2 : i32
      %add3A_1821 = arith.addi %mul3A_1819, %add3A_1820 : i32
      %get3A_1822 = arith.index_cast %add3A_1821 : i32 to index
      %get3A_1823 = tpu.vector_load %arg5[%get3A_1822] {strides = array<i32>} : memref<656xi32, #tpu.memory_space<vmem>>, vector<16xi32>,
      %get3A_1824 = vector.shape_cast %get3A_1823 : vector<16xi32> to vector<16xi32>
      %slice3A_1825 = vector.extract_strided_slice %get3A_1824 {offsets = [0], sizes = [1], strides = [1]} : vector<16xi32> to vector<1xi32>
      %squeeze3A_1826 = vector.extract %slice3A_1825[0] : i32 from vector<1xi32>
      %shift_right_logical3A_1827 = arith.constant 10 : i32
      %shift_right_logical3A_1828 = arith.shrui %squeeze3A_1826, %shift_right_logical3A_1827 : i32
      %and3A_1829 = arith.constant 1 : i32
      %and3A_1830 = arith.andi %shift_right_logical3A_1828, %and3A_1829 : i32
      %mul3A_1831 = arith.constant 64 : i32
      %mul3A_1832 = arith.muli %and3A_1830, %mul3A_1831 : i32
      %add3A_1833 = arith.constant 32 : i32
      %add3A_1834 = arith.addi %mul3A_1832, %add3A_1833 : i32
      %get3A_1835 = arith.index_cast %add3A_1821 : i32 to index
      %get3A_1836 = arith.index_cast %add3A_1834 : i32 to index
      %get3A_1837 = tpu.vector_load %arg7[%get3A_1835, %get3A_1836] {strides = array<i32>} : memref<640x128xf32, #tpu.memory_space<vmem>>, vector<1x16xf32>,
      %get3A_1838 = vector.shape_cast %get3A_1837 : vector<1x16xf32> to vector<16xf32>
      %add3A_1839 = arith.addf %add3A_1817, %get3A_1838 : vector<16xf32>
      %mul3A_1840 = arith.constant 20 : i32
      %mul3A_1841 = arith.muli %scan3A_860, %mul3A_1840 : i32
      %add3A_1842 = arith.constant 3 : i32
      %add3A_1843 = arith.addi %mul3A_1841, %add3A_1842 : i32
      %get3A_1844 = arith.index_cast %add3A_1843 : i32 to index
      %get3A_1845 = tpu.vector_load %arg5[%get3A_1844] {strides = array<i32>} : memref<656xi32, #tpu.memory_space<vmem>>, vector<16xi32>,
      %get3A_1846 = vector.shape_cast %get3A_1845 : vector<16xi32> to vector<16xi32>
      %slice3A_1847 = vector.extract_strided_slice %get3A_1846 {offsets = [0], sizes = [1], strides = [1]} : vector<16xi32> to vector<1xi32>
      %squeeze3A_1848 = vector.extract %slice3A_1847[0] : i32 from vector<1xi32>
      %shift_right_logical3A_1849 = arith.constant 10 : i32
      %shift_right_logical3A_1850 = arith.shrui %squeeze3A_1848, %shift_right_logical3A_1849 : i32
      %and3A_1851 = arith.constant 1 : i32
      %and3A_1852 = arith.andi %shift_right_logical3A_1850, %and3A_1851 : i32
      %mul3A_1853 = arith.constant 64 : i32
      %mul3A_1854 = arith.muli %and3A_1852, %mul3A_1853 : i32
      %add3A_1855 = arith.constant 32 : i32
      %add3A_1856 = arith.addi %mul3A_1854, %add3A_1855 : i32
      %get3A_1857 = arith.index_cast %add3A_1843 : i32 to index
      %get3A_1858 = arith.index_cast %add3A_1856 : i32 to index
      %get3A_1859 = tpu.vector_load %arg7[%get3A_1857, %get3A_1858] {strides = array<i32>} : memref<640x128xf32, #tpu.memory_space<vmem>>, vector<1x16xf32>,
      %get3A_1860 = vector.shape_cast %get3A_1859 : vector<1x16xf32> to vector<16xf32>
      %add3A_1861 = arith.addf %add3A_1839, %get3A_1860 : vector<16xf32>
      %mul3A_1862 = arith.constant 20 : i32
      %mul3A_1863 = arith.muli %scan3A_860, %mul3A_1862 : i32
      %add3A_1864 = arith.constant 4 : i32
      %add3A_1865 = arith.addi %mul3A_1863, %add3A_1864 : i32
      %get3A_1866 = arith.index_cast %add3A_1865 : i32 to index
      %get3A_1867 = tpu.vector_load %arg5[%get3A_1866] {strides = array<i32>} : memref<656xi32, #tpu.memory_space<vmem>>, vector<16xi32>,
      %get3A_1868 = vector.shape_cast %get3A_1867 : vector<16xi32> to vector<16xi32>
      %slice3A_1869 = vector.extract_strided_slice %get3A_1868 {offsets = [0], sizes = [1], strides = [1]} : vector<16xi32> to vector<1xi32>
      %squeeze3A_1870 = vector.extract %slice3A_1869[0] : i32 from vector<1xi32>
      %shift_right_logical3A_1871 = arith.constant 10 : i32
      %shift_right_logical3A_1872 = arith.shrui %squeeze3A_1870, %shift_right_logical3A_1871 : i32
      %and3A_1873 = arith.constant 1 : i32
      %and3A_1874 = arith.andi %shift_right_logical3A_1872, %and3A_1873 : i32
      %mul3A_1875 = arith.constant 64 : i32
      %mul3A_1876 = arith.muli %and3A_1874, %mul3A_1875 : i32
      %add3A_1877 = arith.constant 32 : i32
      %add3A_1878 = arith.addi %mul3A_1876, %add3A_1877 : i32
      %get3A_1879 = arith.index_cast %add3A_1865 : i32 to index
      %get3A_1880 = arith.index_cast %add3A_1878 : i32 to index
      %get3A_1881 = tpu.vector_load %arg7[%get3A_1879, %get3A_1880] {strides = array<i32>} : memref<640x128xf32, #tpu.memory_space<vmem>>, vector<1x16xf32>,
      %get3A_1882 = vector.shape_cast %get3A_1881 : vector<1x16xf32> to vector<16xf32>
      %add3A_1883 = arith.addf %add3A_1861, %get3A_1882 : vector<16xf32>
      %mul3A_1884 = arith.constant 20 : i32
      %mul3A_1885 = arith.muli %scan3A_860, %mul3A_1884 : i32
      %add3A_1886 = arith.constant 5 : i32
      %add3A_1887 = arith.addi %mul3A_1885, %add3A_1886 : i32
      %get3A_1888 = arith.index_cast %add3A_1887 : i32 to index
      %get3A_1889 = tpu.vector_load %arg5[%get3A_1888] {strides = array<i32>} : memref<656xi32, #tpu.memory_space<vmem>>, vector<16xi32>,
      %get3A_1890 = vector.shape_cast %get3A_1889 : vector<16xi32> to vector<16xi32>
      %slice3A_1891 = vector.extract_strided_slice %get3A_1890 {offsets = [0], sizes = [1], strides = [1]} : vector<16xi32> to vector<1xi32>
      %squeeze3A_1892 = vector.extract %slice3A_1891[0] : i32 from vector<1xi32>
      %shift_right_logical3A_1893 = arith.constant 10 : i32
      %shift_right_logical3A_1894 = arith.shrui %squeeze3A_1892, %shift_right_logical3A_1893 : i32
      %and3A_1895 = arith.constant 1 : i32
      %and3A_1896 = arith.andi %shift_right_logical3A_1894, %and3A_1895 : i32
      %mul3A_1897 = arith.constant 64 : i32
      %mul3A_1898 = arith.muli %and3A_1896, %mul3A_1897 : i32
      %add3A_1899 = arith.constant 32 : i32
      %add3A_1900 = arith.addi %mul3A_1898, %add3A_1899 : i32
      %get3A_1901 = arith.index_cast %add3A_1887 : i32 to index
      %get3A_1902 = arith.index_cast %add3A_1900 : i32 to index
      %get3A_1903 = tpu.vector_load %arg7[%get3A_1901, %get3A_1902] {strides = array<i32>} : memref<640x128xf32, #tpu.memory_space<vmem>>, vector<1x16xf32>,
      %get3A_1904 = vector.shape_cast %get3A_1903 : vector<1x16xf32> to vector<16xf32>
      %add3A_1905 = arith.addf %add3A_1883, %get3A_1904 : vector<16xf32>
      %mul3A_1906 = arith.constant 20 : i32
      %mul3A_1907 = arith.muli %scan3A_860, %mul3A_1906 : i32
      %add3A_1908 = arith.constant 6 : i32
      %add3A_1909 = arith.addi %mul3A_1907, %add3A_1908 : i32
      %get3A_1910 = arith.index_cast %add3A_1909 : i32 to index
      %get3A_1911 = tpu.vector_load %arg5[%get3A_1910] {strides = array<i32>} : memref<656xi32, #tpu.memory_space<vmem>>, vector<16xi32>,
      %get3A_1912 = vector.shape_cast %get3A_1911 : vector<16xi32> to vector<16xi32>
      %slice3A_1913 = vector.extract_strided_slice %get3A_1912 {offsets = [0], sizes = [1], strides = [1]} : vector<16xi32> to vector<1xi32>
      %squeeze3A_1914 = vector.extract %slice3A_1913[0] : i32 from vector<1xi32>
      %shift_right_logical3A_1915 = arith.constant 10 : i32
      %shift_right_logical3A_1916 = arith.shrui %squeeze3A_1914, %shift_right_logical3A_1915 : i32
      %and3A_1917 = arith.constant 1 : i32
      %and3A_1918 = arith.andi %shift_right_logical3A_1916, %and3A_1917 : i32
      %mul3A_1919 = arith.constant 64 : i32
      %mul3A_1920 = arith.muli %and3A_1918, %mul3A_1919 : i32
      %add3A_1921 = arith.constant 32 : i32
      %add3A_1922 = arith.addi %mul3A_1920, %add3A_1921 : i32
      %get3A_1923 = arith.index_cast %add3A_1909 : i32 to index
      %get3A_1924 = arith.index_cast %add3A_1922 : i32 to index
      %get3A_1925 = tpu.vector_load %arg7[%get3A_1923, %get3A_1924] {strides = array<i32>} : memref<640x128xf32, #tpu.memory_space<vmem>>, vector<1x16xf32>,
      %get3A_1926 = vector.shape_cast %get3A_1925 : vector<1x16xf32> to vector<16xf32>
      %add3A_1927 = arith.addf %add3A_1905, %get3A_1926 : vector<16xf32>
      %mul3A_1928 = arith.constant 20 : i32
      %mul3A_1929 = arith.muli %scan3A_860, %mul3A_1928 : i32
      %add3A_1930 = arith.constant 7 : i32
      %add3A_1931 = arith.addi %mul3A_1929, %add3A_1930 : i32
      %get3A_1932 = arith.index_cast %add3A_1931 : i32 to index
      %get3A_1933 = tpu.vector_load %arg5[%get3A_1932] {strides = array<i32>} : memref<656xi32, #tpu.memory_space<vmem>>, vector<16xi32>,
      %get3A_1934 = vector.shape_cast %get3A_1933 : vector<16xi32> to vector<16xi32>
      %slice3A_1935 = vector.extract_strided_slice %get3A_1934 {offsets = [0], sizes = [1], strides = [1]} : vector<16xi32> to vector<1xi32>
      %squeeze3A_1936 = vector.extract %slice3A_1935[0] : i32 from vector<1xi32>
      %shift_right_logical3A_1937 = arith.constant 10 : i32
      %shift_right_logical3A_1938 = arith.shrui %squeeze3A_1936, %shift_right_logical3A_1937 : i32
      %and3A_1939 = arith.constant 1 : i32
      %and3A_1940 = arith.andi %shift_right_logical3A_1938, %and3A_1939 : i32
      %mul3A_1941 = arith.constant 64 : i32
      %mul3A_1942 = arith.muli %and3A_1940, %mul3A_1941 : i32
      %add3A_1943 = arith.constant 32 : i32
      %add3A_1944 = arith.addi %mul3A_1942, %add3A_1943 : i32
      %get3A_1945 = arith.index_cast %add3A_1931 : i32 to index
      %get3A_1946 = arith.index_cast %add3A_1944 : i32 to index
      %get3A_1947 = tpu.vector_load %arg7[%get3A_1945, %get3A_1946] {strides = array<i32>} : memref<640x128xf32, #tpu.memory_space<vmem>>, vector<1x16xf32>,
      %get3A_1948 = vector.shape_cast %get3A_1947 : vector<1x16xf32> to vector<16xf32>
      %add3A_1949 = arith.addf %add3A_1927, %get3A_1948 : vector<16xf32>
      %mul3A_1950 = arith.constant 20 : i32
      %mul3A_1951 = arith.muli %scan3A_860, %mul3A_1950 : i32
      %add3A_1952 = arith.constant 8 : i32
      %add3A_1953 = arith.addi %mul3A_1951, %add3A_1952 : i32
      %get3A_1954 = arith.index_cast %add3A_1953 : i32 to index
      %get3A_1955 = tpu.vector_load %arg5[%get3A_1954] {strides = array<i32>} : memref<656xi32, #tpu.memory_space<vmem>>, vector<16xi32>,
      %get3A_1956 = vector.shape_cast %get3A_1955 : vector<16xi32> to vector<16xi32>
      %slice3A_1957 = vector.extract_strided_slice %get3A_1956 {offsets = [0], sizes = [1], strides = [1]} : vector<16xi32> to vector<1xi32>
      %squeeze3A_1958 = vector.extract %slice3A_1957[0] : i32 from vector<1xi32>
      %shift_right_logical3A_1959 = arith.constant 10 : i32
      %shift_right_logical3A_1960 = arith.shrui %squeeze3A_1958, %shift_right_logical3A_1959 : i32
      %and3A_1961 = arith.constant 1 : i32
      %and3A_1962 = arith.andi %shift_right_logical3A_1960, %and3A_1961 : i32
      %mul3A_1963 = arith.constant 64 : i32
      %mul3A_1964 = arith.muli %and3A_1962, %mul3A_1963 : i32
      %add3A_1965 = arith.constant 32 : i32
      %add3A_1966 = arith.addi %mul3A_1964, %add3A_1965 : i32
      %get3A_1967 = arith.index_cast %add3A_1953 : i32 to index
      %get3A_1968 = arith.index_cast %add3A_1966 : i32 to index
      %get3A_1969 = tpu.vector_load %arg7[%get3A_1967, %get3A_1968] {strides = array<i32>} : memref<640x128xf32, #tpu.memory_space<vmem>>, vector<1x16xf32>,
      %get3A_1970 = vector.shape_cast %get3A_1969 : vector<1x16xf32> to vector<16xf32>
      %add3A_1971 = arith.addf %add3A_1949, %get3A_1970 : vector<16xf32>
      %mul3A_1972 = arith.constant 20 : i32
      %mul3A_1973 = arith.muli %scan3A_860, %mul3A_1972 : i32
      %add3A_1974 = arith.constant 9 : i32
      %add3A_1975 = arith.addi %mul3A_1973, %add3A_1974 : i32
      %get3A_1976 = arith.index_cast %add3A_1975 : i32 to index
      %get3A_1977 = tpu.vector_load %arg5[%get3A_1976] {strides = array<i32>} : memref<656xi32, #tpu.memory_space<vmem>>, vector<16xi32>,
      %get3A_1978 = vector.shape_cast %get3A_1977 : vector<16xi32> to vector<16xi32>
      %slice3A_1979 = vector.extract_strided_slice %get3A_1978 {offsets = [0], sizes = [1], strides = [1]} : vector<16xi32> to vector<1xi32>
      %squeeze3A_1980 = vector.extract %slice3A_1979[0] : i32 from vector<1xi32>
      %shift_right_logical3A_1981 = arith.constant 10 : i32
      %shift_right_logical3A_1982 = arith.shrui %squeeze3A_1980, %shift_right_logical3A_1981 : i32
      %and3A_1983 = arith.constant 1 : i32
      %and3A_1984 = arith.andi %shift_right_logical3A_1982, %and3A_1983 : i32
      %mul3A_1985 = arith.constant 64 : i32
      %mul3A_1986 = arith.muli %and3A_1984, %mul3A_1985 : i32
      %add3A_1987 = arith.constant 32 : i32
      %add3A_1988 = arith.addi %mul3A_1986, %add3A_1987 : i32
      %get3A_1989 = arith.index_cast %add3A_1975 : i32 to index
      %get3A_1990 = arith.index_cast %add3A_1988 : i32 to index
      %get3A_1991 = tpu.vector_load %arg7[%get3A_1989, %get3A_1990] {strides = array<i32>} : memref<640x128xf32, #tpu.memory_space<vmem>>, vector<1x16xf32>,
      %get3A_1992 = vector.shape_cast %get3A_1991 : vector<1x16xf32> to vector<16xf32>
      %add3A_1993 = arith.addf %add3A_1971, %get3A_1992 : vector<16xf32>
      %mul3A_1994 = arith.constant 20 : i32
      %mul3A_1995 = arith.muli %scan3A_860, %mul3A_1994 : i32
      %add3A_1996 = arith.constant 10 : i32
      %add3A_1997 = arith.addi %mul3A_1995, %add3A_1996 : i32
      %get3A_1998 = arith.index_cast %add3A_1997 : i32 to index
      %get3A_1999 = tpu.vector_load %arg5[%get3A_1998] {strides = array<i32>} : memref<656xi32, #tpu.memory_space<vmem>>, vector<16xi32>,
      %get3A_2000 = vector.shape_cast %get3A_1999 : vector<16xi32> to vector<16xi32>
      %slice3A_2001 = vector.extract_strided_slice %get3A_2000 {offsets = [0], sizes = [1], strides = [1]} : vector<16xi32> to vector<1xi32>
      %squeeze3A_2002 = vector.extract %slice3A_2001[0] : i32 from vector<1xi32>
      %shift_right_logical3A_2003 = arith.constant 10 : i32
      %shift_right_logical3A_2004 = arith.shrui %squeeze3A_2002, %shift_right_logical3A_2003 : i32
      %and3A_2005 = arith.constant 1 : i32
      %and3A_2006 = arith.andi %shift_right_logical3A_2004, %and3A_2005 : i32
      %mul3A_2007 = arith.constant 64 : i32
      %mul3A_2008 = arith.muli %and3A_2006, %mul3A_2007 : i32
      %add3A_2009 = arith.constant 32 : i32
      %add3A_2010 = arith.addi %mul3A_2008, %add3A_2009 : i32
      %get3A_2011 = arith.index_cast %add3A_1997 : i32 to index
      %get3A_2012 = arith.index_cast %add3A_2010 : i32 to index
      %get3A_2013 = tpu.vector_load %arg7[%get3A_2011, %get3A_2012] {strides = array<i32>} : memref<640x128xf32, #tpu.memory_space<vmem>>, vector<1x16xf32>,
      %get3A_2014 = vector.shape_cast %get3A_2013 : vector<1x16xf32> to vector<16xf32>
      %add3A_2015 = arith.addf %add3A_1993, %get3A_2014 : vector<16xf32>
      %mul3A_2016 = arith.constant 20 : i32
      %mul3A_2017 = arith.muli %scan3A_860, %mul3A_2016 : i32
      %add3A_2018 = arith.constant 11 : i32
      %add3A_2019 = arith.addi %mul3A_2017, %add3A_2018 : i32
      %get3A_2020 = arith.index_cast %add3A_2019 : i32 to index
      %get3A_2021 = tpu.vector_load %arg5[%get3A_2020] {strides = array<i32>} : memref<656xi32, #tpu.memory_space<vmem>>, vector<16xi32>,
      %get3A_2022 = vector.shape_cast %get3A_2021 : vector<16xi32> to vector<16xi32>
      %slice3A_2023 = vector.extract_strided_slice %get3A_2022 {offsets = [0], sizes = [1], strides = [1]} : vector<16xi32> to vector<1xi32>
      %squeeze3A_2024 = vector.extract %slice3A_2023[0] : i32 from vector<1xi32>
      %shift_right_logical3A_2025 = arith.constant 10 : i32
      %shift_right_logical3A_2026 = arith.shrui %squeeze3A_2024, %shift_right_logical3A_2025 : i32
      %and3A_2027 = arith.constant 1 : i32
      %and3A_2028 = arith.andi %shift_right_logical3A_2026, %and3A_2027 : i32
      %mul3A_2029 = arith.constant 64 : i32
      %mul3A_2030 = arith.muli %and3A_2028, %mul3A_2029 : i32
      %add3A_2031 = arith.constant 32 : i32
      %add3A_2032 = arith.addi %mul3A_2030, %add3A_2031 : i32
      %get3A_2033 = arith.index_cast %add3A_2019 : i32 to index
      %get3A_2034 = arith.index_cast %add3A_2032 : i32 to index
      %get3A_2035 = tpu.vector_load %arg7[%get3A_2033, %get3A_2034] {strides = array<i32>} : memref<640x128xf32, #tpu.memory_space<vmem>>, vector<1x16xf32>,
      %get3A_2036 = vector.shape_cast %get3A_2035 : vector<1x16xf32> to vector<16xf32>
      %add3A_2037 = arith.addf %add3A_2015, %get3A_2036 : vector<16xf32>
      %mul3A_2038 = arith.constant 20 : i32
      %mul3A_2039 = arith.muli %scan3A_860, %mul3A_2038 : i32
      %add3A_2040 = arith.constant 12 : i32
      %add3A_2041 = arith.addi %mul3A_2039, %add3A_2040 : i32
      %get3A_2042 = arith.index_cast %add3A_2041 : i32 to index
      %get3A_2043 = tpu.vector_load %arg5[%get3A_2042] {strides = array<i32>} : memref<656xi32, #tpu.memory_space<vmem>>, vector<16xi32>,
      %get3A_2044 = vector.shape_cast %get3A_2043 : vector<16xi32> to vector<16xi32>
      %slice3A_2045 = vector.extract_strided_slice %get3A_2044 {offsets = [0], sizes = [1], strides = [1]} : vector<16xi32> to vector<1xi32>
      %squeeze3A_2046 = vector.extract %slice3A_2045[0] : i32 from vector<1xi32>
      %shift_right_logical3A_2047 = arith.constant 10 : i32
      %shift_right_logical3A_2048 = arith.shrui %squeeze3A_2046, %shift_right_logical3A_2047 : i32
      %and3A_2049 = arith.constant 1 : i32
      %and3A_2050 = arith.andi %shift_right_logical3A_2048, %and3A_2049 : i32
      %mul3A_2051 = arith.constant 64 : i32
      %mul3A_2052 = arith.muli %and3A_2050, %mul3A_2051 : i32
      %add3A_2053 = arith.constant 32 : i32
      %add3A_2054 = arith.addi %mul3A_2052, %add3A_2053 : i32
      %get3A_2055 = arith.index_cast %add3A_2041 : i32 to index
      %get3A_2056 = arith.index_cast %add3A_2054 : i32 to index
      %get3A_2057 = tpu.vector_load %arg7[%get3A_2055, %get3A_2056] {strides = array<i32>} : memref<640x128xf32, #tpu.memory_space<vmem>>, vector<1x16xf32>,
      %get3A_2058 = vector.shape_cast %get3A_2057 : vector<1x16xf32> to vector<16xf32>
      %add3A_2059 = arith.addf %add3A_2037, %get3A_2058 : vector<16xf32>
      %mul3A_2060 = arith.constant 20 : i32
      %mul3A_2061 = arith.muli %scan3A_860, %mul3A_2060 : i32
      %add3A_2062 = arith.constant 13 : i32
      %add3A_2063 = arith.addi %mul3A_2061, %add3A_2062 : i32
      %get3A_2064 = arith.index_cast %add3A_2063 : i32 to index
      %get3A_2065 = tpu.vector_load %arg5[%get3A_2064] {strides = array<i32>} : memref<656xi32, #tpu.memory_space<vmem>>, vector<16xi32>,
      %get3A_2066 = vector.shape_cast %get3A_2065 : vector<16xi32> to vector<16xi32>
      %slice3A_2067 = vector.extract_strided_slice %get3A_2066 {offsets = [0], sizes = [1], strides = [1]} : vector<16xi32> to vector<1xi32>
      %squeeze3A_2068 = vector.extract %slice3A_2067[0] : i32 from vector<1xi32>
      %shift_right_logical3A_2069 = arith.constant 10 : i32
      %shift_right_logical3A_2070 = arith.shrui %squeeze3A_2068, %shift_right_logical3A_2069 : i32
      %and3A_2071 = arith.constant 1 : i32
      %and3A_2072 = arith.andi %shift_right_logical3A_2070, %and3A_2071 : i32
      %mul3A_2073 = arith.constant 64 : i32
      %mul3A_2074 = arith.muli %and3A_2072, %mul3A_2073 : i32
      %add3A_2075 = arith.constant 32 : i32
      %add3A_2076 = arith.addi %mul3A_2074, %add3A_2075 : i32
      %get3A_2077 = arith.index_cast %add3A_2063 : i32 to index
      %get3A_2078 = arith.index_cast %add3A_2076 : i32 to index
      %get3A_2079 = tpu.vector_load %arg7[%get3A_2077, %get3A_2078] {strides = array<i32>} : memref<640x128xf32, #tpu.memory_space<vmem>>, vector<1x16xf32>,
      %get3A_2080 = vector.shape_cast %get3A_2079 : vector<1x16xf32> to vector<16xf32>
      %add3A_2081 = arith.addf %add3A_2059, %get3A_2080 : vector<16xf32>
      %mul3A_2082 = arith.constant 20 : i32
      %mul3A_2083 = arith.muli %scan3A_860, %mul3A_2082 : i32
      %add3A_2084 = arith.constant 14 : i32
      %add3A_2085 = arith.addi %mul3A_2083, %add3A_2084 : i32
      %get3A_2086 = arith.index_cast %add3A_2085 : i32 to index
      %get3A_2087 = tpu.vector_load %arg5[%get3A_2086] {strides = array<i32>} : memref<656xi32, #tpu.memory_space<vmem>>, vector<16xi32>,
      %get3A_2088 = vector.shape_cast %get3A_2087 : vector<16xi32> to vector<16xi32>
      %slice3A_2089 = vector.extract_strided_slice %get3A_2088 {offsets = [0], sizes = [1], strides = [1]} : vector<16xi32> to vector<1xi32>
      %squeeze3A_2090 = vector.extract %slice3A_2089[0] : i32 from vector<1xi32>
      %shift_right_logical3A_2091 = arith.constant 10 : i32
      %shift_right_logical3A_2092 = arith.shrui %squeeze3A_2090, %shift_right_logical3A_2091 : i32
      %and3A_2093 = arith.constant 1 : i32
      %and3A_2094 = arith.andi %shift_right_logical3A_2092, %and3A_2093 : i32
      %mul3A_2095 = arith.constant 64 : i32
      %mul3A_2096 = arith.muli %and3A_2094, %mul3A_2095 : i32
      %add3A_2097 = arith.constant 32 : i32
      %add3A_2098 = arith.addi %mul3A_2096, %add3A_2097 : i32
      %get3A_2099 = arith.index_cast %add3A_2085 : i32 to index
      %get3A_2100 = arith.index_cast %add3A_2098 : i32 to index
      %get3A_2101 = tpu.vector_load %arg7[%get3A_2099, %get3A_2100] {strides = array<i32>} : memref<640x128xf32, #tpu.memory_space<vmem>>, vector<1x16xf32>,
      %get3A_2102 = vector.shape_cast %get3A_2101 : vector<1x16xf32> to vector<16xf32>
      %add3A_2103 = arith.addf %add3A_2081, %get3A_2102 : vector<16xf32>
      %mul3A_2104 = arith.constant 20 : i32
      %mul3A_2105 = arith.muli %scan3A_860, %mul3A_2104 : i32
      %add3A_2106 = arith.constant 15 : i32
      %add3A_2107 = arith.addi %mul3A_2105, %add3A_2106 : i32
      %get3A_2108 = arith.index_cast %add3A_2107 : i32 to index
      %get3A_2109 = tpu.vector_load %arg5[%get3A_2108] {strides = array<i32>} : memref<656xi32, #tpu.memory_space<vmem>>, vector<16xi32>,
      %get3A_2110 = vector.shape_cast %get3A_2109 : vector<16xi32> to vector<16xi32>
      %slice3A_2111 = vector.extract_strided_slice %get3A_2110 {offsets = [0], sizes = [1], strides = [1]} : vector<16xi32> to vector<1xi32>
      %squeeze3A_2112 = vector.extract %slice3A_2111[0] : i32 from vector<1xi32>
      %shift_right_logical3A_2113 = arith.constant 10 : i32
      %shift_right_logical3A_2114 = arith.shrui %squeeze3A_2112, %shift_right_logical3A_2113 : i32
      %and3A_2115 = arith.constant 1 : i32
      %and3A_2116 = arith.andi %shift_right_logical3A_2114, %and3A_2115 : i32
      %mul3A_2117 = arith.constant 64 : i32
      %mul3A_2118 = arith.muli %and3A_2116, %mul3A_2117 : i32
      %add3A_2119 = arith.constant 32 : i32
      %add3A_2120 = arith.addi %mul3A_2118, %add3A_2119 : i32
      %get3A_2121 = arith.index_cast %add3A_2107 : i32 to index
      %get3A_2122 = arith.index_cast %add3A_2120 : i32 to index
      %get3A_2123 = tpu.vector_load %arg7[%get3A_2121, %get3A_2122] {strides = array<i32>} : memref<640x128xf32, #tpu.memory_space<vmem>>, vector<1x16xf32>,
      %get3A_2124 = vector.shape_cast %get3A_2123 : vector<1x16xf32> to vector<16xf32>
      %add3A_2125 = arith.addf %add3A_2103, %get3A_2124 : vector<16xf32>
      %mul3A_2126 = arith.constant 20 : i32
      %mul3A_2127 = arith.muli %scan3A_860, %mul3A_2126 : i32
      %add3A_2128 = arith.constant 16 : i32
      %add3A_2129 = arith.addi %mul3A_2127, %add3A_2128 : i32
      %get3A_2130 = arith.index_cast %add3A_2129 : i32 to index
      %get3A_2131 = tpu.vector_load %arg5[%get3A_2130] {strides = array<i32>} : memref<656xi32, #tpu.memory_space<vmem>>, vector<16xi32>,
      %get3A_2132 = vector.shape_cast %get3A_2131 : vector<16xi32> to vector<16xi32>
      %slice3A_2133 = vector.extract_strided_slice %get3A_2132 {offsets = [0], sizes = [1], strides = [1]} : vector<16xi32> to vector<1xi32>
      %squeeze3A_2134 = vector.extract %slice3A_2133[0] : i32 from vector<1xi32>
      %shift_right_logical3A_2135 = arith.constant 10 : i32
      %shift_right_logical3A_2136 = arith.shrui %squeeze3A_2134, %shift_right_logical3A_2135 : i32
      %and3A_2137 = arith.constant 1 : i32
      %and3A_2138 = arith.andi %shift_right_logical3A_2136, %and3A_2137 : i32
      %mul3A_2139 = arith.constant 64 : i32
      %mul3A_2140 = arith.muli %and3A_2138, %mul3A_2139 : i32
      %add3A_2141 = arith.constant 32 : i32
      %add3A_2142 = arith.addi %mul3A_2140, %add3A_2141 : i32
      %get3A_2143 = arith.index_cast %add3A_2129 : i32 to index
      %get3A_2144 = arith.index_cast %add3A_2142 : i32 to index
      %get3A_2145 = tpu.vector_load %arg7[%get3A_2143, %get3A_2144] {strides = array<i32>} : memref<640x128xf32, #tpu.memory_space<vmem>>, vector<1x16xf32>,
      %get3A_2146 = vector.shape_cast %get3A_2145 : vector<1x16xf32> to vector<16xf32>
      %add3A_2147 = arith.addf %add3A_2125, %get3A_2146 : vector<16xf32>
      %mul3A_2148 = arith.constant 20 : i32
      %mul3A_2149 = arith.muli %scan3A_860, %mul3A_2148 : i32
      %add3A_2150 = arith.constant 17 : i32
      %add3A_2151 = arith.addi %mul3A_2149, %add3A_2150 : i32
      %get3A_2152 = arith.index_cast %add3A_2151 : i32 to index
      %get3A_2153 = tpu.vector_load %arg5[%get3A_2152] {strides = array<i32>} : memref<656xi32, #tpu.memory_space<vmem>>, vector<16xi32>,
      %get3A_2154 = vector.shape_cast %get3A_2153 : vector<16xi32> to vector<16xi32>
      %slice3A_2155 = vector.extract_strided_slice %get3A_2154 {offsets = [0], sizes = [1], strides = [1]} : vector<16xi32> to vector<1xi32>
      %squeeze3A_2156 = vector.extract %slice3A_2155[0] : i32 from vector<1xi32>
      %shift_right_logical3A_2157 = arith.constant 10 : i32
      %shift_right_logical3A_2158 = arith.shrui %squeeze3A_2156, %shift_right_logical3A_2157 : i32
      %and3A_2159 = arith.constant 1 : i32
      %and3A_2160 = arith.andi %shift_right_logical3A_2158, %and3A_2159 : i32
      %mul3A_2161 = arith.constant 64 : i32
      %mul3A_2162 = arith.muli %and3A_2160, %mul3A_2161 : i32
      %add3A_2163 = arith.constant 32 : i32
      %add3A_2164 = arith.addi %mul3A_2162, %add3A_2163 : i32
      %get3A_2165 = arith.index_cast %add3A_2151 : i32 to index
      %get3A_2166 = arith.index_cast %add3A_2164 : i32 to index
      %get3A_2167 = tpu.vector_load %arg7[%get3A_2165, %get3A_2166] {strides = array<i32>} : memref<640x128xf32, #tpu.memory_space<vmem>>, vector<1x16xf32>,
      %get3A_2168 = vector.shape_cast %get3A_2167 : vector<1x16xf32> to vector<16xf32>
      %add3A_2169 = arith.addf %add3A_2147, %get3A_2168 : vector<16xf32>
      %mul3A_2170 = arith.constant 20 : i32
      %mul3A_2171 = arith.muli %scan3A_860, %mul3A_2170 : i32
      %add3A_2172 = arith.constant 18 : i32
      %add3A_2173 = arith.addi %mul3A_2171, %add3A_2172 : i32
      %get3A_2174 = arith.index_cast %add3A_2173 : i32 to index
      %get3A_2175 = tpu.vector_load %arg5[%get3A_2174] {strides = array<i32>} : memref<656xi32, #tpu.memory_space<vmem>>, vector<16xi32>,
      %get3A_2176 = vector.shape_cast %get3A_2175 : vector<16xi32> to vector<16xi32>
      %slice3A_2177 = vector.extract_strided_slice %get3A_2176 {offsets = [0], sizes = [1], strides = [1]} : vector<16xi32> to vector<1xi32>
      %squeeze3A_2178 = vector.extract %slice3A_2177[0] : i32 from vector<1xi32>
      %shift_right_logical3A_2179 = arith.constant 10 : i32
      %shift_right_logical3A_2180 = arith.shrui %squeeze3A_2178, %shift_right_logical3A_2179 : i32
      %and3A_2181 = arith.constant 1 : i32
      %and3A_2182 = arith.andi %shift_right_logical3A_2180, %and3A_2181 : i32
      %mul3A_2183 = arith.constant 64 : i32
      %mul3A_2184 = arith.muli %and3A_2182, %mul3A_2183 : i32
      %add3A_2185 = arith.constant 32 : i32
      %add3A_2186 = arith.addi %mul3A_2184, %add3A_2185 : i32
      %get3A_2187 = arith.index_cast %add3A_2173 : i32 to index
      %get3A_2188 = arith.index_cast %add3A_2186 : i32 to index
      %get3A_2189 = tpu.vector_load %arg7[%get3A_2187, %get3A_2188] {strides = array<i32>} : memref<640x128xf32, #tpu.memory_space<vmem>>, vector<1x16xf32>,
      %get3A_2190 = vector.shape_cast %get3A_2189 : vector<1x16xf32> to vector<16xf32>
      %add3A_2191 = arith.addf %add3A_2169, %get3A_2190 : vector<16xf32>
      %mul3A_2192 = arith.constant 20 : i32
      %mul3A_2193 = arith.muli %scan3A_860, %mul3A_2192 : i32
      %add3A_2194 = arith.constant 19 : i32
      %add3A_2195 = arith.addi %mul3A_2193, %add3A_2194 : i32
      %get3A_2196 = arith.index_cast %add3A_2195 : i32 to index
      %get3A_2197 = tpu.vector_load %arg5[%get3A_2196] {strides = array<i32>} : memref<656xi32, #tpu.memory_space<vmem>>, vector<16xi32>,
      %get3A_2198 = vector.shape_cast %get3A_2197 : vector<16xi32> to vector<16xi32>
      %slice3A_2199 = vector.extract_strided_slice %get3A_2198 {offsets = [0], sizes = [1], strides = [1]} : vector<16xi32> to vector<1xi32>
      %squeeze3A_2200 = vector.extract %slice3A_2199[0] : i32 from vector<1xi32>
      %shift_right_logical3A_2201 = arith.constant 10 : i32
      %shift_right_logical3A_2202 = arith.shrui %squeeze3A_2200, %shift_right_logical3A_2201 : i32
      %and3A_2203 = arith.constant 1 : i32
      %and3A_2204 = arith.andi %shift_right_logical3A_2202, %and3A_2203 : i32
      %mul3A_2205 = arith.constant 64 : i32
      %mul3A_2206 = arith.muli %and3A_2204, %mul3A_2205 : i32
      %add3A_2207 = arith.constant 32 : i32
      %add3A_2208 = arith.addi %mul3A_2206, %add3A_2207 : i32
      %get3A_2209 = arith.index_cast %add3A_2195 : i32 to index
      %get3A_2210 = arith.index_cast %add3A_2208 : i32 to index
      %get3A_2211 = tpu.vector_load %arg7[%get3A_2209, %get3A_2210] {strides = array<i32>} : memref<640x128xf32, #tpu.memory_space<vmem>>, vector<1x16xf32>,
      %get3A_2212 = vector.shape_cast %get3A_2211 : vector<1x16xf32> to vector<16xf32>
      %add3A_2213 = arith.addf %add3A_2191, %get3A_2212 : vector<16xf32>
      %mul3A_2214 = arith.constant 5.000000e-02 : f32
      %mul3A_2215 = vector.broadcast %mul3A_2214 : f32 to vector<16xf32>
      %mul3A_2216 = arith.mulf %add3A_2213, %mul3A_2215 : vector<16xf32>
      %swap3A_2217 = arith.index_cast %scan3A_860 : i32 to index
      %swap3A_2218 = arith.constant 32 : index
      %swap3A_2219 = tpu.vector_load %arg8[%swap3A_2217, %swap3A_2218] {strides = array<i32>} : memref<32x128xf32, #tpu.memory_space<vmem>>, vector<1x16xf32>,
      %swap3A_2220 = vector.shape_cast %swap3A_2219 : vector<1x16xf32> to vector<16xf32>
      %swap3A_2221 = vector.shape_cast %mul3A_2216 : vector<16xf32> to vector<1x16xf32>
      tpu.vector_store %arg8[%swap3A_2217, %swap3A_2218], %swap3A_2221 {strides = array<i32>} : memref<32x128xf32, #tpu.memory_space<vmem>>, vector<1x16xf32>,
      %broadcast_in_dim3A_2222 = arith.constant 0.000000e+00 : f32
      %broadcast_in_dim3A_2223 = vector.broadcast %broadcast_in_dim3A_2222 : f32 to vector<16xf32>
      %swap3A_2224 = arith.index_cast %scan3A_860 : i32 to index
      %swap3A_2225 = arith.constant 96 : index
      %swap3A_2226 = tpu.vector_load %arg8[%swap3A_2224, %swap3A_2225] {strides = array<i32>} : memref<32x128xf32, #tpu.memory_space<vmem>>, vector<1x16xf32>,
      %swap3A_2227 = vector.shape_cast %swap3A_2226 : vector<1x16xf32> to vector<16xf32>
      %swap3A_2228 = vector.shape_cast %broadcast_in_dim3A_2223 : vector<16xf32> to vector<1x16xf32>
      tpu.vector_store %arg8[%swap3A_2224, %swap3A_2225], %swap3A_2228 {strides = array<i32>} : memref<32x128xf32, #tpu.memory_space<vmem>>, vector<1x16xf32>,
      %broadcast_in_dim3A_2229 = arith.constant 0.000000e+00 : f32
      %broadcast_in_dim3A_2230 = vector.broadcast %broadcast_in_dim3A_2229 : f32 to vector<16xf32>
      %mul3A_2231 = arith.constant 20 : i32
      %mul3A_2232 = arith.muli %scan3A_860, %mul3A_2231 : i32
      %add3A_2233 = arith.constant 0 : i32
      %add3A_2234 = arith.addi %mul3A_2232, %add3A_2233 : i32
      %get3A_2235 = arith.index_cast %add3A_2234 : i32 to index
      %get3A_2236 = tpu.vector_load %arg5[%get3A_2235] {strides = array<i32>} : memref<656xi32, #tpu.memory_space<vmem>>, vector<16xi32>,
      %get3A_2237 = vector.shape_cast %get3A_2236 : vector<16xi32> to vector<16xi32>
      %slice3A_2238 = vector.extract_strided_slice %get3A_2237 {offsets = [0], sizes = [1], strides = [1]} : vector<16xi32> to vector<1xi32>
      %squeeze3A_2239 = vector.extract %slice3A_2238[0] : i32 from vector<1xi32>
      %shift_right_logical3A_2240 = arith.constant 10 : i32
      %shift_right_logical3A_2241 = arith.shrui %squeeze3A_2239, %shift_right_logical3A_2240 : i32
      %and3A_2242 = arith.constant 1 : i32
      %and3A_2243 = arith.andi %shift_right_logical3A_2241, %and3A_2242 : i32
      %mul3A_2244 = arith.constant 64 : i32
      %mul3A_2245 = arith.muli %and3A_2243, %mul3A_2244 : i32
      %add3A_2246 = arith.constant 48 : i32
      %add3A_2247 = arith.addi %mul3A_2245, %add3A_2246 : i32
      %get3A_2248 = arith.index_cast %add3A_2234 : i32 to index
      %get3A_2249 = arith.index_cast %add3A_2247 : i32 to index
      %get3A_2250 = tpu.vector_load %arg7[%get3A_2248, %get3A_2249] {strides = array<i32>} : memref<640x128xf32, #tpu.memory_space<vmem>>, vector<1x16xf32>,
      %get3A_2251 = vector.shape_cast %get3A_2250 : vector<1x16xf32> to vector<16xf32>
      %add3A_2252 = arith.addf %broadcast_in_dim3A_2230, %get3A_2251 : vector<16xf32>
      %mul3A_2253 = arith.constant 20 : i32
      %mul3A_2254 = arith.muli %scan3A_860, %mul3A_2253 : i32
      %add3A_2255 = arith.constant 1 : i32
      %add3A_2256 = arith.addi %mul3A_2254, %add3A_2255 : i32
      %get3A_2257 = arith.index_cast %add3A_2256 : i32 to index
      %get3A_2258 = tpu.vector_load %arg5[%get3A_2257] {strides = array<i32>} : memref<656xi32, #tpu.memory_space<vmem>>, vector<16xi32>,
      %get3A_2259 = vector.shape_cast %get3A_2258 : vector<16xi32> to vector<16xi32>
      %slice3A_2260 = vector.extract_strided_slice %get3A_2259 {offsets = [0], sizes = [1], strides = [1]} : vector<16xi32> to vector<1xi32>
      %squeeze3A_2261 = vector.extract %slice3A_2260[0] : i32 from vector<1xi32>
      %shift_right_logical3A_2262 = arith.constant 10 : i32
      %shift_right_logical3A_2263 = arith.shrui %squeeze3A_2261, %shift_right_logical3A_2262 : i32
      %and3A_2264 = arith.constant 1 : i32
      %and3A_2265 = arith.andi %shift_right_logical3A_2263, %and3A_2264 : i32
      %mul3A_2266 = arith.constant 64 : i32
      %mul3A_2267 = arith.muli %and3A_2265, %mul3A_2266 : i32
      %add3A_2268 = arith.constant 48 : i32
      %add3A_2269 = arith.addi %mul3A_2267, %add3A_2268 : i32
      %get3A_2270 = arith.index_cast %add3A_2256 : i32 to index
      %get3A_2271 = arith.index_cast %add3A_2269 : i32 to index
      %get3A_2272 = tpu.vector_load %arg7[%get3A_2270, %get3A_2271] {strides = array<i32>} : memref<640x128xf32, #tpu.memory_space<vmem>>, vector<1x16xf32>,
      %get3A_2273 = vector.shape_cast %get3A_2272 : vector<1x16xf32> to vector<16xf32>
      %add3A_2274 = arith.addf %add3A_2252, %get3A_2273 : vector<16xf32>
      %mul3A_2275 = arith.constant 20 : i32
      %mul3A_2276 = arith.muli %scan3A_860, %mul3A_2275 : i32
      %add3A_2277 = arith.constant 2 : i32
      %add3A_2278 = arith.addi %mul3A_2276, %add3A_2277 : i32
      %get3A_2279 = arith.index_cast %add3A_2278 : i32 to index
      %get3A_2280 = tpu.vector_load %arg5[%get3A_2279] {strides = array<i32>} : memref<656xi32, #tpu.memory_space<vmem>>, vector<16xi32>,
      %get3A_2281 = vector.shape_cast %get3A_2280 : vector<16xi32> to vector<16xi32>
      %slice3A_2282 = vector.extract_strided_slice %get3A_2281 {offsets = [0], sizes = [1], strides = [1]} : vector<16xi32> to vector<1xi32>
      %squeeze3A_2283 = vector.extract %slice3A_2282[0] : i32 from vector<1xi32>
      %shift_right_logical3A_2284 = arith.constant 10 : i32
      %shift_right_logical3A_2285 = arith.shrui %squeeze3A_2283, %shift_right_logical3A_2284 : i32
      %and3A_2286 = arith.constant 1 : i32
      %and3A_2287 = arith.andi %shift_right_logical3A_2285, %and3A_2286 : i32
      %mul3A_2288 = arith.constant 64 : i32
      %mul3A_2289 = arith.muli %and3A_2287, %mul3A_2288 : i32
      %add3A_2290 = arith.constant 48 : i32
      %add3A_2291 = arith.addi %mul3A_2289, %add3A_2290 : i32
      %get3A_2292 = arith.index_cast %add3A_2278 : i32 to index
      %get3A_2293 = arith.index_cast %add3A_2291 : i32 to index
      %get3A_2294 = tpu.vector_load %arg7[%get3A_2292, %get3A_2293] {strides = array<i32>} : memref<640x128xf32, #tpu.memory_space<vmem>>, vector<1x16xf32>,
      %get3A_2295 = vector.shape_cast %get3A_2294 : vector<1x16xf32> to vector<16xf32>
      %add3A_2296 = arith.addf %add3A_2274, %get3A_2295 : vector<16xf32>
      %mul3A_2297 = arith.constant 20 : i32
      %mul3A_2298 = arith.muli %scan3A_860, %mul3A_2297 : i32
      %add3A_2299 = arith.constant 3 : i32
      %add3A_2300 = arith.addi %mul3A_2298, %add3A_2299 : i32
      %get3A_2301 = arith.index_cast %add3A_2300 : i32 to index
      %get3A_2302 = tpu.vector_load %arg5[%get3A_2301] {strides = array<i32>} : memref<656xi32, #tpu.memory_space<vmem>>, vector<16xi32>,
      %get3A_2303 = vector.shape_cast %get3A_2302 : vector<16xi32> to vector<16xi32>
      %slice3A_2304 = vector.extract_strided_slice %get3A_2303 {offsets = [0], sizes = [1], strides = [1]} : vector<16xi32> to vector<1xi32>
      %squeeze3A_2305 = vector.extract %slice3A_2304[0] : i32 from vector<1xi32>
      %shift_right_logical3A_2306 = arith.constant 10 : i32
      %shift_right_logical3A_2307 = arith.shrui %squeeze3A_2305, %shift_right_logical3A_2306 : i32
      %and3A_2308 = arith.constant 1 : i32
      %and3A_2309 = arith.andi %shift_right_logical3A_2307, %and3A_2308 : i32
      %mul3A_2310 = arith.constant 64 : i32
      %mul3A_2311 = arith.muli %and3A_2309, %mul3A_2310 : i32
      %add3A_2312 = arith.constant 48 : i32
      %add3A_2313 = arith.addi %mul3A_2311, %add3A_2312 : i32
      %get3A_2314 = arith.index_cast %add3A_2300 : i32 to index
      %get3A_2315 = arith.index_cast %add3A_2313 : i32 to index
      %get3A_2316 = tpu.vector_load %arg7[%get3A_2314, %get3A_2315] {strides = array<i32>} : memref<640x128xf32, #tpu.memory_space<vmem>>, vector<1x16xf32>,
      %get3A_2317 = vector.shape_cast %get3A_2316 : vector<1x16xf32> to vector<16xf32>
      %add3A_2318 = arith.addf %add3A_2296, %get3A_2317 : vector<16xf32>
      %mul3A_2319 = arith.constant 20 : i32
      %mul3A_2320 = arith.muli %scan3A_860, %mul3A_2319 : i32
      %add3A_2321 = arith.constant 4 : i32
      %add3A_2322 = arith.addi %mul3A_2320, %add3A_2321 : i32
      %get3A_2323 = arith.index_cast %add3A_2322 : i32 to index
      %get3A_2324 = tpu.vector_load %arg5[%get3A_2323] {strides = array<i32>} : memref<656xi32, #tpu.memory_space<vmem>>, vector<16xi32>,
      %get3A_2325 = vector.shape_cast %get3A_2324 : vector<16xi32> to vector<16xi32>
      %slice3A_2326 = vector.extract_strided_slice %get3A_2325 {offsets = [0], sizes = [1], strides = [1]} : vector<16xi32> to vector<1xi32>
      %squeeze3A_2327 = vector.extract %slice3A_2326[0] : i32 from vector<1xi32>
      %shift_right_logical3A_2328 = arith.constant 10 : i32
      %shift_right_logical3A_2329 = arith.shrui %squeeze3A_2327, %shift_right_logical3A_2328 : i32
      %and3A_2330 = arith.constant 1 : i32
      %and3A_2331 = arith.andi %shift_right_logical3A_2329, %and3A_2330 : i32
      %mul3A_2332 = arith.constant 64 : i32
      %mul3A_2333 = arith.muli %and3A_2331, %mul3A_2332 : i32
      %add3A_2334 = arith.constant 48 : i32
      %add3A_2335 = arith.addi %mul3A_2333, %add3A_2334 : i32
      %get3A_2336 = arith.index_cast %add3A_2322 : i32 to index
      %get3A_2337 = arith.index_cast %add3A_2335 : i32 to index
      %get3A_2338 = tpu.vector_load %arg7[%get3A_2336, %get3A_2337] {strides = array<i32>} : memref<640x128xf32, #tpu.memory_space<vmem>>, vector<1x16xf32>,
      %get3A_2339 = vector.shape_cast %get3A_2338 : vector<1x16xf32> to vector<16xf32>
      %add3A_2340 = arith.addf %add3A_2318, %get3A_2339 : vector<16xf32>
      %mul3A_2341 = arith.constant 20 : i32
      %mul3A_2342 = arith.muli %scan3A_860, %mul3A_2341 : i32
      %add3A_2343 = arith.constant 5 : i32
      %add3A_2344 = arith.addi %mul3A_2342, %add3A_2343 : i32
      %get3A_2345 = arith.index_cast %add3A_2344 : i32 to index
      %get3A_2346 = tpu.vector_load %arg5[%get3A_2345] {strides = array<i32>} : memref<656xi32, #tpu.memory_space<vmem>>, vector<16xi32>,
      %get3A_2347 = vector.shape_cast %get3A_2346 : vector<16xi32> to vector<16xi32>
      %slice3A_2348 = vector.extract_strided_slice %get3A_2347 {offsets = [0], sizes = [1], strides = [1]} : vector<16xi32> to vector<1xi32>
      %squeeze3A_2349 = vector.extract %slice3A_2348[0] : i32 from vector<1xi32>
      %shift_right_logical3A_2350 = arith.constant 10 : i32
      %shift_right_logical3A_2351 = arith.shrui %squeeze3A_2349, %shift_right_logical3A_2350 : i32
      %and3A_2352 = arith.constant 1 : i32
      %and3A_2353 = arith.andi %shift_right_logical3A_2351, %and3A_2352 : i32
      %mul3A_2354 = arith.constant 64 : i32
      %mul3A_2355 = arith.muli %and3A_2353, %mul3A_2354 : i32
      %add3A_2356 = arith.constant 48 : i32
      %add3A_2357 = arith.addi %mul3A_2355, %add3A_2356 : i32
      %get3A_2358 = arith.index_cast %add3A_2344 : i32 to index
      %get3A_2359 = arith.index_cast %add3A_2357 : i32 to index
      %get3A_2360 = tpu.vector_load %arg7[%get3A_2358, %get3A_2359] {strides = array<i32>} : memref<640x128xf32, #tpu.memory_space<vmem>>, vector<1x16xf32>,
      %get3A_2361 = vector.shape_cast %get3A_2360 : vector<1x16xf32> to vector<16xf32>
      %add3A_2362 = arith.addf %add3A_2340, %get3A_2361 : vector<16xf32>
      %mul3A_2363 = arith.constant 20 : i32
      %mul3A_2364 = arith.muli %scan3A_860, %mul3A_2363 : i32
      %add3A_2365 = arith.constant 6 : i32
      %add3A_2366 = arith.addi %mul3A_2364, %add3A_2365 : i32
      %get3A_2367 = arith.index_cast %add3A_2366 : i32 to index
      %get3A_2368 = tpu.vector_load %arg5[%get3A_2367] {strides = array<i32>} : memref<656xi32, #tpu.memory_space<vmem>>, vector<16xi32>,
      %get3A_2369 = vector.shape_cast %get3A_2368 : vector<16xi32> to vector<16xi32>
      %slice3A_2370 = vector.extract_strided_slice %get3A_2369 {offsets = [0], sizes = [1], strides = [1]} : vector<16xi32> to vector<1xi32>
      %squeeze3A_2371 = vector.extract %slice3A_2370[0] : i32 from vector<1xi32>
      %shift_right_logical3A_2372 = arith.constant 10 : i32
      %shift_right_logical3A_2373 = arith.shrui %squeeze3A_2371, %shift_right_logical3A_2372 : i32
      %and3A_2374 = arith.constant 1 : i32
      %and3A_2375 = arith.andi %shift_right_logical3A_2373, %and3A_2374 : i32
      %mul3A_2376 = arith.constant 64 : i32
      %mul3A_2377 = arith.muli %and3A_2375, %mul3A_2376 : i32
      %add3A_2378 = arith.constant 48 : i32
      %add3A_2379 = arith.addi %mul3A_2377, %add3A_2378 : i32
      %get3A_2380 = arith.index_cast %add3A_2366 : i32 to index
      %get3A_2381 = arith.index_cast %add3A_2379 : i32 to index
      %get3A_2382 = tpu.vector_load %arg7[%get3A_2380, %get3A_2381] {strides = array<i32>} : memref<640x128xf32, #tpu.memory_space<vmem>>, vector<1x16xf32>,
      %get3A_2383 = vector.shape_cast %get3A_2382 : vector<1x16xf32> to vector<16xf32>
      %add3A_2384 = arith.addf %add3A_2362, %get3A_2383 : vector<16xf32>
      %mul3A_2385 = arith.constant 20 : i32
      %mul3A_2386 = arith.muli %scan3A_860, %mul3A_2385 : i32
      %add3A_2387 = arith.constant 7 : i32
      %add3A_2388 = arith.addi %mul3A_2386, %add3A_2387 : i32
      %get3A_2389 = arith.index_cast %add3A_2388 : i32 to index
      %get3A_2390 = tpu.vector_load %arg5[%get3A_2389] {strides = array<i32>} : memref<656xi32, #tpu.memory_space<vmem>>, vector<16xi32>,
      %get3A_2391 = vector.shape_cast %get3A_2390 : vector<16xi32> to vector<16xi32>
      %slice3A_2392 = vector.extract_strided_slice %get3A_2391 {offsets = [0], sizes = [1], strides = [1]} : vector<16xi32> to vector<1xi32>
      %squeeze3A_2393 = vector.extract %slice3A_2392[0] : i32 from vector<1xi32>
      %shift_right_logical3A_2394 = arith.constant 10 : i32
      %shift_right_logical3A_2395 = arith.shrui %squeeze3A_2393, %shift_right_logical3A_2394 : i32
      %and3A_2396 = arith.constant 1 : i32
      %and3A_2397 = arith.andi %shift_right_logical3A_2395, %and3A_2396 : i32
      %mul3A_2398 = arith.constant 64 : i32
      %mul3A_2399 = arith.muli %and3A_2397, %mul3A_2398 : i32
      %add3A_2400 = arith.constant 48 : i32
      %add3A_2401 = arith.addi %mul3A_2399, %add3A_2400 : i32
      %get3A_2402 = arith.index_cast %add3A_2388 : i32 to index
      %get3A_2403 = arith.index_cast %add3A_2401 : i32 to index
      %get3A_2404 = tpu.vector_load %arg7[%get3A_2402, %get3A_2403] {strides = array<i32>} : memref<640x128xf32, #tpu.memory_space<vmem>>, vector<1x16xf32>,
      %get3A_2405 = vector.shape_cast %get3A_2404 : vector<1x16xf32> to vector<16xf32>
      %add3A_2406 = arith.addf %add3A_2384, %get3A_2405 : vector<16xf32>
      %mul3A_2407 = arith.constant 20 : i32
      %mul3A_2408 = arith.muli %scan3A_860, %mul3A_2407 : i32
      %add3A_2409 = arith.constant 8 : i32
      %add3A_2410 = arith.addi %mul3A_2408, %add3A_2409 : i32
      %get3A_2411 = arith.index_cast %add3A_2410 : i32 to index
      %get3A_2412 = tpu.vector_load %arg5[%get3A_2411] {strides = array<i32>} : memref<656xi32, #tpu.memory_space<vmem>>, vector<16xi32>,
      %get3A_2413 = vector.shape_cast %get3A_2412 : vector<16xi32> to vector<16xi32>
      %slice3A_2414 = vector.extract_strided_slice %get3A_2413 {offsets = [0], sizes = [1], strides = [1]} : vector<16xi32> to vector<1xi32>
      %squeeze3A_2415 = vector.extract %slice3A_2414[0] : i32 from vector<1xi32>
      %shift_right_logical3A_2416 = arith.constant 10 : i32
      %shift_right_logical3A_2417 = arith.shrui %squeeze3A_2415, %shift_right_logical3A_2416 : i32
      %and3A_2418 = arith.constant 1 : i32
      %and3A_2419 = arith.andi %shift_right_logical3A_2417, %and3A_2418 : i32
      %mul3A_2420 = arith.constant 64 : i32
      %mul3A_2421 = arith.muli %and3A_2419, %mul3A_2420 : i32
      %add3A_2422 = arith.constant 48 : i32
      %add3A_2423 = arith.addi %mul3A_2421, %add3A_2422 : i32
      %get3A_2424 = arith.index_cast %add3A_2410 : i32 to index
      %get3A_2425 = arith.index_cast %add3A_2423 : i32 to index
      %get3A_2426 = tpu.vector_load %arg7[%get3A_2424, %get3A_2425] {strides = array<i32>} : memref<640x128xf32, #tpu.memory_space<vmem>>, vector<1x16xf32>,
      %get3A_2427 = vector.shape_cast %get3A_2426 : vector<1x16xf32> to vector<16xf32>
      %add3A_2428 = arith.addf %add3A_2406, %get3A_2427 : vector<16xf32>
      %mul3A_2429 = arith.constant 20 : i32
      %mul3A_2430 = arith.muli %scan3A_860, %mul3A_2429 : i32
      %add3A_2431 = arith.constant 9 : i32
      %add3A_2432 = arith.addi %mul3A_2430, %add3A_2431 : i32
      %get3A_2433 = arith.index_cast %add3A_2432 : i32 to index
      %get3A_2434 = tpu.vector_load %arg5[%get3A_2433] {strides = array<i32>} : memref<656xi32, #tpu.memory_space<vmem>>, vector<16xi32>,
      %get3A_2435 = vector.shape_cast %get3A_2434 : vector<16xi32> to vector<16xi32>
      %slice3A_2436 = vector.extract_strided_slice %get3A_2435 {offsets = [0], sizes = [1], strides = [1]} : vector<16xi32> to vector<1xi32>
      %squeeze3A_2437 = vector.extract %slice3A_2436[0] : i32 from vector<1xi32>
      %shift_right_logical3A_2438 = arith.constant 10 : i32
      %shift_right_logical3A_2439 = arith.shrui %squeeze3A_2437, %shift_right_logical3A_2438 : i32
      %and3A_2440 = arith.constant 1 : i32
      %and3A_2441 = arith.andi %shift_right_logical3A_2439, %and3A_2440 : i32
      %mul3A_2442 = arith.constant 64 : i32
      %mul3A_2443 = arith.muli %and3A_2441, %mul3A_2442 : i32
      %add3A_2444 = arith.constant 48 : i32
      %add3A_2445 = arith.addi %mul3A_2443, %add3A_2444 : i32
      %get3A_2446 = arith.index_cast %add3A_2432 : i32 to index
      %get3A_2447 = arith.index_cast %add3A_2445 : i32 to index
      %get3A_2448 = tpu.vector_load %arg7[%get3A_2446, %get3A_2447] {strides = array<i32>} : memref<640x128xf32, #tpu.memory_space<vmem>>, vector<1x16xf32>,
      %get3A_2449 = vector.shape_cast %get3A_2448 : vector<1x16xf32> to vector<16xf32>
      %add3A_2450 = arith.addf %add3A_2428, %get3A_2449 : vector<16xf32>
      %mul3A_2451 = arith.constant 20 : i32
      %mul3A_2452 = arith.muli %scan3A_860, %mul3A_2451 : i32
      %add3A_2453 = arith.constant 10 : i32
      %add3A_2454 = arith.addi %mul3A_2452, %add3A_2453 : i32
      %get3A_2455 = arith.index_cast %add3A_2454 : i32 to index
      %get3A_2456 = tpu.vector_load %arg5[%get3A_2455] {strides = array<i32>} : memref<656xi32, #tpu.memory_space<vmem>>, vector<16xi32>,
      %get3A_2457 = vector.shape_cast %get3A_2456 : vector<16xi32> to vector<16xi32>
      %slice3A_2458 = vector.extract_strided_slice %get3A_2457 {offsets = [0], sizes = [1], strides = [1]} : vector<16xi32> to vector<1xi32>
      %squeeze3A_2459 = vector.extract %slice3A_2458[0] : i32 from vector<1xi32>
      %shift_right_logical3A_2460 = arith.constant 10 : i32
      %shift_right_logical3A_2461 = arith.shrui %squeeze3A_2459, %shift_right_logical3A_2460 : i32
      %and3A_2462 = arith.constant 1 : i32
      %and3A_2463 = arith.andi %shift_right_logical3A_2461, %and3A_2462 : i32
      %mul3A_2464 = arith.constant 64 : i32
      %mul3A_2465 = arith.muli %and3A_2463, %mul3A_2464 : i32
      %add3A_2466 = arith.constant 48 : i32
      %add3A_2467 = arith.addi %mul3A_2465, %add3A_2466 : i32
      %get3A_2468 = arith.index_cast %add3A_2454 : i32 to index
      %get3A_2469 = arith.index_cast %add3A_2467 : i32 to index
      %get3A_2470 = tpu.vector_load %arg7[%get3A_2468, %get3A_2469] {strides = array<i32>} : memref<640x128xf32, #tpu.memory_space<vmem>>, vector<1x16xf32>,
      %get3A_2471 = vector.shape_cast %get3A_2470 : vector<1x16xf32> to vector<16xf32>
      %add3A_2472 = arith.addf %add3A_2450, %get3A_2471 : vector<16xf32>
      %mul3A_2473 = arith.constant 20 : i32
      %mul3A_2474 = arith.muli %scan3A_860, %mul3A_2473 : i32
      %add3A_2475 = arith.constant 11 : i32
      %add3A_2476 = arith.addi %mul3A_2474, %add3A_2475 : i32
      %get3A_2477 = arith.index_cast %add3A_2476 : i32 to index
      %get3A_2478 = tpu.vector_load %arg5[%get3A_2477] {strides = array<i32>} : memref<656xi32, #tpu.memory_space<vmem>>, vector<16xi32>,
      %get3A_2479 = vector.shape_cast %get3A_2478 : vector<16xi32> to vector<16xi32>
      %slice3A_2480 = vector.extract_strided_slice %get3A_2479 {offsets = [0], sizes = [1], strides = [1]} : vector<16xi32> to vector<1xi32>
      %squeeze3A_2481 = vector.extract %slice3A_2480[0] : i32 from vector<1xi32>
      %shift_right_logical3A_2482 = arith.constant 10 : i32
      %shift_right_logical3A_2483 = arith.shrui %squeeze3A_2481, %shift_right_logical3A_2482 : i32
      %and3A_2484 = arith.constant 1 : i32
      %and3A_2485 = arith.andi %shift_right_logical3A_2483, %and3A_2484 : i32
      %mul3A_2486 = arith.constant 64 : i32
      %mul3A_2487 = arith.muli %and3A_2485, %mul3A_2486 : i32
      %add3A_2488 = arith.constant 48 : i32
      %add3A_2489 = arith.addi %mul3A_2487, %add3A_2488 : i32
      %get3A_2490 = arith.index_cast %add3A_2476 : i32 to index
      %get3A_2491 = arith.index_cast %add3A_2489 : i32 to index
      %get3A_2492 = tpu.vector_load %arg7[%get3A_2490, %get3A_2491] {strides = array<i32>} : memref<640x128xf32, #tpu.memory_space<vmem>>, vector<1x16xf32>,
      %get3A_2493 = vector.shape_cast %get3A_2492 : vector<1x16xf32> to vector<16xf32>
      %add3A_2494 = arith.addf %add3A_2472, %get3A_2493 : vector<16xf32>
      %mul3A_2495 = arith.constant 20 : i32
      %mul3A_2496 = arith.muli %scan3A_860, %mul3A_2495 : i32
      %add3A_2497 = arith.constant 12 : i32
      %add3A_2498 = arith.addi %mul3A_2496, %add3A_2497 : i32
      %get3A_2499 = arith.index_cast %add3A_2498 : i32 to index
      %get3A_2500 = tpu.vector_load %arg5[%get3A_2499] {strides = array<i32>} : memref<656xi32, #tpu.memory_space<vmem>>, vector<16xi32>,
      %get3A_2501 = vector.shape_cast %get3A_2500 : vector<16xi32> to vector<16xi32>
      %slice3A_2502 = vector.extract_strided_slice %get3A_2501 {offsets = [0], sizes = [1], strides = [1]} : vector<16xi32> to vector<1xi32>
      %squeeze3A_2503 = vector.extract %slice3A_2502[0] : i32 from vector<1xi32>
      %shift_right_logical3A_2504 = arith.constant 10 : i32
      %shift_right_logical3A_2505 = arith.shrui %squeeze3A_2503, %shift_right_logical3A_2504 : i32
      %and3A_2506 = arith.constant 1 : i32
      %and3A_2507 = arith.andi %shift_right_logical3A_2505, %and3A_2506 : i32
      %mul3A_2508 = arith.constant 64 : i32
      %mul3A_2509 = arith.muli %and3A_2507, %mul3A_2508 : i32
      %add3A_2510 = arith.constant 48 : i32
      %add3A_2511 = arith.addi %mul3A_2509, %add3A_2510 : i32
      %get3A_2512 = arith.index_cast %add3A_2498 : i32 to index
      %get3A_2513 = arith.index_cast %add3A_2511 : i32 to index
      %get3A_2514 = tpu.vector_load %arg7[%get3A_2512, %get3A_2513] {strides = array<i32>} : memref<640x128xf32, #tpu.memory_space<vmem>>, vector<1x16xf32>,
      %get3A_2515 = vector.shape_cast %get3A_2514 : vector<1x16xf32> to vector<16xf32>
      %add3A_2516 = arith.addf %add3A_2494, %get3A_2515 : vector<16xf32>
      %mul3A_2517 = arith.constant 20 : i32
      %mul3A_2518 = arith.muli %scan3A_860, %mul3A_2517 : i32
      %add3A_2519 = arith.constant 13 : i32
      %add3A_2520 = arith.addi %mul3A_2518, %add3A_2519 : i32
      %get3A_2521 = arith.index_cast %add3A_2520 : i32 to index
      %get3A_2522 = tpu.vector_load %arg5[%get3A_2521] {strides = array<i32>} : memref<656xi32, #tpu.memory_space<vmem>>, vector<16xi32>,
      %get3A_2523 = vector.shape_cast %get3A_2522 : vector<16xi32> to vector<16xi32>
      %slice3A_2524 = vector.extract_strided_slice %get3A_2523 {offsets = [0], sizes = [1], strides = [1]} : vector<16xi32> to vector<1xi32>
      %squeeze3A_2525 = vector.extract %slice3A_2524[0] : i32 from vector<1xi32>
      %shift_right_logical3A_2526 = arith.constant 10 : i32
      %shift_right_logical3A_2527 = arith.shrui %squeeze3A_2525, %shift_right_logical3A_2526 : i32
      %and3A_2528 = arith.constant 1 : i32
      %and3A_2529 = arith.andi %shift_right_logical3A_2527, %and3A_2528 : i32
      %mul3A_2530 = arith.constant 64 : i32
      %mul3A_2531 = arith.muli %and3A_2529, %mul3A_2530 : i32
      %add3A_2532 = arith.constant 48 : i32
      %add3A_2533 = arith.addi %mul3A_2531, %add3A_2532 : i32
      %get3A_2534 = arith.index_cast %add3A_2520 : i32 to index
      %get3A_2535 = arith.index_cast %add3A_2533 : i32 to index
      %get3A_2536 = tpu.vector_load %arg7[%get3A_2534, %get3A_2535] {strides = array<i32>} : memref<640x128xf32, #tpu.memory_space<vmem>>, vector<1x16xf32>,
      %get3A_2537 = vector.shape_cast %get3A_2536 : vector<1x16xf32> to vector<16xf32>
      %add3A_2538 = arith.addf %add3A_2516, %get3A_2537 : vector<16xf32>
      %mul3A_2539 = arith.constant 20 : i32
      %mul3A_2540 = arith.muli %scan3A_860, %mul3A_2539 : i32
      %add3A_2541 = arith.constant 14 : i32
      %add3A_2542 = arith.addi %mul3A_2540, %add3A_2541 : i32
      %get3A_2543 = arith.index_cast %add3A_2542 : i32 to index
      %get3A_2544 = tpu.vector_load %arg5[%get3A_2543] {strides = array<i32>} : memref<656xi32, #tpu.memory_space<vmem>>, vector<16xi32>,
      %get3A_2545 = vector.shape_cast %get3A_2544 : vector<16xi32> to vector<16xi32>
      %slice3A_2546 = vector.extract_strided_slice %get3A_2545 {offsets = [0], sizes = [1], strides = [1]} : vector<16xi32> to vector<1xi32>
      %squeeze3A_2547 = vector.extract %slice3A_2546[0] : i32 from vector<1xi32>
      %shift_right_logical3A_2548 = arith.constant 10 : i32
      %shift_right_logical3A_2549 = arith.shrui %squeeze3A_2547, %shift_right_logical3A_2548 : i32
      %and3A_2550 = arith.constant 1 : i32
      %and3A_2551 = arith.andi %shift_right_logical3A_2549, %and3A_2550 : i32
      %mul3A_2552 = arith.constant 64 : i32
      %mul3A_2553 = arith.muli %and3A_2551, %mul3A_2552 : i32
      %add3A_2554 = arith.constant 48 : i32
      %add3A_2555 = arith.addi %mul3A_2553, %add3A_2554 : i32
      %get3A_2556 = arith.index_cast %add3A_2542 : i32 to index
      %get3A_2557 = arith.index_cast %add3A_2555 : i32 to index
      %get3A_2558 = tpu.vector_load %arg7[%get3A_2556, %get3A_2557] {strides = array<i32>} : memref<640x128xf32, #tpu.memory_space<vmem>>, vector<1x16xf32>,
      %get3A_2559 = vector.shape_cast %get3A_2558 : vector<1x16xf32> to vector<16xf32>
      %add3A_2560 = arith.addf %add3A_2538, %get3A_2559 : vector<16xf32>
      %mul3A_2561 = arith.constant 20 : i32
      %mul3A_2562 = arith.muli %scan3A_860, %mul3A_2561 : i32
      %add3A_2563 = arith.constant 15 : i32
      %add3A_2564 = arith.addi %mul3A_2562, %add3A_2563 : i32
      %get3A_2565 = arith.index_cast %add3A_2564 : i32 to index
      %get3A_2566 = tpu.vector_load %arg5[%get3A_2565] {strides = array<i32>} : memref<656xi32, #tpu.memory_space<vmem>>, vector<16xi32>,
      %get3A_2567 = vector.shape_cast %get3A_2566 : vector<16xi32> to vector<16xi32>
      %slice3A_2568 = vector.extract_strided_slice %get3A_2567 {offsets = [0], sizes = [1], strides = [1]} : vector<16xi32> to vector<1xi32>
      %squeeze3A_2569 = vector.extract %slice3A_2568[0] : i32 from vector<1xi32>
      %shift_right_logical3A_2570 = arith.constant 10 : i32
      %shift_right_logical3A_2571 = arith.shrui %squeeze3A_2569, %shift_right_logical3A_2570 : i32
      %and3A_2572 = arith.constant 1 : i32
      %and3A_2573 = arith.andi %shift_right_logical3A_2571, %and3A_2572 : i32
      %mul3A_2574 = arith.constant 64 : i32
      %mul3A_2575 = arith.muli %and3A_2573, %mul3A_2574 : i32
      %add3A_2576 = arith.constant 48 : i32
      %add3A_2577 = arith.addi %mul3A_2575, %add3A_2576 : i32
      %get3A_2578 = arith.index_cast %add3A_2564 : i32 to index
      %get3A_2579 = arith.index_cast %add3A_2577 : i32 to index
      %get3A_2580 = tpu.vector_load %arg7[%get3A_2578, %get3A_2579] {strides = array<i32>} : memref<640x128xf32, #tpu.memory_space<vmem>>, vector<1x16xf32>,
      %get3A_2581 = vector.shape_cast %get3A_2580 : vector<1x16xf32> to vector<16xf32>
      %add3A_2582 = arith.addf %add3A_2560, %get3A_2581 : vector<16xf32>
      %mul3A_2583 = arith.constant 20 : i32
      %mul3A_2584 = arith.muli %scan3A_860, %mul3A_2583 : i32
      %add3A_2585 = arith.constant 16 : i32
      %add3A_2586 = arith.addi %mul3A_2584, %add3A_2585 : i32
      %get3A_2587 = arith.index_cast %add3A_2586 : i32 to index
      %get3A_2588 = tpu.vector_load %arg5[%get3A_2587] {strides = array<i32>} : memref<656xi32, #tpu.memory_space<vmem>>, vector<16xi32>,
      %get3A_2589 = vector.shape_cast %get3A_2588 : vector<16xi32> to vector<16xi32>
      %slice3A_2590 = vector.extract_strided_slice %get3A_2589 {offsets = [0], sizes = [1], strides = [1]} : vector<16xi32> to vector<1xi32>
      %squeeze3A_2591 = vector.extract %slice3A_2590[0] : i32 from vector<1xi32>
      %shift_right_logical3A_2592 = arith.constant 10 : i32
      %shift_right_logical3A_2593 = arith.shrui %squeeze3A_2591, %shift_right_logical3A_2592 : i32
      %and3A_2594 = arith.constant 1 : i32
      %and3A_2595 = arith.andi %shift_right_logical3A_2593, %and3A_2594 : i32
      %mul3A_2596 = arith.constant 64 : i32
      %mul3A_2597 = arith.muli %and3A_2595, %mul3A_2596 : i32
      %add3A_2598 = arith.constant 48 : i32
      %add3A_2599 = arith.addi %mul3A_2597, %add3A_2598 : i32
      %get3A_2600 = arith.index_cast %add3A_2586 : i32 to index
      %get3A_2601 = arith.index_cast %add3A_2599 : i32 to index
      %get3A_2602 = tpu.vector_load %arg7[%get3A_2600, %get3A_2601] {strides = array<i32>} : memref<640x128xf32, #tpu.memory_space<vmem>>, vector<1x16xf32>,
      %get3A_2603 = vector.shape_cast %get3A_2602 : vector<1x16xf32> to vector<16xf32>
      %add3A_2604 = arith.addf %add3A_2582, %get3A_2603 : vector<16xf32>
      %mul3A_2605 = arith.constant 20 : i32
      %mul3A_2606 = arith.muli %scan3A_860, %mul3A_2605 : i32
      %add3A_2607 = arith.constant 17 : i32
      %add3A_2608 = arith.addi %mul3A_2606, %add3A_2607 : i32
      %get3A_2609 = arith.index_cast %add3A_2608 : i32 to index
      %get3A_2610 = tpu.vector_load %arg5[%get3A_2609] {strides = array<i32>} : memref<656xi32, #tpu.memory_space<vmem>>, vector<16xi32>,
      %get3A_2611 = vector.shape_cast %get3A_2610 : vector<16xi32> to vector<16xi32>
      %slice3A_2612 = vector.extract_strided_slice %get3A_2611 {offsets = [0], sizes = [1], strides = [1]} : vector<16xi32> to vector<1xi32>
      %squeeze3A_2613 = vector.extract %slice3A_2612[0] : i32 from vector<1xi32>
      %shift_right_logical3A_2614 = arith.constant 10 : i32
      %shift_right_logical3A_2615 = arith.shrui %squeeze3A_2613, %shift_right_logical3A_2614 : i32
      %and3A_2616 = arith.constant 1 : i32
      %and3A_2617 = arith.andi %shift_right_logical3A_2615, %and3A_2616 : i32
      %mul3A_2618 = arith.constant 64 : i32
      %mul3A_2619 = arith.muli %and3A_2617, %mul3A_2618 : i32
      %add3A_2620 = arith.constant 48 : i32
      %add3A_2621 = arith.addi %mul3A_2619, %add3A_2620 : i32
      %get3A_2622 = arith.index_cast %add3A_2608 : i32 to index
      %get3A_2623 = arith.index_cast %add3A_2621 : i32 to index
      %get3A_2624 = tpu.vector_load %arg7[%get3A_2622, %get3A_2623] {strides = array<i32>} : memref<640x128xf32, #tpu.memory_space<vmem>>, vector<1x16xf32>,
      %get3A_2625 = vector.shape_cast %get3A_2624 : vector<1x16xf32> to vector<16xf32>
      %add3A_2626 = arith.addf %add3A_2604, %get3A_2625 : vector<16xf32>
      %mul3A_2627 = arith.constant 20 : i32
      %mul3A_2628 = arith.muli %scan3A_860, %mul3A_2627 : i32
      %add3A_2629 = arith.constant 18 : i32
      %add3A_2630 = arith.addi %mul3A_2628, %add3A_2629 : i32
      %get3A_2631 = arith.index_cast %add3A_2630 : i32 to index
      %get3A_2632 = tpu.vector_load %arg5[%get3A_2631] {strides = array<i32>} : memref<656xi32, #tpu.memory_space<vmem>>, vector<16xi32>,
      %get3A_2633 = vector.shape_cast %get3A_2632 : vector<16xi32> to vector<16xi32>
      %slice3A_2634 = vector.extract_strided_slice %get3A_2633 {offsets = [0], sizes = [1], strides = [1]} : vector<16xi32> to vector<1xi32>
      %squeeze3A_2635 = vector.extract %slice3A_2634[0] : i32 from vector<1xi32>
      %shift_right_logical3A_2636 = arith.constant 10 : i32
      %shift_right_logical3A_2637 = arith.shrui %squeeze3A_2635, %shift_right_logical3A_2636 : i32
      %and3A_2638 = arith.constant 1 : i32
      %and3A_2639 = arith.andi %shift_right_logical3A_2637, %and3A_2638 : i32
      %mul3A_2640 = arith.constant 64 : i32
      %mul3A_2641 = arith.muli %and3A_2639, %mul3A_2640 : i32
      %add3A_2642 = arith.constant 48 : i32
      %add3A_2643 = arith.addi %mul3A_2641, %add3A_2642 : i32
      %get3A_2644 = arith.index_cast %add3A_2630 : i32 to index
      %get3A_2645 = arith.index_cast %add3A_2643 : i32 to index
      %get3A_2646 = tpu.vector_load %arg7[%get3A_2644, %get3A_2645] {strides = array<i32>} : memref<640x128xf32, #tpu.memory_space<vmem>>, vector<1x16xf32>,
      %get3A_2647 = vector.shape_cast %get3A_2646 : vector<1x16xf32> to vector<16xf32>
      %add3A_2648 = arith.addf %add3A_2626, %get3A_2647 : vector<16xf32>
      %mul3A_2649 = arith.constant 20 : i32
      %mul3A_2650 = arith.muli %scan3A_860, %mul3A_2649 : i32
      %add3A_2651 = arith.constant 19 : i32
      %add3A_2652 = arith.addi %mul3A_2650, %add3A_2651 : i32
      %get3A_2653 = arith.index_cast %add3A_2652 : i32 to index
      %get3A_2654 = tpu.vector_load %arg5[%get3A_2653] {strides = array<i32>} : memref<656xi32, #tpu.memory_space<vmem>>, vector<16xi32>,
      %get3A_2655 = vector.shape_cast %get3A_2654 : vector<16xi32> to vector<16xi32>
      %slice3A_2656 = vector.extract_strided_slice %get3A_2655 {offsets = [0], sizes = [1], strides = [1]} : vector<16xi32> to vector<1xi32>
      %squeeze3A_2657 = vector.extract %slice3A_2656[0] : i32 from vector<1xi32>
      %shift_right_logical3A_2658 = arith.constant 10 : i32
      %shift_right_logical3A_2659 = arith.shrui %squeeze3A_2657, %shift_right_logical3A_2658 : i32
      %and3A_2660 = arith.constant 1 : i32
      %and3A_2661 = arith.andi %shift_right_logical3A_2659, %and3A_2660 : i32
      %mul3A_2662 = arith.constant 64 : i32
      %mul3A_2663 = arith.muli %and3A_2661, %mul3A_2662 : i32
      %add3A_2664 = arith.constant 48 : i32
      %add3A_2665 = arith.addi %mul3A_2663, %add3A_2664 : i32
      %get3A_2666 = arith.index_cast %add3A_2652 : i32 to index
      %get3A_2667 = arith.index_cast %add3A_2665 : i32 to index
      %get3A_2668 = tpu.vector_load %arg7[%get3A_2666, %get3A_2667] {strides = array<i32>} : memref<640x128xf32, #tpu.memory_space<vmem>>, vector<1x16xf32>,
      %get3A_2669 = vector.shape_cast %get3A_2668 : vector<1x16xf32> to vector<16xf32>
      %add3A_2670 = arith.addf %add3A_2648, %get3A_2669 : vector<16xf32>
      %mul3A_2671 = arith.constant 5.000000e-02 : f32
      %mul3A_2672 = vector.broadcast %mul3A_2671 : f32 to vector<16xf32>
      %mul3A_2673 = arith.mulf %add3A_2670, %mul3A_2672 : vector<16xf32>
      %swap3A_2674 = arith.index_cast %scan3A_860 : i32 to index
      %swap3A_2675 = arith.constant 48 : index
      %swap3A_2676 = tpu.vector_load %arg8[%swap3A_2674, %swap3A_2675] {strides = array<i32>} : memref<32x128xf32, #tpu.memory_space<vmem>>, vector<1x16xf32>,
      %swap3A_2677 = vector.shape_cast %swap3A_2676 : vector<1x16xf32> to vector<16xf32>
      %swap3A_2678 = vector.shape_cast %mul3A_2673 : vector<16xf32> to vector<1x16xf32>
      tpu.vector_store %arg8[%swap3A_2674, %swap3A_2675], %swap3A_2678 {strides = array<i32>} : memref<32x128xf32, #tpu.memory_space<vmem>>, vector<1x16xf32>,
      %broadcast_in_dim3A_2679 = arith.constant 0.000000e+00 : f32
      %broadcast_in_dim3A_2680 = vector.broadcast %broadcast_in_dim3A_2679 : f32 to vector<16xf32>
      %swap3A_2681 = arith.index_cast %scan3A_860 : i32 to index
      %swap3A_2682 = arith.constant 112 : index
      %swap3A_2683 = tpu.vector_load %arg8[%swap3A_2681, %swap3A_2682] {strides = array<i32>} : memref<32x128xf32, #tpu.memory_space<vmem>>, vector<1x16xf32>,
      %swap3A_2684 = vector.shape_cast %swap3A_2683 : vector<1x16xf32> to vector<16xf32>
      %swap3A_2685 = vector.shape_cast %broadcast_in_dim3A_2680 : vector<16xf32> to vector<1x16xf32>
      tpu.vector_store %arg8[%swap3A_2681, %swap3A_2682], %swap3A_2685 {strides = array<i32>} : memref<32x128xf32, #tpu.memory_space<vmem>>, vector<1x16xf32>,
    }
    %scan3A_857 = arith.constant 32 : i32
    %mul3A_858 = arith.constant 32 : i32
    %mul3A_859 = arith.muli %add3A, %mul3A_858 : i32
    "tpu.region"() ({
      %run_scoped3A = tpu.sem_alloc : memref<!tpu.dma_semaphore, #tpu.memory_space<semaphore_mem>>
      %dma_start3A_860 = arith.constant 0 : i32
      %dma_start3A_861 = tpu.memref_slice %arg4[%mul3A_859, %dma_start3A_860] : memref<1024x128xf32, #tpu.memory_space<hbm>> -> memref<32x128xf32, #tpu.memory_space<hbm>>
      %dma_start3A_862 = arith.constant 0 : i32
      %dma_start3A_863 = tpu.memref_slice %arg4[%mul3A_859, %dma_start3A_862] : memref<1024x128xf32, #tpu.memory_space<hbm>> -> memref<32x128xf32, #tpu.memory_space<hbm>>
      tpu.enqueue_dma source(%arg8 : memref<32x128xf32, #tpu.memory_space<vmem>>) target(%dma_start3A_863 : memref<32x128xf32, #tpu.memory_space<hbm>>) target_semaphore(%run_scoped3A : memref<!tpu.dma_semaphore, #tpu.memory_space<semaphore_mem>>)
      %dma_wait3A_864 = arith.constant 0 : i32
      %dma_wait3A_865 = tpu.memref_slice %arg4[%mul3A_859, %dma_wait3A_864] : memref<1024x128xf32, #tpu.memory_space<hbm>> -> memref<32x128xf32, #tpu.memory_space<hbm>>
      %dma_wait3A_866 = arith.constant 0 : i32
      %dma_wait3A_867 = tpu.memref_slice %arg4[%mul3A_859, %dma_wait3A_866] : memref<1024x128xf32, #tpu.memory_space<hbm>> -> memref<32x128xf32, #tpu.memory_space<hbm>>
      tpu.wait_dma2 semaphore(%run_scoped3A : memref<!tpu.dma_semaphore, #tpu.memory_space<semaphore_mem>>) src(%arg8 : memref<32x128xf32, #tpu.memory_space<vmem>>) dst(%dma_wait3A_867 : memref<32x128xf32, #tpu.memory_space<hbm>>)
      tpu.yield
    }) : () -> ()
    return
  }
}

module attributes {stable_mosaic.version = 14 : i64} {
  func.func @_tr_body(%arg0: i32, %arg1: memref<64x1024xf32, #tpu.memory_space<vmem>>, %arg2: memref<64x1024xf32, #tpu.memory_space<vmem>>, %arg3: memref<1024x128xf32, #tpu.memory_space<vmem>>) attributes {dimension_semantics = [#tpu.dimension_semantics<arbitrary>], iteration_bounds = array<i64: 49>, scalar_prefetch = 0 : i64, scratch_operands = 0 : i64, tpu.core_type = #tpu.core_type<tc>, window_params = [{transform_indices = @transform_0, window_bounds = array<i64: 64, 1024>}, {transform_indices = @transform_1, window_bounds = array<i64: 64, 1024>}, {transform_indices = @transform_2, window_bounds = array<i64: 1024, 128>}]} {
    %get3A = arith.constant 0 : index
    %get3A_0 = arith.constant 0 : index
    %get3A_1 = vector.load %arg1[%get3A, %get3A_0] : memref<64x1024xf32, #tpu.memory_space<vmem>>, vector<64x1024xf32>
    %transpose3A = tpu.transpose %get3A_1, [1, 0] : vector<64x1024xf32> -> vector<1024x64xf32>
    %swap3A = arith.constant 0 : index
    %swap3A_2 = arith.constant 0 : index
    %swap3A_3 = vector.load %arg3[%swap3A, %swap3A_2] : memref<1024x128xf32, #tpu.memory_space<vmem>>, vector<1024x64xf32>
    tpu.vector_store %arg3[%swap3A, %swap3A_2], %transpose3A {strides = array<i32>} : memref<1024x128xf32, #tpu.memory_space<vmem>>, vector<1024x64xf32>,
    %get3A_4 = arith.constant 0 : index
    %get3A_5 = arith.constant 0 : index
    %get3A_6 = vector.load %arg2[%get3A_4, %get3A_5] : memref<64x1024xf32, #tpu.memory_space<vmem>>, vector<64x1024xf32>
    %transpose3A_7 = tpu.transpose %get3A_6, [1, 0] : vector<64x1024xf32> -> vector<1024x64xf32>
    %swap3A_8 = arith.constant 0 : index
    %swap3A_9 = arith.constant 64 : index
    %swap3A_10 = vector.load %arg3[%swap3A_8, %swap3A_9] : memref<1024x128xf32, #tpu.memory_space<vmem>>, vector<1024x64xf32>
    tpu.vector_store %arg3[%swap3A_8, %swap3A_9], %transpose3A_7 {strides = array<i32>} : memref<1024x128xf32, #tpu.memory_space<vmem>>, vector<1024x64xf32>,
    return
  }
  func.func @transform_0(%arg0: i32) -> (i32, i32) {
    %mul3A = arith.constant 2 : i32
    %mul3A_0 = arith.muli %mul3A, %arg0 : i32
    %c0_i32 = arith.constant 0 : i32
    %c0_i32_1 = arith.constant 0 : i32
    return %c0_i32, %mul3A_0 : i32, i32
  }
  func.func @transform_1(%arg0: i32) -> (i32, i32) {
    %mul3A = arith.constant 2 : i32
    %mul3A_0 = arith.muli %mul3A, %arg0 : i32
    %add3A = arith.constant 1 : i32
    %add3A_1 = arith.addi %mul3A_0, %add3A : i32
    %c0_i32 = arith.constant 0 : i32
    %c0_i32_2 = arith.constant 0 : i32
    return %c0_i32, %add3A_1 : i32, i32
  }
  func.func @transform_2(%arg0: i32) -> (i32, i32) {
    %c0_i32 = arith.constant 0 : i32
    %c0_i32_0 = arith.constant 0 : i32
    return %arg0, %c0_i32 : i32, i32
  }
}

module attributes {stable_mosaic.version = 14 : i64} {
  func.func @_mmT_body(%arg0: i32, %arg1: memref<64x2048xf32, #tpu.memory_space<vmem>>, %arg2: memref<1024x128xf32, #tpu.memory_space<vmem>>, %arg3: memref<2048x1024xf32, #tpu.memory_space<vmem>>) attributes {dimension_semantics = [#tpu.dimension_semantics<arbitrary>], iteration_bounds = array<i64: 49>, scalar_prefetch = 0 : i64, scratch_operands = 0 : i64, tpu.core_type = #tpu.core_type<tc>, window_params = [{transform_indices = @transform_0, window_bounds = array<i64: 64, 2048>}, {pipeline_mode = #tpu.pipeline_mode<synchronous>, transform_indices = @transform_1, window_bounds = array<i64: 1024, 128>}, {transform_indices = @transform_2, window_bounds = array<i64: 2048, 1024>}]} {
    %get3A = arith.constant 0 : index
    %get3A_0 = arith.constant 0 : index
    %get3A_1 = vector.load %arg1[%get3A, %get3A_0] : memref<64x2048xf32, #tpu.memory_space<vmem>>, vector<64x2048xf32>
    %convert_element_type3A = arith.truncf %get3A_1 : vector<64x2048xf32> to vector<64x2048xbf16>
    %get3A_2 = arith.constant 0 : index
    %get3A_3 = arith.constant 0 : index
    %get3A_4 = vector.load %arg2[%get3A_2, %get3A_3] : memref<1024x128xf32, #tpu.memory_space<vmem>>, vector<1024x128xf32>
    %slice3A = vector.extract_strided_slice %get3A_4 {offsets = [0, 0], sizes = [1024, 64], strides = [1, 1]} : vector<1024x128xf32> to vector<1024x64xf32>
    %convert_element_type3A_5 = arith.truncf %slice3A : vector<1024x64xf32> to vector<1024x64xbf16>
    %dot_general3A = arith.constant dense<0.000000e+00> : vector<2048x1024xf32>
    %dot_general3A_6 = tpu.matmul %convert_element_type3A, %convert_element_type3A_5, %dot_general3A {dimension_numbers = #tpu.dot_dimension_numbers<[0], [1], [1], [0], [0, 1, 1, 0], [], []>, transpose_lhs_hint = false} : vector<64x2048xbf16>, vector<1024x64xbf16>, vector<2048x1024xf32> -> vector<2048x1024xf32>
    %swap3A = arith.constant 0 : index
    %swap3A_7 = arith.constant 0 : index
    %swap3A_8 = vector.load %arg3[%swap3A, %swap3A_7] : memref<2048x1024xf32, #tpu.memory_space<vmem>>, vector<2048x1024xf32>
    tpu.vector_store %arg3[%swap3A, %swap3A_7], %dot_general3A_6 {strides = array<i32>} : memref<2048x1024xf32, #tpu.memory_space<vmem>>, vector<2048x1024xf32>,
    return
  }
  func.func @transform_0(%arg0: i32) -> (i32, i32) {
    %c0_i32 = arith.constant 0 : i32
    %c0_i32_0 = arith.constant 0 : i32
    return %c0_i32, %arg0 : i32, i32
  }
  func.func @transform_1(%arg0: i32) -> (i32, i32) {
    %c0_i32 = arith.constant 0 : i32
    %c0_i32_0 = arith.constant 0 : i32
    %c0_i32_1 = arith.constant 0 : i32
    return %c0_i32, %c0_i32_0 : i32, i32
  }
  func.func @transform_2(%arg0: i32) -> (i32, i32) {
    %c0_i32 = arith.constant 0 : i32
    %c0_i32_0 = arith.constant 0 : i32
    return %arg0, %c0_i32 : i32, i32
  }
}

</mosaic_0001>

<sc_bundles>
// kernel: kernel.5.cloned.1.call-start
scs
__scs_entry_jumppad:
0x0: {  	(pc) =	sbr.rel $0x88, $3  }
0x1: {  	(tag) =	ssettag $0x0;
	lr =	simm.s32 $0x1  }
0x2: {  	[smem:$0x3F9D] =	sst lr;
	_ =	strace $0xD0000000  }
0x3: {  	_ = 	snop  }
0x4: {  	_ = 	snop  }
0x5: {  	_ = 	snop  }
0x6: {  	_ = 	snop  }
0x7: {  	_ = 	snop  }
__scs_overlays_trampoline_lowered:
0x8: {  	[smem:$0x3FAC] =	sst s0  }
0x9: {  	[smem:$0x3FAD] =	sst s1  }
0xa: {  	[smem:$0x3FAE] =	sst s2  }
0xb: {  	[smem:$0x3FAF] =	sst s3  }
0xc: {  	[smem:$0x3FB0] =	sst s4  }
0xd: {  	[smem:$0x3FB1] =	sst s5  }
0xe: {  	[smem:$0x3FB2] =	sst s6  }
0xf: {  	[smem:$0x3FB3] =	sst s7  }
0x10: {  	[smem:$0x3FB4] =	sst s8  }
0x11: {  	[smem:$0x3FB5] =	sst s9;
	s0 =	simm.s32 @!p0 $0x0  }
0x12: {  	s1 =	sld [smem:$0x3F9B];
	s0 =	simm.s32 @p0 $0x1  }
0x13: {  	[smem:$0x3FB6] =	sst s0;
	s0 =	simm.s32 @!p1 $0x0  }
0x14: {  	s2 =	sld [smem:$0x3F9A];
	s0 =	simm.s32 @p1 $0x1  }
0x15: {  	[smem:$0x3FB7] =	sst s0;
	s0 =	simm.s32 @!p2 $0x0  }
0x16: {  	s3 =	sld [smem:$0x3FDB];
	s0 =	simm.s32 @p2 $0x1  }
0x17: {  	s4 =	simm.s32 $0x1BF5;
	[smem:$0x3FB9] =	sst s0  }
0x18: {  	s0 =	sld [smem:$0x3F9C];
	_ =	swait.ge [sflag:s4], $0x0  }
0x19: {  	s7 =	sld [smem:$0x3F9D]  }
0x1a: {  	s8 =	sadd.s32 $0xFFFFE003, lr  }
0x1b: {  	s9 =	sadd.s32 $0xFFFFFEF7, lr;
	s5 =	simm.s32 $0xFFFFFFFF;
	p2 =	slt.u32 s8, $0xFFFFF086  }
0x1c: {  	p1 =	slt.u32 s9, $0xF7A;
	s5 =	simm.s32 @!p2 $0x0  }
0x1d: {  	s5 =	simm.s32 @p1 $0x1;
	p0 =	seq.s32 s7, s2  }
0x1e: {  	s7 =	smul.u32 @!p0 $0xF7A, s2;
	p2 =	seq.s32 @!p0 s5, $0x0  }
0x1f: {  	s9 =	smul.u32 $0xF7A, s1;
	s8 =	simm.s32 @!p0 $0x1BF5;
	p2 =	por !p2, p0  }
0x20: {  	[sflag:s8] =	ssyncset.s32 @!p0 $0xFFFFF086;
	s6 =	sadd.s32 @!p0 s3, s7;
	s7 =	simm.s32 @!p0 $0x108  }
0x21: {  	s3 =	sadd.s32 s3, s9;
	s6 =	sadd.s32 @!p0 $0x88, s6;
	s7 =	simm.s32 @p2 $0x1082  }
0x22: {  	[simem:s7], [sflag:s8] =	dma.local @!p0 [hbm:s6], $0xF7A  }
0x23: {  	s9 =	sor.u32 $0xD0000000, s2;
	s6 =	simm.s32 $0x108;
	_ =	swait.ge @!p0 [sflag:s8], $0x0  }
0x24: {  	s3 =	sadd.s32 $0x88, s3;
	s6 =	simm.s32 @!p1 $0x1082;
	[sflag:s4] =	ssyncset.s32 $0xFFFFF086  }
0x25: {  	[simem:s6], [sflag:s4] =	dma.local [hbm:s3], $0xF7A  }
0x26: {  	[smem:$0x3F9D] =	sst s1;
	(tag) =	ssettag s2;
	_ =	strace s9  }
0x27: {  	s1 =	sld [smem:$0x3FAD]  }
0x28: {  	s2 =	sld [smem:$0x3FAE]  }
0x29: {  	s4 =	sld [smem:$0x3FB0]  }
0x2a: {  	p0 =	seq.s32 s5, $0x0;
	s5 =	sld [smem:$0x3FB1]  }
0x2b: {  	s6 =	sld [smem:$0x3FB2]  }
0x2c: {  	s7 =	sld [smem:$0x3FB3]  }
0x2d: {  	s3 =	simm.s32 $0x108;
	s8 =	sld [smem:$0x3FB4]  }
0x2e: {  	s3 =	simm.s32 @!p0 $0x1082;
	s9 =	sld [smem:$0x3FB5]  }
0x2f: {  	lr =	sadd.s32 s0, s3;
	s0 =	sld [smem:$0x3FAC]  }
0x30: {  	s3 =	sld [smem:$0x3FAF]  }
0x31: {  	[smem:$0x3FB8] =	sst s10  }
0x32: {  	s10 =	sld [smem:$0x3FB6];
	_ =	sdelay $0x3  }
0x33: {  	p0 =	seq.s32 s10, $0x1;
	s10 =	sld [smem:$0x3FB8];
	_ =	sdelay $0x3  }
0x34: {  	[smem:$0x3FB8] =	sst s10  }
0x35: {  	s10 =	sld [smem:$0x3FB7];
	_ =	sdelay $0x3  }
0x36: {  	p1 =	seq.s32 s10, $0x1;
	s10 =	sld [smem:$0x3FB8];
	_ =	sdelay $0x3  }
0x37: {  	[smem:$0x3FB8] =	sst s10  }
0x38: {  	s10 =	sld [smem:$0x3FB9]  }
0x39: {  	_ = 	snop;
	(pc) =	sbr.ind lr, $3  }
0x3a: {  	_ = 	snop  }
0x3b: {  	_ = 	snop  }
0x3c: {  	p2 =	seq.s32 s10, $0x1;
	s10 =	sld [smem:$0x3FB8]  }
0x3d: {  	_ =	shalt  }
0x3e: {  	_ =	shalt  }
0x3f: {  	_ =	shalt  }
0x40: {  	_ =	shalt  }
0x41: {  	_ =	shalt  }
0x42: {  	_ =	shalt  }
0x43: {  	_ =	shalt  }
0x44: {  	_ =	shalt  }
0x45: {  	_ =	shalt  }
0x46: {  	_ =	shalt  }
0x47: {  	_ =	shalt  }
0x48: {  	_ =	shalt  }
0x49: {  	_ =	shalt  }
0x4a: {  	_ =	shalt  }
0x4b: {  	_ =	shalt  }
0x4c: {  	_ =	shalt  }
0x4d: {  	_ =	shalt  }
0x4e: {  	_ =	shalt  }
0x4f: {  	_ =	shalt  }
0x50: {  	_ =	shalt  }
0x51: {  	_ =	shalt  }
0x52: {  	_ =	shalt  }
0x53: {  	_ =	shalt  }
0x54: {  	_ =	shalt  }
0x55: {  	_ =	shalt  }
0x56: {  	_ =	shalt  }
0x57: {  	_ =	shalt  }
0x58: {  	_ =	shalt  }
0x59: {  	_ =	shalt  }
0x5a: {  	_ =	shalt  }
0x5b: {  	_ =	shalt  }
0x5c: {  	_ =	shalt  }
0x5d: {  	_ =	shalt  }
0x5e: {  	_ =	shalt  }
0x5f: {  	_ =	shalt  }
0x60: {  	_ =	shalt  }
0x61: {  	_ =	shalt  }
0x62: {  	_ =	shalt  }
0x63: {  	_ =	shalt  }
0x64: {  	_ =	shalt  }
0x65: {  	_ =	shalt  }
0x66: {  	_ =	shalt  }
0x67: {  	_ =	shalt  }
0x68: {  	_ =	shalt  }
0x69: {  	_ =	shalt  }
0x6a: {  	_ =	shalt  }
0x6b: {  	_ =	shalt  }
0x6c: {  	_ =	shalt  }
0x6d: {  	_ =	shalt  }
0x6e: {  	_ =	shalt  }
0x6f: {  	_ =	shalt  }
0x70: {  	_ =	shalt  }
0x71: {  	_ =	shalt  }
0x72: {  	_ =	shalt  }
0x73: {  	_ =	shalt  }
0x74: {  	_ =	shalt  }
0x75: {  	_ =	shalt  }
0x76: {  	_ =	shalt  }
0x77: {  	_ =	shalt  }
0x78: {  	_ =	shalt  }
0x79: {  	_ =	shalt  }
0x7a: {  	_ =	shalt  }
0x7b: {  	_ =	shalt  }
0x7c: {  	_ =	shalt  }
0x7d: {  	_ =	shalt  }
0x7e: {  	_ =	shalt  }
0x7f: {  	_ =	shalt  }
0x80: {  	_ =	shalt  }
0x81: {  	_ =	shalt  }
0x82: {  	_ =	shalt  }
0x83: {  	_ =	shalt  }
0x84: {  	_ =	shalt  }
0x85: {  	_ =	shalt  }
0x86: {  	_ =	shalt  }
0x87: {  	_ =	shalt  }
.Lfunc_end0:
.L_simem_size_0:
called_computation_lowered:
.L_overlay_start_0:
0x88: {  	s2 =	sld [smem:$0x3FD9]  }
0x89: {  	s3 =	sld [smem:$0x3FFE];
	_ =	sdelay $0x1  }
0x8a: {  	s1 =	srdreg.scid  }
0x8b: {  	s0 =	sand.u32 $0x1, s1  }
0x8c: {  	s17 =	sshll.u32 s0, $0xA;
	s2 =	sadd.s32 s3, s2  }
0x8d: {  	s2 =	sadd.s32 s2, s17  }
0x8e: {  	[smem:$0x3FC4] =	sst s2  }
0x8f: {  	_ = 	snop  }
0x90: {  	s2 =	sld [smem:$0x3FD0];
	(tm) =	ssettm $0x1  }
0x91: {  	s18 =	sld [smem:$0x3FFB];
	_ =	sdelay $0x3  }
0x92: {  	_ =	strace s18  }
0x93: {  	s3 =	sld [smem:$0x3FFC];
	_ =	sdelay $0x3  }
0x94: {  	_ =	strace s3  }
0x95: {  	s3 =	sld [smem:$0x3FFD];
	_ =	sdelay $0x3  }
0x96: {  	_ =	strace s3  }
0x97: {  	_ =	strace $0x8FFFFFFF  }
0x98: {  	s19 =	sld [smem:$0x3FDB];
	_ =	sdelay $0x1  }
0x99: {  	s4 =	simm.s32 $_scs_section_size  }
0x9a: {  	s5 =	simm.s32 $_size__tile_overlayer_lowered;
	s6 =	simm.s32 $_tile_overlayer_lowered  }
0x9b: {  	s22 =	simm.s32 $0x1BFF;
	s21 =	sshll.u32 s6, $0x1;
	s3 =	sadd.s32 s4, s19  }
0x9c: {  	s7 =	simm.s32 $0x0;
	s20 =	sshll.u32 s5, $0x1;
	s5 =	sadd.s32 s21, s3  }
0x9d: {  	[timem:s7], [sflag:s22] =	dma.local [hbm:s5], s20  }
0x9e: {  	_ =	swait.ge [sflag:s22], s20  }
0x9f: {  	s4 =	ssub.s32 $0x0, s20;
	[sflag:s22] =	ssyncset.done $0x0  }
0xa0: {  	[sflag:s22] =	ssyncadd.s32 s4;
	_ =	sdelay $0x1  }
0xa1: {  	s23 =	simm.s32 $0x1B8B  }
0xa2: {  	_ =	swait.ge [sflag:s23], $0x1  }
0xa3: {  	[sflag:s23] =	ssyncset.done $0x0  }
0xa4: {  	s25 =	simm.s32 $0x1B8E;
	s24 =	sld [smem:$0x3FFE];
	[sflag:s23] =	ssyncadd.s32 $0xFFFFFFFF  }
0xa5: {  	s26 =	simm.s32 $execute0_lowered;
	[smem:$0x3FD2] =	sst s25  }
0xa6: {  	s5 =	sshll.u32 s26, $0x1;
	_ =	strace $0x80000046;
	[dreg:$0x1] =	wrdreg $0xFFFFFFFF  }
0xa7: {  	s28 =	simm.s32 $_size_execute0_lowered;
	s3 =	sadd.s32 s3, s5;
	[dreg:$0x0] =	wrdreg $0x0  }
0xa8: {  	s5 =	sshll.u32 s28, $0x1;
	[dreg:$0x2] =	wrdreg s3  }
0xa9: {  	[dreg:$0x3] =	wrdreg s5  }
0xaa: {  	[dreg:$0x4] =	wrdreg $0xC0  }
0xab: {  	_ =	task [dreg:s7], $0x5FFFF  }
0xac: {  	[dreg:$0x1] =	wrdreg $0xFFFFFFFF  }
0xad: {  	[dreg:$0x0] =	wrdreg $0x60  }
0xae: {  	[dreg:$0x2] =	wrdreg s24  }
0xaf: {  	[dreg:$0x3] =	wrdreg s2  }
0xb0: {  	[dreg:$0x4] =	wrdreg $0x9  }
0xb1: {  	_ =	task.clear_ibuf [dreg:s7], $0x5FFFF;
	_ =	strace $0x90000046  }
0xb2: {  	s29 =	simm.s32 $0x9;
	_ =	strace $0x80000048  }
0xb3: {  	_ =	swait.ge [sflag:s29], $0x1  }
0xb4: {  	[sflag:s29] =	ssyncadd.s32 $0xFFFFFFFF  }
0xb5: {  	_ =	strace $0x90000048  }
0xb6: {  	_ =	sfence  }
0xb7: {  	s30 =	sld [smem:$0x0];
	_ =	sdelay $0x2  }
0xb8: {  	s31 =	sshll.u32 s1, $0xD;
	s1 =	sshrl.u32 s1, $0x2  }
0xb9: {  	s3 =	sand.u32 $0x4000, s31;
	s1 =	sadd.s32 s1, s30  }
0xba: {  	s0 =	sor.u32 s3, s0;
	s1 =	sshll.u32 s1, $0x11  }
0xbb: {  	s0 =	sor.u32 s1, s0  }
0xbc: {  	s0 =	sadd.s32 $0x8F2B, s0  }
0xbd: {  	[sflag:s0] =	ssyncadd.remote.s32 $0x1  }
0xbe: {  	_ =	sfence.sel $0xFFFF  }
0xbf: {  	[dreg:$0x0] =	wrdreg $0xFFFFFFFF;
	(pc) =	sbr.abs _section_cstart, $3  }
0xc0: {  	[dreg:$0x1] =	wrdreg $0xFFFFFFFF  }
0xc1: {  	_ =	task.clear_ibuf [dreg:s7], $0x2FFFF;
	_ =	strace $0x9FFFFFFF  }
0xc2: {  	(tm) =	ssettm $0x7FFFFFFF  }
0xc3: {  	_ =	shalt  }
tec
execute0_lowered:
.L_overlay_start_1:
0x0: {  	(tag) =	ssettag $0x1  }
0x1: {  	s4 =	rddreg [dreg:$0x0];
	s1 =	srdreg.scid  }
0x2: {  	s0 =	stileid.u32;
	s2 =	rddreg [dreg:$0x1];
	s3 =	simm.s32 $0x0  }
0x3: {  	s9 =	simm.s32 $0x290;
	s10 =	simm.s32 $0x510;
	s11 =	simm.s32 $0x310  }
0x4: {  	s12 =	simm.s32 $0x4510;
	s13 =	simm.s32 $0x390;
	s14 =	simm.s32 $0x8510  }
0x5: {  	s15 =	simm.s32 $0x410;
	s16 =	simm.s32 $0xC510;
	s17 =	simm.s32 $0x490  }
0x6: {  	s18 =	simm.s32 $0x10510;
	s19 =	simm.s32 $0x1;
	s20 =	simm.s32 $0x14510  }
0x7: {  	s21 =	simm.s32 $0x0;
	s5 =	sand.u32 $0x1, s1;
	s6 =	sshll.u32 s0, $0x1  }
0x8: {  	[smem:$0x7FF] =	sst s3;
	s6 =	sor.u32 s5, s6;
	s5 =	ssub.s32 $0x2, s5  }
0x9: {  	s7 =	smul.u32 $0x50, s6;
	s6 =	sshll.u32 s6, $0x9;
	s8 =	sshrl.u32 s5, $0x1  }
0xa: {  	_ =	strace $0x80000047;
	s6 =	sadd.s32 s6, s4;
	s8 =	ssub.s32 s5, s8  }
0xb: {  	s7 =	sadd.s32 s7, s4;
	s5 =	sadd.s32 $0x1200, s6;
	s6 =	smax.u32 s8, $0x1  }
0xc: {  	v0 =	vimm.f32 $0.0e+00;
	s8 =	simm.s32 $0x80;
	s4 =	sadd.s32 $0x800, s7;
	s7 =	simm.s32 $0x2  }
.LBB2_1:
0xd: {  	[tilespmem:s3], [sflag:$0x2] =	stream.linear.gather [hbm4b:s4+s3], $0x280, $0x38;
	[tilespmem:$0x15510] =	vst v63  }
0xe: {  	_ =	swait.ge [sflag:s7], $0x280  }
0xf: {  	[sflag:s7] =	ssyncset.done $0x0  }
0x10: {  	[sflag:s7] =	ssyncadd.s32 $0xFFFFFD80  }
0x11: {  	v1 =	vld [tilespmem:$0x0]  }
0x12: {  	v2 =	vld [tilespmem:$0x10]  }
0x13: {  	v3 =	vld [tilespmem:$0x20]  }
0x14: {  	v4 =	vld [tilespmem:$0x30]  }
0x15: {  	v6 =	vld [tilespmem:$0x40]  }
0x16: {  	v8 =	vld [tilespmem:$0x50]  }
0x17: {  	v55 =	vld [tilespmem:$0x60]  }
0x18: {  	v10 =	vld [tilespmem:$0x70]  }
0x19: {  	v11 =	vld [tilespmem:$0x80]  }
0x1a: {  	v60 =	vld [tilespmem:$0x90]  }
0x1b: {  	v13 =	vld [tilespmem:$0xA0]  }
0x1c: {  	v14 =	vld [tilespmem:$0xB0]  }
0x1d: {  	v22 =	vld [tilespmem:$0xC0]  }
0x1e: {  	v16 =	vld [tilespmem:$0xD0];
	v5 =	vshrl.u32 v1, $0x1;
	v7 =	vshrl.u32 v2, $0x1;
	v1 =	vand.u32 $0x3FF, v1  }
0x1f: {  	v17 =	vld [tilespmem:$0xE0];
	v2 =	vand.u32 $0x3FF, v2;
	v54 =	vshrl.u32 v3, $0x1;
	v3 =	vand.u32 $0x3FF, v3  }
0x20: {  	v27 =	vld [tilespmem:$0xF0];
	v9 =	vshrl.u32 v4, $0x1;
	v57 =	vshrl.u32 v6, $0x1;
	v4 =	vand.u32 $0x3FF, v4  }
0x21: {  	v18 =	vld [tilespmem:$0x100];
	v6 =	vand.u32 $0x3FF, v6;
	v59 =	vshrl.u32 v8, $0x1;
	v8 =	vand.u32 $0x3FF, v8  }
0x22: {  	v33 =	vld [tilespmem:$0x110];
	v12 =	vshrl.u32 v55, $0x1;
	v62 =	vshrl.u32 v10, $0x1;
	v10 =	vand.u32 $0x3FF, v10  }
0x23: {  	v35 =	vld [tilespmem:$0x120];
	v21 =	vshrl.u32 v11, $0x1;
	v11 =	vand.u32 $0x3FF, v11;
	v15 =	vshrl.u32 v60, $0x1  }
0x24: {  	v38 =	vld [tilespmem:$0x130];
	v24 =	vshrl.u32 v13, $0x1;
	v13 =	vand.u32 $0x3FF, v13;
	v26 =	vshrl.u32 v14, $0x1  }
0x25: {  	v53 =	vld [tilespmem:$0x170];
	v28 =	vand.u32 $0x3FF, v14;
	v29 =	vshrl.u32 v22, $0x1;
	v30 =	vshrl.u32 v16, $0x1  }
0x26: {  	v32 =	vand.u32 $0x3FF, v16;
	v34 =	vshrl.u32 v17, $0x1;
	v36 =	vand.u32 $0x3FF, v17  }
0x27: {  	v37 =	vshrl.u32 v27, $0x1;
	v40 =	vshrl.u32 v18, $0x1;
	v41 =	vand.u32 $0x3FF, v27  }
0x28: {  	v42 =	vand.u32 $0x3FF, v18;
	v44 =	vshrl.u32 v33, $0x1;
	v46 =	vand.u32 $0x3FF, v33  }
0x29: {  	v47 =	vshrl.u32 v35, $0x1;
	v50 =	vshrl.u32 v38, $0x1;
	v51 =	vand.u32 $0x3FF, v35  }
0x2a: {  	v52 =	vand.u32 $0x3FF, v38;
	v18 =	vshrl.u32 v53, $0x1;
	v20 =	vand.u32 $0x3FF, v53  }
0x2b: {  	v43 =	vld [tilespmem:$0x140];
	v5 =	vand.u32 $0x7FFFFC00, v5;
	v7 =	vand.u32 $0x7FFFFC00, v7;
	v56 =	vand.u32 $0x7FFFFC00, v9  }
0x2c: {  	v9 =	vand.u32 $0x7FFFFC00, v57;
	v61 =	vand.u32 $0x7FFFFC00, v12;
	v1 =	vor.u32 v1, v5  }
0x2d: {  	v12 =	vand.u32 $0x7FFFFC00, v62;
	v23 =	vand.u32 $0x7FFFFC00, v15;
	v2 =	vor.u32 v2, v7;
	[tilespmem:$0x290] =	vst v1  }
0x2e: {  	v48 =	vld [tilespmem:$0x160];
	v15 =	vand.u32 $0x7FFFFC00, v24;
	v31 =	vand.u32 $0x7FFFFC00, v30;
	v4 =	vor.u32 v4, v56;
	[tilespmem:$0x2A0] =	vst v2  }
0x2f: {  	v39 =	vand.u32 $0x7FFFFC00, v37;
	v49 =	vand.u32 $0x7FFFFC00, v47;
	v58 =	vor.u32 v6, v9;
	[tilespmem:$0x2C0] =	vst v4  }
0x30: {  	v57 =	vand.u32 $0x3FF, v43;
	v5 =	vand.u32 $0x7FFFFC00, v54;
	v63 =	vor.u32 v10, v12;
	[tilespmem:$0x2D0] =	vst v58  }
0x31: {  	v45 =	vld [tilespmem:$0x150];
	v6 =	vand.u32 $0x7FFFFC00, v59;
	v7 =	vand.u32 $0x3FF, v55;
	v25 =	vor.u32 v13, v15;
	[tilespmem:$0x300] =	vst v63  }
0x32: {  	v19 =	vld [tilespmem:$0x1B0];
	v10 =	vand.u32 $0x7FFFFC00, v21;
	v9 =	vand.u32 $0x3FF, v60;
	v3 =	vor.u32 v3, v5;
	[tilespmem:$0x330] =	vst v25  }
0x33: {  	v55 =	vshrl.u32 v43, $0x1;
	v60 =	vshrl.u32 v48, $0x1;
	v6 =	vor.u32 v8, v6;
	[tilespmem:$0x2B0] =	vst v3  }
0x34: {  	v7 =	vor.u32 v7, v61;
	v10 =	vor.u32 v11, v10;
	v9 =	vor.u32 v9, v23;
	[tilespmem:$0x2E0] =	vst v6  }
0x35: {  	v1 =	vand.u32 $0x7FFFFC00, v26;
	v2 =	vand.u32 $0x7FFFFC00, v29;
	v4 =	vand.u32 $0x7FFFFC00, v34;
	[tilespmem:$0x2F0] =	vst v7  }
0x36: {  	v5 =	vor.u32 v41, v39;
	v58 =	vshrl.u32 v45, $0x1;
	v61 =	vand.u32 $0x3FF, v45;
	[tilespmem:$0x310] =	vst v10  }
0x37: {  	v62 =	vand.u32 $0x7FFFFC00, v60;
	v63 =	vand.u32 $0x3FF, v48;
	v34 =	vand.u32 $0x3FF, v19;
	[tilespmem:$0x320] =	vst v9  }
0x38: {  	v16 =	vld [tilespmem:$0x1A0];
	v1 =	vor.u32 v28, v1;
	v3 =	vand.u32 $0x3FF, v22;
	v4 =	vor.u32 v36, v4;
	[tilespmem:$0x380] =	vst v5  }
0x39: {  	v56 =	vld [tilespmem:$0x180];
	v6 =	vand.u32 $0x7FFFFC00, v40;
	v7 =	vand.u32 $0x7FFFFC00, v44;
	v10 =	vand.u32 $0x7FFFFC00, v50;
	[tilespmem:$0x340] =	vst v1  }
0x3a: {  	v59 =	vld [tilespmem:$0x190];
	v17 =	vor.u32 v63, v62;
	v5 =	vand.u32 $0x7FFFFC00, v18;
	v2 =	vor.u32 v3, v2;
	[tilespmem:$0x370] =	vst v4  }
0x3b: {  	v26 =	vld [tilespmem:$0x1D0];
	v3 =	vor.u32 v32, v31;
	v6 =	vor.u32 v42, v6;
	v7 =	vor.u32 v46, v7;
	[tilespmem:$0x3F0] =	vst v17  }
0x3c: {  	v29 =	vld [tilespmem:$0x1E0];
	v1 =	vor.u32 v51, v49;
	v54 =	vor.u32 v52, v10;
	v5 =	vor.u32 v20, v5;
	[tilespmem:$0x350] =	vst v2  }
0x3d: {  	v39 =	vld [tilespmem:$0x210];
	v28 =	vshrl.u32 v16, $0x1;
	v30 =	vand.u32 $0x3FF, v16;
	v2 =	vand.u32 $0x7FFFFC00, v55;
	[tilespmem:$0x360] =	vst v3  }
0x3e: {  	v48 =	vld [tilespmem:$0x240];
	v31 =	vshrl.u32 v19, $0x1;
	v3 =	vand.u32 $0x7FFFFC00, v58;
	[tilespmem:$0x3A0] =	vst v7;
	v2 =	vor.u32 v57, v2  }
0x3f: {  	v22 =	vld [tilespmem:$0x1C0];
	[tilespmem:$0x3B0] =	vst v1;
	v3 =	vor.u32 v61, v3;
	v21 =	vshrl.u32 v56, $0x1;
	v24 =	vshrl.u32 v59, $0x1  }
0x40: {  	v1 =	vand.u32 $0x3FF, v56;
	v25 =	vand.u32 $0x3FF, v59;
	v23 =	vand.u32 $0x7FFFFC00, v21;
	[tilespmem:$0x3D0] =	vst v2  }
0x41: {  	v36 =	vld [tilespmem:$0x200];
	v7 =	vand.u32 $0x7FFFFC00, v24;
	v2 =	vand.u32 $0x7FFFFC00, v28;
	[tilespmem:$0x3E0] =	vst v3;
	v3 =	vand.u32 $0x7FFFFC00, v31  }
0x42: {  	v32 =	vld [tilespmem:$0x1F0];
	[tilespmem:$0x390] =	vst v6;
	v38 =	vshrl.u32 v26, $0x1;
	v40 =	vand.u32 $0x3FF, v26;
	v41 =	vshrl.u32 v29, $0x1  }
0x43: {  	[tilespmem:$0x3C0] =	vst v54;
	v51 =	vshrl.u32 v39, $0x1;
	v60 =	vshrl.u32 v48, $0x1;
	v1 =	vor.u32 v1, v23  }
0x44: {  	v42 =	vld [tilespmem:$0x220];
	[tilespmem:$0x400] =	vst v5;
	v27 =	vor.u32 v25, v7;
	v2 =	vor.u32 v30, v2;
	v33 =	vshrl.u32 v22, $0x1  }
0x45: {  	v35 =	vand.u32 $0x3FF, v22;
	v3 =	vor.u32 v34, v3;
	v43 =	vand.u32 $0x7FFFFC00, v41;
	[tilespmem:$0x410] =	vst v1  }
0x46: {  	v46 =	vld [tilespmem:$0x230];
	v47 =	vshrl.u32 v36, $0x1;
	v50 =	vand.u32 $0x3FF, v36;
	v53 =	vand.u32 $0x7FFFFC00, v51;
	[tilespmem:$0x420] =	vst v27  }
0x47: {  	v52 =	vld [tilespmem:$0x250];
	v7 =	vand.u32 $0x7FFFFC00, v33;
	v1 =	vand.u32 $0x7FFFFC00, v38;
	v44 =	vshrl.u32 v32, $0x1;
	[tilespmem:$0x430] =	vst v2  }
0x48: {  	v2 =	vand.u32 $0x3FF, v29;
	v45 =	vand.u32 $0x3FF, v32;
	[tilespmem:$0x440] =	vst v3;
	v37 =	vor.u32 v35, v7  }
0x49: {  	v49 =	vand.u32 $0x7FFFFC00, v47;
	v54 =	vshrl.u32 v42, $0x1;
	v1 =	vor.u32 v40, v1;
	[tilespmem:$0x450] =	vst v37  }
0x4a: {  	v58 =	vld [tilespmem:$0x270];
	v55 =	vand.u32 $0x3FF, v42;
	v6 =	vand.u32 $0x7FFFFC00, v44;
	v2 =	vor.u32 v2, v43;
	[tilespmem:$0x460] =	vst v1  }
0x4b: {  	v56 =	vld [tilespmem:$0x260];
	v57 =	vshrl.u32 v46, $0x1;
	v59 =	vand.u32 $0x3FF, v46;
	v3 =	vor.u32 v45, v6;
	[tilespmem:$0x470] =	vst v2  }
0x4c: {  	v61 =	vshrl.u32 v52, $0x1;
	v1 =	vor.u32 v50, v49;
	v2 =	vand.u32 $0x3FF, v39;
	[tilespmem:$0x480] =	vst v3  }
0x4d: {  	v62 =	vand.u32 $0x3FF, v52;
	v5 =	vand.u32 $0x7FFFFC00, v54;
	v2 =	vor.u32 v2, v53;
	[tilespmem:$0x490] =	vst v1  }
0x4e: {  	v4 =	vand.u32 $0x7FFFFC00, v61;
	v3 =	vor.u32 v55, v5;
	v1 =	vand.u32 $0x7FFFFC00, v57;
	[tilespmem:$0x4A0] =	vst v2  }
0x4f: {  	v1 =	vor.u32 v59, v1;
	v2 =	vand.u32 $0x7FFFFC00, v60;
	[tilespmem:$0x4B0] =	vst v3;
	v3 =	vand.u32 $0x3FF, v48  }
0x50: {  	v63 =	vshrl.u32 v58, $0x1;
	[tilespmem:$0x4C0] =	vst v1;
	v1 =	vor.u32 v3, v2;
	v3 =	vshrl.u32 v56, $0x1  }
0x51: {  	v2 =	vor.u32 v62, v4;
	[tilespmem:$0x4D0] =	vst v1;
	v1 =	vand.u32 $0x7FFFFC00, v3;
	v3 =	vand.u32 $0x3FF, v56  }
0x52: {  	[tilespmem:$0x4E0] =	vst v2;
	v2 =	vand.u32 $0x7FFFFC00, v63;
	v1 =	vor.u32 v3, v1;
	v3 =	vand.u32 $0x3FF, v58  }
0x53: {  	[tilespmem:$0x4F0] =	vst v1;
	v1 =	vor.u32 v3, v2  }
0x54: {  	[tilespmem:$0x500] =	vst v1  }
0x55: {  	[tilespmem:s10], [sflag:$0x1] =	stream.indirect.gather [hbm4b:s2+s8], $0x80, s9, s8, $0xb8;
	[tilespmem:$0x15510] =	vst v63  }
0x56: {  	_ = 	snop  }
0x57: {  	[tilespmem:s12], [sflag:$0x1] =	stream.indirect.gather [hbm4b:s2+s8], $0x80, s11, s8, $0xb8;
	[tilespmem:$0x15510] =	vst v63  }
0x58: {  	_ = 	snop  }
0x59: {  	[tilespmem:s14], [sflag:$0x1] =	stream.indirect.gather [hbm4b:s2+s8], $0x80, s13, s8, $0xb8;
	[tilespmem:$0x15510] =	vst v63  }
0x5a: {  	_ = 	snop  }
0x5b: {  	[tilespmem:s16], [sflag:$0x1] =	stream.indirect.gather [hbm4b:s2+s8], $0x80, s15, s8, $0xb8;
	[tilespmem:$0x15510] =	vst v63  }
0x5c: {  	_ = 	snop  }
0x5d: {  	[tilespmem:s18], [sflag:$0x1] =	stream.indirect.gather [hbm4b:s2+s8], $0x80, s17, s8, $0xb8;
	[tilespmem:$0x15510] =	vst v63  }
0x5e: {  	_ =	swait.ge [sflag:s19], $0x4000  }
0x5f: {  	[sflag:s19] =	ssyncset.done $0x0  }
0x60: {  	[sflag:s19] =	ssyncadd.s32 $0xFFFFC000  }
0x61: {  	_ =	swait.ge [sflag:s19], $0x4000  }
0x62: {  	[sflag:s19] =	ssyncset.done $0x0  }
0x63: {  	[sflag:s19] =	ssyncadd.s32 $0xFFFFC000  }
0x64: {  	_ =	swait.ge [sflag:s19], $0x4000  }
0x65: {  	[sflag:s19] =	ssyncset.done $0x0  }
0x66: {  	[sflag:s19] =	ssyncadd.s32 $0xFFFFC000  }
0x67: {  	_ =	swait.ge [sflag:s19], $0x4000  }
0x68: {  	[sflag:s19] =	ssyncset.done $0x0  }
0x69: {  	[sflag:s19] =	ssyncadd.s32 $0xFFFFC000  }
0x6a: {  	_ =	swait.ge [sflag:s19], $0x4000  }
0x6b: {  	s22 =	simm.s32 $0x14550;
	s23 =	simm.s32 $0xA;
	[sflag:s19] =	ssyncset.done $0x0  }
0x6c: {  	s24 =	simm.s32 $0x0;
	s25 =	simm.s32 $0x0;
	[sflag:s19] =	ssyncadd.s32 $0xFFFFC000  }
.LBB2_2:
0x6d: {  	v1 =	vld [tilespmem:s23+$0xFFFFFFF6];
	_ =	sdelay $0x1  }
0x6e: {  	v2 =	vld [tilespmem:s23+$0xFFFFFFF7];
	_ =	sdelay $0x1  }
0x6f: {  	v3 =	vld [tilespmem:s23+$0xFFFFFFF8]  }
0x70: {  	(v2sf) =	vpush v1, $0x0  }
0x71: {  	v1 =	vld [tilespmem:s23+$0xFFFFFFF9]  }
0x72: {  	(v2sf) =	vpush v2, $0x0;
	v2 =	vld [tilespmem:s23+$0xFFFFFFFA];
	_ =	sdelay $0x1  }
0x73: {  	(v2sf) =	vpush v3, $0x0  }
0x74: {  	v3 =	vld [tilespmem:s23+$0xFFFFFFFB]  }
0x75: {  	(v2sf) =	vpush v1, $0x0;
	v1 =	vld [tilespmem:s23+$0xFFFFFFFC]  }
0x76: {  	(v2sf) =	vpush v2, $0x0  }
0x77: {  	s26 =	sadd.s32 $0x8, s24;
	v2 =	vld [tilespmem:s23+$0xFFFFFFFD]  }
0x78: {  	s29 =	sand.u32 $0x4, s24;
	s26 =	sand.u32 $0x7F8, s26  }
0x79: {  	s28 =	sor.u32 s29, s26;
	(v2sf) =	vpush v3, $0x0  }
0x7a: {  	(v2sf) =	vpush v1, $0x0;
	v1 =	vld [tilespmem:s28+$0x0];
	_ =	sdelay $0x1  }
0x7b: {  	(v2sf) =	vpush v2, $0x0;
	v2 =	vld [tilespmem:s23+$0xFFFFFFFF];
	_ =	sdelay $0x1  }
0x7c: {  	v3 =	vld [tilespmem:s23+$0x0];
	s31 =	spop (v2sf)  }
0x7d: {  	(v2sf) =	vpush v1, $0x0;
	s26 =	sshrl.u32 s31, $0x4  }
0x7e: {  	v1 =	vld [tilespmem:s23+$0x1];
	s31 =	spop (v2sf);
	s30 =	sand.u32 $0x40, s26;
	s26 =	sshra.s32 s25, $0x2  }
0x7f: {  	(v2sf) =	vpush v2, $0x0;
	v2 =	vld [tilespmem:s23+$0x2];
	s31 =	sshrl.u32 s31, $0x4;
	s30 =	sadd.s32 s26, s30  }
0x80: {  	s1 =	spop (v2sf);
	v4 =	vld [tilespmem:s30+$0x510];
	s30 =	sand.u32 $0x40, s31  }
0x81: {  	(v2sf) =	vpush v3, $0x0;
	v3 =	vld [tilespmem:s23+$0x3];
	s31 =	sshrl.u32 s1, $0x4;
	s30 =	sadd.s32 s26, s30  }
0x82: {  	s1 =	spop (v2sf);
	v5 =	vld [tilespmem:s30+$0x590];
	s30 =	sand.u32 $0x40, s31  }
0x83: {  	(v2sf) =	vpush v1, $0x0;
	v1 =	vld [tilespmem:s23+$0x4];
	s31 =	sshrl.u32 s1, $0x4;
	s1 =	spop (v2sf);
	s30 =	sadd.s32 s26, s30  }
0x84: {  	v6 =	vld [tilespmem:s30+$0x610];
	s30 =	sand.u32 $0x40, s31;
	s31 =	sshrl.u32 s1, $0x4;
	s1 =	sadd.s32 $0x10, s24  }
0x85: {  	(v2sf) =	vpush v2, $0x0;
	v2 =	vld [tilespmem:s23+$0x5];
	s30 =	sadd.s32 s26, s30;
	v4 =	vadd.f32 $0.0e+00, v4;
	s1 =	sand.u32 $0x7F8, s1  }
0x86: {  	v7 =	vld [tilespmem:s30+$0x690];
	s30 =	sand.u32 $0x40, s31;
	s31 =	spop (v2sf);
	s29 =	sor.u32 s29, s1  }
0x87: {  	(v2sf) =	vpush v3, $0x0;
	s30 =	sadd.s32 s26, s30;
	s31 =	sshrl.u32 s31, $0x4;
	v4 =	vadd.f32 v5, v4;
	v3 =	vld [tilespmem:s29+$0x0]  }
0x88: {  	v8 =	vld [tilespmem:s30+$0x710];
	s30 =	sand.u32 $0x40, s31;
	s31 =	spop (v2sf)  }
0x89: {  	(v2sf) =	vpush v1, $0x0;
	v1 =	vld [tilespmem:s23+$0x7];
	s30 =	sadd.s32 s26, s30;
	s1 =	sshrl.u32 s31, $0x4;
	v4 =	vadd.f32 v6, v4  }
0x8a: {  	s31 =	spop (v2sf);
	v25 =	vld [tilespmem:s30+$0x790];
	s1 =	sand.u32 $0x40, s1  }
0x8b: {  	(v2sf) =	vpush v2, $0x0;
	v2 =	vld [tilespmem:s23+$0x8];
	s30 =	sshrl.u32 s31, $0x4;
	s1 =	sadd.s32 s26, s1;
	v4 =	vadd.f32 v7, v4  }
0x8c: {  	s30 =	sand.u32 $0x40, s30;
	s31 =	spop (v2sf);
	v26 =	vld [tilespmem:s1+$0x810]  }
0x8d: {  	s1 =	sadd.s32 s26, s30;
	s30 =	sshrl.u32 s31, $0x4;
	(v2sf) =	vpush v3, $0x0;
	v3 =	vld [tilespmem:s23+$0x9];
	v4 =	vadd.f32 v8, v4  }
0x8e: {  	s31 =	spop (v2sf);
	v27 =	vld [tilespmem:s1+$0x890];
	s1 =	sand.u32 $0x40, s30  }
0x8f: {  	s30 =	sshrl.u32 s31, $0x4;
	(v2sf) =	vpush v1, $0x0;
	s1 =	sadd.s32 s26, s1;
	v4 =	vadd.f32 v25, v4  }
0x90: {  	s31 =	spop (v2sf);
	v1 =	vld [tilespmem:s1+$0x910];
	s1 =	sand.u32 $0x40, s30  }
0x91: {  	(v2sf) =	vpush v2, $0x0;
	s30 =	sshrl.u32 s31, $0x4;
	s1 =	sadd.s32 s26, s1;
	v4 =	vadd.f32 v26, v4  }
0x92: {  	s31 =	spop (v2sf);
	v2 =	vld [tilespmem:s1+$0x990];
	s1 =	sand.u32 $0x40, s30  }
0x93: {  	s30 =	sshrl.u32 s31, $0x4;
	(v2sf) =	vpush v3, $0x0;
	s1 =	sadd.s32 s26, s1;
	v4 =	vadd.f32 v27, v4  }
0x94: {  	s31 =	spop (v2sf);
	v3 =	vld [tilespmem:s1+$0xA10];
	s1 =	sand.u32 $0x40, s30  }
0x95: {  	s30 =	sshrl.u32 s31, $0x4;
	s1 =	sadd.s32 s26, s1;
	v1 =	vadd.f32 v1, v4  }
0x96: {  	v28 =	vld [tilespmem:s1+$0xA90];
	s1 =	sand.u32 $0x40, s30;
	s31 =	spop (v2sf)  }
0x97: {  	s1 =	sadd.s32 s26, s1;
	s30 =	sshrl.u32 s31, $0x4;
	v1 =	vadd.f32 v2, v1  }
0x98: {  	v2 =	vld [tilespmem:s1+$0xB10];
	s1 =	sand.u32 $0x40, s30;
	s31 =	spop (v2sf)  }
0x99: {  	s1 =	sadd.s32 s26, s1;
	s30 =	sshrl.u32 s31, $0x4;
	v1 =	vadd.f32 v3, v1  }
0x9a: {  	s31 =	spop (v2sf);
	v3 =	vld [tilespmem:s1+$0xB90];
	s1 =	sand.u32 $0x40, s30  }
0x9b: {  	s30 =	sshrl.u32 s31, $0x4;
	s1 =	sadd.s32 s26, s1;
	v1 =	vadd.f32 v28, v1  }
0x9c: {  	v29 =	vld [tilespmem:s1+$0xC10];
	s1 =	sand.u32 $0x40, s30;
	s31 =	spop (v2sf)  }
0x9d: {  	s1 =	sadd.s32 s26, s1;
	s30 =	sshrl.u32 s31, $0x4;
	v1 =	vadd.f32 v2, v1  }
0x9e: {  	s31 =	spop (v2sf);
	v2 =	vld [tilespmem:s1+$0xC90];
	s1 =	sand.u32 $0x40, s30  }
0x9f: {  	s30 =	sshrl.u32 s31, $0x4;
	s1 =	sadd.s32 s26, s1;
	v1 =	vadd.f32 v3, v1  }
0xa0: {  	s31 =	spop (v2sf);
	v3 =	vld [tilespmem:s1+$0xD10];
	s1 =	sand.u32 $0x40, s30  }
0xa1: {  	s30 =	sshrl.u32 s31, $0x4;
	s1 =	sadd.s32 s26, s1;
	v1 =	vadd.f32 v29, v1  }
0xa2: {  	s31 =	spop (v2sf);
	v30 =	vld [tilespmem:s1+$0xD90];
	s1 =	sand.u32 $0x40, s30  }
0xa3: {  	s30 =	sshrl.u32 s31, $0x4;
	s1 =	sadd.s32 s26, s1;
	v1 =	vadd.f32 v2, v1  }
0xa4: {  	s31 =	sand.u32 $0x40, s30;
	v2 =	vld [tilespmem:s1+$0xE10]  }
0xa5: {  	s1 =	sadd.s32 s26, s31;
	v1 =	vadd.f32 v3, v1  }
0xa6: {  	v3 =	vld [tilespmem:s1+$0xE90]  }
0xa7: {  	v1 =	vadd.f32 v30, v1;
	_ =	sdelay $0x1  }
0xa8: {  	v1 =	vadd.f32 v2, v1;
	_ =	sdelay $0x1  }
0xa9: {  	v1 =	vadd.f32 v3, v1;
	_ =	sdelay $0x1  }
0xaa: {  	v1 =	vmul.f32 $5.000000070e-02, v1  }
0xab: {  	[tilespmem:s22+$0x0] =	vst v0  }
0xac: {  	[tilespmem:s22+$0xFFFFFFC0] =	vst v1  }
0xad: {  	v1 =	vld [tilespmem:s23+$0xFFFFFFF6];
	_ =	sdelay $0x1  }
0xae: {  	v2 =	vld [tilespmem:s23+$0xFFFFFFF7];
	_ =	sdelay $0x1  }
0xaf: {  	v3 =	vld [tilespmem:s23+$0xFFFFFFF8]  }
0xb0: {  	(v2sf) =	vpush v1, $0x0  }
0xb1: {  	v1 =	vld [tilespmem:s23+$0xFFFFFFF9]  }
0xb2: {  	(v2sf) =	vpush v2, $0x0  }
0xb3: {  	v2 =	vld [tilespmem:s23+$0xFFFFFFFA]  }
0xb4: {  	(v2sf) =	vpush v3, $0x0  }
0xb5: {  	v3 =	vld [tilespmem:s23+$0xFFFFFFFB]  }
0xb6: {  	(v2sf) =	vpush v1, $0x0;
	v1 =	vld [tilespmem:s23+$0xFFFFFFFC];
	_ =	sdelay $0x1  }
0xb7: {  	(v2sf) =	vpush v2, $0x0;
	v2 =	vld [tilespmem:s23+$0xFFFFFFFD];
	_ =	sdelay $0x1  }
0xb8: {  	(v2sf) =	vpush v3, $0x0  }
0xb9: {  	(v2sf) =	vpush v1, $0x0;
	v1 =	vld [tilespmem:s28+$0x0];
	_ =	sdelay $0x1  }
0xba: {  	(v2sf) =	vpush v2, $0x0;
	v2 =	vld [tilespmem:s23+$0xFFFFFFFF];
	_ =	sdelay $0x1  }
0xbb: {  	v3 =	vld [tilespmem:s23+$0x0];
	s30 =	spop (v2sf)  }
0xbc: {  	(v2sf) =	vpush v1, $0x0;
	s1 =	sshrl.u32 s30, $0x4  }
0xbd: {  	v1 =	vld [tilespmem:s23+$0x1];
	s31 =	spop (v2sf);
	s1 =	sand.u32 $0x40, s1  }
0xbe: {  	(v2sf) =	vpush v2, $0x0;
	v2 =	vld [tilespmem:s23+$0x2];
	s30 =	sshrl.u32 s31, $0x4;
	s1 =	sadd.s32 s26, s1  }
0xbf: {  	s31 =	spop (v2sf);
	v31 =	vld [tilespmem:s1+$0x520];
	s1 =	sand.u32 $0x40, s30  }
0xc0: {  	(v2sf) =	vpush v3, $0x0;
	v3 =	vld [tilespmem:s23+$0x3];
	s30 =	sshrl.u32 s31, $0x4;
	s1 =	sadd.s32 s26, s1  }
0xc1: {  	s31 =	spop (v2sf);
	v32 =	vld [tilespmem:s1+$0x5A0];
	s1 =	sand.u32 $0x40, s30  }
0xc2: {  	(v2sf) =	vpush v1, $0x0;
	v1 =	vld [tilespmem:s23+$0x4];
	s30 =	sshrl.u32 s31, $0x4;
	s1 =	sadd.s32 s26, s1  }
0xc3: {  	s31 =	spop (v2sf);
	v33 =	vld [tilespmem:s1+$0x620];
	s1 =	sand.u32 $0x40, s30  }
0xc4: {  	(v2sf) =	vpush v2, $0x0;
	v2 =	vld [tilespmem:s23+$0x5];
	s30 =	sshrl.u32 s31, $0x4;
	s1 =	sadd.s32 s26, s1;
	v4 =	vadd.f32 $0.0e+00, v31  }
0xc5: {  	s31 =	spop (v2sf);
	v34 =	vld [tilespmem:s1+$0x6A0];
	s1 =	sand.u32 $0x40, s30  }
0xc6: {  	(v2sf) =	vpush v3, $0x0;
	v3 =	vld [tilespmem:s29+$0x0];
	s30 =	sshrl.u32 s31, $0x4;
	s1 =	sadd.s32 s26, s1;
	v4 =	vadd.f32 v32, v4  }
0xc7: {  	s31 =	spop (v2sf);
	v35 =	vld [tilespmem:s1+$0x720];
	s1 =	sand.u32 $0x40, s30  }
0xc8: {  	(v2sf) =	vpush v1, $0x0;
	v1 =	vld [tilespmem:s23+$0x7];
	s30 =	sshrl.u32 s31, $0x4;
	s1 =	sadd.s32 s26, s1;
	v4 =	vadd.f32 v33, v4  }
0xc9: {  	s31 =	spop (v2sf);
	v36 =	vld [tilespmem:s1+$0x7A0];
	s1 =	sand.u32 $0x40, s30  }
0xca: {  	(v2sf) =	vpush v2, $0x0;
	v2 =	vld [tilespmem:s23+$0x8];
	s30 =	sshrl.u32 s31, $0x4;
	s1 =	sadd.s32 s26, s1;
	v4 =	vadd.f32 v34, v4  }
0xcb: {  	s30 =	sand.u32 $0x40, s30;
	s31 =	spop (v2sf);
	v37 =	vld [tilespmem:s1+$0x820]  }
0xcc: {  	(v2sf) =	vpush v3, $0x0;
	v3 =	vld [tilespmem:s23+$0x9];
	s1 =	sadd.s32 s26, s30;
	s30 =	sshrl.u32 s31, $0x4;
	v4 =	vadd.f32 v35, v4  }
0xcd: {  	s31 =	spop (v2sf);
	v38 =	vld [tilespmem:s1+$0x8A0];
	s1 =	sand.u32 $0x40, s30  }
0xce: {  	(v2sf) =	vpush v1, $0x0;
	s30 =	sshrl.u32 s31, $0x4;
	s1 =	sadd.s32 s26, s1;
	v4 =	vadd.f32 v36, v4  }
0xcf: {  	s31 =	spop (v2sf);
	v1 =	vld [tilespmem:s1+$0x920];
	s1 =	sand.u32 $0x40, s30  }
0xd0: {  	(v2sf) =	vpush v2, $0x0;
	s30 =	sshrl.u32 s31, $0x4;
	s1 =	sadd.s32 s26, s1;
	v4 =	vadd.f32 v37, v4  }
0xd1: {  	s31 =	spop (v2sf);
	v2 =	vld [tilespmem:s1+$0x9A0];
	s1 =	sand.u32 $0x40, s30  }
0xd2: {  	(v2sf) =	vpush v3, $0x0;
	s30 =	sshrl.u32 s31, $0x4;
	s1 =	sadd.s32 s26, s1;
	v4 =	vadd.f32 v38, v4  }
0xd3: {  	s31 =	spop (v2sf);
	v3 =	vld [tilespmem:s1+$0xA20];
	s1 =	sand.u32 $0x40, s30  }
0xd4: {  	s30 =	sshrl.u32 s31, $0x4;
	s1 =	sadd.s32 s26, s1;
	v1 =	vadd.f32 v1, v4  }
0xd5: {  	s31 =	spop (v2sf);
	v39 =	vld [tilespmem:s1+$0xAA0];
	s1 =	sand.u32 $0x40, s30  }
0xd6: {  	s30 =	sshrl.u32 s31, $0x4;
	s1 =	sadd.s32 s26, s1;
	v1 =	vadd.f32 v2, v1  }
0xd7: {  	s31 =	spop (v2sf);
	v2 =	vld [tilespmem:s1+$0xB20];
	s1 =	sand.u32 $0x40, s30  }
0xd8: {  	s30 =	sshrl.u32 s31, $0x4;
	s1 =	sadd.s32 s26, s1;
	v1 =	vadd.f32 v3, v1  }
0xd9: {  	s31 =	spop (v2sf);
	v3 =	vld [tilespmem:s1+$0xBA0];
	s1 =	sand.u32 $0x40, s30  }
0xda: {  	s30 =	sshrl.u32 s31, $0x4;
	s1 =	sadd.s32 s26, s1;
	v1 =	vadd.f32 v39, v1  }
0xdb: {  	s31 =	spop (v2sf);
	v40 =	vld [tilespmem:s1+$0xC20];
	s1 =	sand.u32 $0x40, s30  }
0xdc: {  	s30 =	sshrl.u32 s31, $0x4;
	s1 =	sadd.s32 s26, s1;
	v1 =	vadd.f32 v2, v1  }
0xdd: {  	s31 =	spop (v2sf);
	v2 =	vld [tilespmem:s1+$0xCA0];
	s1 =	sand.u32 $0x40, s30  }
0xde: {  	s30 =	sshrl.u32 s31, $0x4;
	s1 =	sadd.s32 s26, s1;
	v1 =	vadd.f32 v3, v1  }
0xdf: {  	s31 =	spop (v2sf);
	v3 =	vld [tilespmem:s1+$0xD20];
	s1 =	sand.u32 $0x40, s30  }
0xe0: {  	s30 =	sshrl.u32 s31, $0x4;
	s1 =	sadd.s32 s26, s1;
	v1 =	vadd.f32 v40, v1  }
0xe1: {  	s31 =	spop (v2sf);
	v41 =	vld [tilespmem:s1+$0xDA0];
	s1 =	sand.u32 $0x40, s30  }
0xe2: {  	s30 =	sshrl.u32 s31, $0x4;
	s1 =	sadd.s32 s26, s1;
	v1 =	vadd.f32 v2, v1  }
0xe3: {  	s31 =	sand.u32 $0x40, s30;
	v2 =	vld [tilespmem:s1+$0xE20]  }
0xe4: {  	s1 =	sadd.s32 s26, s31;
	v1 =	vadd.f32 v3, v1  }
0xe5: {  	v3 =	vld [tilespmem:s1+$0xEA0]  }
0xe6: {  	v1 =	vadd.f32 v41, v1;
	_ =	sdelay $0x1  }
0xe7: {  	v1 =	vadd.f32 v2, v1;
	_ =	sdelay $0x1  }
0xe8: {  	v1 =	vadd.f32 v3, v1;
	_ =	sdelay $0x1  }
0xe9: {  	v1 =	vmul.f32 $5.000000070e-02, v1  }
0xea: {  	[tilespmem:s22+$0x10] =	vst v0  }
0xeb: {  	[tilespmem:s22+$0xFFFFFFD0] =	vst v1  }
0xec: {  	v1 =	vld [tilespmem:s23+$0xFFFFFFF6];
	_ =	sdelay $0x1  }
0xed: {  	v2 =	vld [tilespmem:s23+$0xFFFFFFF7];
	_ =	sdelay $0x1  }
0xee: {  	v3 =	vld [tilespmem:s23+$0xFFFFFFF8]  }
0xef: {  	(v2sf) =	vpush v1, $0x0  }
0xf0: {  	v1 =	vld [tilespmem:s23+$0xFFFFFFF9]  }
0xf1: {  	(v2sf) =	vpush v2, $0x0  }
0xf2: {  	v2 =	vld [tilespmem:s23+$0xFFFFFFFA]  }
0xf3: {  	(v2sf) =	vpush v3, $0x0  }
0xf4: {  	v3 =	vld [tilespmem:s23+$0xFFFFFFFB]  }
0xf5: {  	(v2sf) =	vpush v1, $0x0;
	v1 =	vld [tilespmem:s23+$0xFFFFFFFC];
	_ =	sdelay $0x1  }
0xf6: {  	(v2sf) =	vpush v2, $0x0;
	v2 =	vld [tilespmem:s23+$0xFFFFFFFD];
	_ =	sdelay $0x1  }
0xf7: {  	(v2sf) =	vpush v3, $0x0  }
0xf8: {  	(v2sf) =	vpush v1, $0x0;
	v1 =	vld [tilespmem:s28+$0x0];
	_ =	sdelay $0x1  }
0xf9: {  	(v2sf) =	vpush v2, $0x0;
	v2 =	vld [tilespmem:s23+$0xFFFFFFFF];
	_ =	sdelay $0x1  }
0xfa: {  	v3 =	vld [tilespmem:s23+$0x0];
	s30 =	spop (v2sf)  }
0xfb: {  	(v2sf) =	vpush v1, $0x0;
	s1 =	sshrl.u32 s30, $0x4  }
0xfc: {  	v1 =	vld [tilespmem:s23+$0x1];
	s31 =	spop (v2sf);
	s1 =	sand.u32 $0x40, s1  }
0xfd: {  	(v2sf) =	vpush v2, $0x0;
	v2 =	vld [tilespmem:s23+$0x2];
	s30 =	sshrl.u32 s31, $0x4;
	s1 =	sadd.s32 s26, s1  }
0xfe: {  	s31 =	spop (v2sf);
	v42 =	vld [tilespmem:s1+$0x530];
	s1 =	sand.u32 $0x40, s30  }
0xff: {  	(v2sf) =	vpush v3, $0x0;
	v3 =	vld [tilespmem:s23+$0x3];
	s30 =	sshrl.u32 s31, $0x4;
	s1 =	sadd.s32 s26, s1  }
0x100: {  	s31 =	spop (v2sf);
	v43 =	vld [tilespmem:s1+$0x5B0];
	s1 =	sand.u32 $0x40, s30  }
0x101: {  	(v2sf) =	vpush v1, $0x0;
	v1 =	vld [tilespmem:s23+$0x4];
	s30 =	sshrl.u32 s31, $0x4;
	s1 =	sadd.s32 s26, s1  }
0x102: {  	s31 =	spop (v2sf);
	v44 =	vld [tilespmem:s1+$0x630];
	s1 =	sand.u32 $0x40, s30  }
0x103: {  	(v2sf) =	vpush v2, $0x0;
	v2 =	vld [tilespmem:s23+$0x5];
	s30 =	sshrl.u32 s31, $0x4;
	s1 =	sadd.s32 s26, s1;
	v4 =	vadd.f32 $0.0e+00, v42  }
0x104: {  	s31 =	spop (v2sf);
	v45 =	vld [tilespmem:s1+$0x6B0];
	s1 =	sand.u32 $0x40, s30  }
0x105: {  	(v2sf) =	vpush v3, $0x0;
	v3 =	vld [tilespmem:s29+$0x0];
	s30 =	sshrl.u32 s31, $0x4;
	s1 =	sadd.s32 s26, s1;
	v4 =	vadd.f32 v43, v4  }
0x106: {  	s31 =	spop (v2sf);
	v46 =	vld [tilespmem:s1+$0x730];
	s1 =	sand.u32 $0x40, s30  }
0x107: {  	(v2sf) =	vpush v1, $0x0;
	v1 =	vld [tilespmem:s23+$0x7];
	s30 =	sshrl.u32 s31, $0x4;
	s1 =	sadd.s32 s26, s1;
	v4 =	vadd.f32 v44, v4  }
0x108: {  	s31 =	spop (v2sf);
	v47 =	vld [tilespmem:s1+$0x7B0];
	s1 =	sand.u32 $0x40, s30  }
0x109: {  	(v2sf) =	vpush v2, $0x0;
	v2 =	vld [tilespmem:s23+$0x8];
	s30 =	sshrl.u32 s31, $0x4;
	s1 =	sadd.s32 s26, s1;
	v4 =	vadd.f32 v45, v4  }
0x10a: {  	s30 =	sand.u32 $0x40, s30;
	s31 =	spop (v2sf);
	v48 =	vld [tilespmem:s1+$0x830]  }
0x10b: {  	(v2sf) =	vpush v3, $0x0;
	v3 =	vld [tilespmem:s23+$0x9];
	s1 =	sadd.s32 s26, s30;
	s30 =	sshrl.u32 s31, $0x4;
	v4 =	vadd.f32 v46, v4  }
0x10c: {  	s31 =	spop (v2sf);
	v49 =	vld [tilespmem:s1+$0x8B0];
	s1 =	sand.u32 $0x40, s30  }
0x10d: {  	(v2sf) =	vpush v1, $0x0;
	s30 =	sshrl.u32 s31, $0x4;
	s1 =	sadd.s32 s26, s1;
	v4 =	vadd.f32 v47, v4  }
0x10e: {  	s31 =	spop (v2sf);
	v1 =	vld [tilespmem:s1+$0x930];
	s1 =	sand.u32 $0x40, s30  }
0x10f: {  	(v2sf) =	vpush v2, $0x0;
	s30 =	sshrl.u32 s31, $0x4;
	s1 =	sadd.s32 s26, s1;
	v4 =	vadd.f32 v48, v4  }
0x110: {  	s31 =	spop (v2sf);
	v2 =	vld [tilespmem:s1+$0x9B0];
	s1 =	sand.u32 $0x40, s30  }
0x111: {  	(v2sf) =	vpush v3, $0x0;
	s30 =	sshrl.u32 s31, $0x4;
	s1 =	sadd.s32 s26, s1;
	v4 =	vadd.f32 v49, v4  }
0x112: {  	s31 =	spop (v2sf);
	v3 =	vld [tilespmem:s1+$0xA30];
	s1 =	sand.u32 $0x40, s30  }
0x113: {  	s30 =	sshrl.u32 s31, $0x4;
	s1 =	sadd.s32 s26, s1;
	v1 =	vadd.f32 v1, v4  }
0x114: {  	s31 =	spop (v2sf);
	v50 =	vld [tilespmem:s1+$0xAB0];
	s1 =	sand.u32 $0x40, s30  }
0x115: {  	s30 =	sshrl.u32 s31, $0x4;
	s1 =	sadd.s32 s26, s1;
	v1 =	vadd.f32 v2, v1  }
0x116: {  	s31 =	spop (v2sf);
	v2 =	vld [tilespmem:s1+$0xB30];
	s1 =	sand.u32 $0x40, s30  }
0x117: {  	s30 =	sshrl.u32 s31, $0x4;
	s1 =	sadd.s32 s26, s1;
	v1 =	vadd.f32 v3, v1  }
0x118: {  	s31 =	spop (v2sf);
	v3 =	vld [tilespmem:s1+$0xBB0];
	s1 =	sand.u32 $0x40, s30  }
0x119: {  	s30 =	sshrl.u32 s31, $0x4;
	s1 =	sadd.s32 s26, s1;
	v1 =	vadd.f32 v50, v1  }
0x11a: {  	s31 =	spop (v2sf);
	v51 =	vld [tilespmem:s1+$0xC30];
	s1 =	sand.u32 $0x40, s30  }
0x11b: {  	s30 =	sshrl.u32 s31, $0x4;
	s1 =	sadd.s32 s26, s1;
	v1 =	vadd.f32 v2, v1  }
0x11c: {  	s31 =	spop (v2sf);
	v2 =	vld [tilespmem:s1+$0xCB0];
	s1 =	sand.u32 $0x40, s30  }
0x11d: {  	s30 =	sshrl.u32 s31, $0x4;
	s1 =	sadd.s32 s26, s1;
	v1 =	vadd.f32 v3, v1  }
0x11e: {  	s31 =	spop (v2sf);
	v3 =	vld [tilespmem:s1+$0xD30];
	s1 =	sand.u32 $0x40, s30  }
0x11f: {  	s30 =	sshrl.u32 s31, $0x4;
	s1 =	sadd.s32 s26, s1;
	v1 =	vadd.f32 v51, v1  }
0x120: {  	s31 =	spop (v2sf);
	v52 =	vld [tilespmem:s1+$0xDB0];
	s1 =	sand.u32 $0x40, s30  }
0x121: {  	s30 =	sshrl.u32 s31, $0x4;
	s1 =	sadd.s32 s26, s1;
	v1 =	vadd.f32 v2, v1  }
0x122: {  	s31 =	sand.u32 $0x40, s30;
	v2 =	vld [tilespmem:s1+$0xE30]  }
0x123: {  	s1 =	sadd.s32 s26, s31;
	v1 =	vadd.f32 v3, v1  }
0x124: {  	v3 =	vld [tilespmem:s1+$0xEB0]  }
0x125: {  	v1 =	vadd.f32 v52, v1;
	_ =	sdelay $0x1  }
0x126: {  	v1 =	vadd.f32 v2, v1;
	_ =	sdelay $0x1  }
0x127: {  	v1 =	vadd.f32 v3, v1;
	_ =	sdelay $0x1  }
0x128: {  	v1 =	vmul.f32 $5.000000070e-02, v1  }
0x129: {  	[tilespmem:s22+$0x20] =	vst v0  }
0x12a: {  	[tilespmem:s22+$0xFFFFFFE0] =	vst v1  }
0x12b: {  	v1 =	vld [tilespmem:s23+$0xFFFFFFF6];
	_ =	sdelay $0x1  }
0x12c: {  	v2 =	vld [tilespmem:s23+$0xFFFFFFF7];
	_ =	sdelay $0x1  }
0x12d: {  	v3 =	vld [tilespmem:s23+$0xFFFFFFF8]  }
0x12e: {  	(v2sf) =	vpush v1, $0x0  }
0x12f: {  	v1 =	vld [tilespmem:s23+$0xFFFFFFF9]  }
0x130: {  	(v2sf) =	vpush v2, $0x0  }
0x131: {  	v2 =	vld [tilespmem:s23+$0xFFFFFFFA]  }
0x132: {  	(v2sf) =	vpush v3, $0x0  }
0x133: {  	v3 =	vld [tilespmem:s23+$0xFFFFFFFB]  }
0x134: {  	(v2sf) =	vpush v1, $0x0;
	v1 =	vld [tilespmem:s23+$0xFFFFFFFC];
	_ =	sdelay $0x1  }
0x135: {  	(v2sf) =	vpush v2, $0x0;
	v2 =	vld [tilespmem:s23+$0xFFFFFFFD];
	_ =	sdelay $0x1  }
0x136: {  	(v2sf) =	vpush v3, $0x0  }
0x137: {  	(v2sf) =	vpush v1, $0x0;
	v1 =	vld [tilespmem:s28+$0x0];
	_ =	sdelay $0x1  }
0x138: {  	(v2sf) =	vpush v2, $0x0;
	v2 =	vld [tilespmem:s23+$0xFFFFFFFF];
	_ =	sdelay $0x1  }
0x139: {  	v3 =	vld [tilespmem:s23+$0x0];
	s28 =	spop (v2sf)  }
0x13a: {  	(v2sf) =	vpush v1, $0x0;
	s1 =	sshrl.u32 s28, $0x4  }
0x13b: {  	v1 =	vld [tilespmem:s23+$0x1];
	s30 =	spop (v2sf);
	s1 =	sand.u32 $0x40, s1  }
0x13c: {  	(v2sf) =	vpush v2, $0x0;
	v2 =	vld [tilespmem:s23+$0x2];
	s28 =	sshrl.u32 s30, $0x4;
	s1 =	sadd.s32 s26, s1  }
0x13d: {  	s30 =	spop (v2sf);
	s31 =	sand.u32 $0x40, s28;
	v53 =	vld [tilespmem:s1+$0x540]  }
0x13e: {  	(v2sf) =	vpush v3, $0x0;
	v3 =	vld [tilespmem:s23+$0x3];
	s28 =	sshrl.u32 s30, $0x4;
	s1 =	sadd.s32 s26, s31  }
0x13f: {  	s31 =	sand.u32 $0x40, s28;
	v54 =	vld [tilespmem:s1+$0x5C0];
	s30 =	spop (v2sf)  }
0x140: {  	s1 =	sadd.s32 s26, s31;
	(v2sf) =	vpush v1, $0x0;
	v1 =	vld [tilespmem:s23+$0x4];
	s28 =	sshrl.u32 s30, $0x4  }
0x141: {  	v55 =	vld [tilespmem:s1+$0x640];
	s30 =	spop (v2sf);
	s31 =	sand.u32 $0x40, s28  }
0x142: {  	(v2sf) =	vpush v2, $0x0;
	v2 =	vld [tilespmem:s23+$0x5];
	s28 =	sshrl.u32 s30, $0x4;
	s1 =	sadd.s32 s26, s31;
	v4 =	vadd.f32 $0.0e+00, v53  }
0x143: {  	s30 =	spop (v2sf);
	s31 =	sand.u32 $0x40, s28;
	v56 =	vld [tilespmem:s1+$0x6C0]  }
0x144: {  	(v2sf) =	vpush v3, $0x0;
	v3 =	vld [tilespmem:s29+$0x0];
	s28 =	sshrl.u32 s30, $0x4;
	s1 =	sadd.s32 s26, s31;
	v4 =	vadd.f32 v54, v4  }
0x145: {  	s31 =	sand.u32 $0x40, s28;
	v57 =	vld [tilespmem:s1+$0x740];
	s30 =	spop (v2sf)  }
0x146: {  	s1 =	sadd.s32 s26, s31;
	(v2sf) =	vpush v1, $0x0;
	v1 =	vld [tilespmem:s23+$0x7];
	s28 =	sshrl.u32 s30, $0x4;
	s29 =	spop (v2sf);
	v4 =	vadd.f32 v55, v4  }
0x147: {  	v58 =	vld [tilespmem:s1+$0x7C0];
	s31 =	sand.u32 $0x40, s28;
	s28 =	sshrl.u32 s29, $0x4  }
0x148: {  	(v2sf) =	vpush v2, $0x0;
	v2 =	vld [tilespmem:s23+$0x8];
	s1 =	sadd.s32 s26, s31;
	s30 =	sand.u32 $0x40, s28;
	v4 =	vadd.f32 v56, v4  }
0x149: {  	v59 =	vld [tilespmem:s1+$0x840];
	s1 =	sadd.s32 s26, s30;
	s31 =	spop (v2sf)  }
0x14a: {  	v60 =	vld [tilespmem:s1+$0x8C0];
	(v2sf) =	vpush v3, $0x0;
	s28 =	sshrl.u32 s31, $0x4;
	v4 =	vadd.f32 v57, v4  }
0x14b: {  	v3 =	vld [tilespmem:s23+$0x9];
	s29 =	spop (v2sf);
	s1 =	sand.u32 $0x40, s28  }
0x14c: {  	(v2sf) =	vpush v1, $0x0;
	s28 =	sshrl.u32 s29, $0x4;
	s1 =	sadd.s32 s26, s1;
	v4 =	vadd.f32 v58, v4  }
0x14d: {  	s31 =	spop (v2sf);
	s30 =	sand.u32 $0x40, s28;
	v1 =	vld [tilespmem:s1+$0x940]  }
0x14e: {  	(v2sf) =	vpush v2, $0x0;
	s28 =	sshrl.u32 s31, $0x4;
	s1 =	sadd.s32 s26, s30;
	v4 =	vadd.f32 v59, v4  }
0x14f: {  	s29 =	sand.u32 $0x40, s28;
	v2 =	vld [tilespmem:s1+$0x9C0];
	s30 =	spop (v2sf)  }
0x150: {  	s1 =	sadd.s32 s26, s29;
	(v2sf) =	vpush v3, $0x0;
	s28 =	sshrl.u32 s30, $0x4;
	v4 =	vadd.f32 v60, v4  }
0x151: {  	s31 =	spop (v2sf);
	v3 =	vld [tilespmem:s1+$0xA40];
	s28 =	sand.u32 $0x40, s28  }
0x152: {  	s30 =	sshrl.u32 s31, $0x4;
	s1 =	sadd.s32 s26, s28;
	v1 =	vadd.f32 v1, v4  }
0x153: {  	s31 =	spop (v2sf);
	s28 =	sand.u32 $0x40, s30;
	v61 =	vld [tilespmem:s1+$0xAC0]  }
0x154: {  	s30 =	sshrl.u32 s31, $0x4;
	s1 =	sadd.s32 s26, s28;
	v1 =	vadd.f32 v2, v1  }
0x155: {  	s28 =	sand.u32 $0x40, s30;
	s31 =	spop (v2sf);
	v2 =	vld [tilespmem:s1+$0xB40]  }
0x156: {  	s30 =	sshrl.u32 s31, $0x4;
	s1 =	sadd.s32 s26, s28;
	v1 =	vadd.f32 v3, v1  }
0x157: {  	s31 =	spop (v2sf);
	s28 =	sand.u32 $0x40, s30;
	v3 =	vld [tilespmem:s1+$0xBC0]  }
0x158: {  	s30 =	sshrl.u32 s31, $0x4;
	s1 =	sadd.s32 s26, s28;
	v1 =	vadd.f32 v61, v1  }
0x159: {  	s28 =	sand.u32 $0x40, s30;
	s31 =	spop (v2sf);
	v62 =	vld [tilespmem:s1+$0xC40]  }
0x15a: {  	s1 =	sadd.s32 s26, s28;
	s30 =	sshrl.u32 s31, $0x4;
	v1 =	vadd.f32 v2, v1  }
0x15b: {  	s31 =	spop (v2sf);
	s28 =	sand.u32 $0x40, s30;
	v2 =	vld [tilespmem:s1+$0xCC0]  }
0x15c: {  	s30 =	sshrl.u32 s31, $0x4;
	s1 =	sadd.s32 s26, s28;
	v1 =	vadd.f32 v3, v1  }
0x15d: {  	s31 =	spop (v2sf);
	s30 =	sand.u32 $0x40, s30;
	v3 =	vld [tilespmem:s1+$0xD40]  }
0x15e: {  	s31 =	sshrl.u32 s31, $0x4;
	s1 =	sadd.s32 s26, s30;
	v1 =	vadd.f32 v62, v1  }
0x15f: {  	s29 =	sand.u32 $0x40, s31;
	s30 =	spop (v2sf);
	v63 =	vld [tilespmem:s1+$0xDC0]  }
0x160: {  	s1 =	sadd.s32 s26, s29;
	s28 =	sshrl.u32 s30, $0x4;
	v1 =	vadd.f32 v2, v1  }
0x161: {  	s31 =	sand.u32 $0x40, s28;
	v2 =	vld [tilespmem:s1+$0xE40]  }
0x162: {  	s1 =	sadd.s32 s26, s31;
	v1 =	vadd.f32 v3, v1  }
0x163: {  	v3 =	vld [tilespmem:s1+$0xEC0]  }
0x164: {  	v1 =	vadd.f32 v63, v1;
	_ =	sdelay $0x1  }
0x165: {  	v1 =	vadd.f32 v2, v1  }
0x166: {  	p0 =	sne.s32 s25, $0x4D800  }
.Ltmp0:
0x167: {  	v1 =	vadd.f32 v3, v1;
	(pc) =	sbr.rel @p0 .LBB2_2-.Ltmp0, $4  }
0x168: {  	_ = 	snop  }
0x169: {  	v1 =	vmul.f32 $5.000000070e-02, v1  }
0x16a: {  	s25 =	sadd.s32 $0x2800, s25;
	[tilespmem:s22+$0x30] =	vst v0  }
0x16b: {  	s24 =	sadd.s32 $0x14, s24;
	s23 =	sadd.s32 $0x14, s23;
	[tilespmem:s22+$0xFFFFFFF0] =	vst v1;
	s22 =	sadd.s32 $0x80, s22  }
0x16c: {  	s21 =	sadd.s32 $0x1, s21  }
0x16d: {  	p0 =	sne.s32 s21, s6  }
.Ltmp1:
0x16e: {  	_ = 	snop;
	(pc) =	sbr.rel @p0 .LBB2_1-.Ltmp1, $4  }
0x16f: {  	[hbm4b:s5+s3] =	stream.linear.scatter [tilespmem:s20], [sflag:$0x2], $0x1000, $0x38;
	[tilespmem:$0x15510] =	vst v63  }
0x170: {  	_ =	swait.ge [sflag:s7], $0x1000  }
0x171: {  	[sflag:s7] =	ssyncset.done $0x0  }
0x172: {  	[sflag:s7] =	ssyncadd.s32 $0xFFFFF000  }
0x173: {  	_ =	sfence.sel $0x180000  }
0x174: {  	[bflag:$0x0] =	sbarrier.arrive $0xFFFF  }
0x175: {  	_ =	strace $0x90000047  }
0x176: {  	[bflag:$0x2] =	sbarrier.arrive $0xFFFF  }
0x177: {  	p0 =	sne.s32 s0, $0x0;
	s0 =	rddreg [dreg:$0x2]  }
0x178: {  	s0 =	sadd.s32 @!p0 $0x100000, s0  }
0x179: {  	[sflag:s0] =	ssyncadd.tile.s32 @!p0 $0x1;
	_ =	shalt  }
.Lfunc_end2:
_tile_overlayer_lowered:
.L_overlay_start_2:
0x17a: {  	(tag) =	ssettag $0x2  }
0x17b: {  	s0 =	rddreg [dreg:$0x0];
	s2 =	stileid.u32  }
0x17c: {  	s1 =	rddreg [dreg:$0x1];
	p0 =	sne.s32 s2, $0x0  }
0x17d: {  	s3 =	rddreg [dreg:$0x2];
	[bflag:$0x3] =	sbarrier.arrive $0xFFFF;
	s2 =	simm.s32 @!p0 $0x1C02  }
0x17e: {  	[timem:s3], [sflag:s2] =	dma.local @!p0 [hbm:s0], s1  }
0x17f: {  	s0 =	simm.s32 @!p0 $0x2  }
0x180: {  	_ =	swait.ge @!p0 [sflag:s0], s1  }
0x181: {  	s1 =	ssub.s32 @!p0 $0x0, s1;
	[sflag:s0] =	ssyncset.done @!p0 $0x0  }
0x182: {  	[sflag:s0] =	ssyncadd.s32 @!p0 s1  }
0x183: {  	[bflag:$0x3] =	sbarrier.arrive $0xFFFF  }
0x184: {  	_ =	shalt  }

</sc_bundles>
